<compile_context>
chip_gen: v7x
topology: tpu7x:2x2x1
jax: 0.10.2.dev20260603
libtpu: 0.0.44.dev20260713+nightly
codegen_flags: <defaults>
</compile_context>

<pallas_src>
import functools

import jax
import jax.numpy as jnp
from jax import lax
from jax.experimental import pallas as pl
from jax.experimental.pallas import tpu as pltpu
from jax.experimental.pallas import tpu_sc as plsc

B, A, C = 32, 20000, 81
TA = 1024
NB = (A + TA - 1) // TA
NEG_POS_RATIO = 3
ALPHA = 1.0
L = 16
NB1, SH1 = 2048, 20
NB2, SH2 = 1024, 10


def _phase1_body(conf_ref, lab_ref, loc_ref, gtl_ref, cln_ref, part_ref):
    j = pl.program_id(0)
    lab = lab_ref[...]
    aidx = j * TA + lax.broadcasted_iota(jnp.int32, (B, TA), 1)
    valid = aidx < A

    m = conf_ref[0]
    for c in range(1, C):
        m = jnp.maximum(m, conf_ref[c])
    s = jnp.zeros((B, TA), jnp.float32)
    g = jnp.zeros((B, TA), jnp.float32)
    for c in range(C):
        x = conf_ref[c]
        s = s + jnp.exp(x - m)
        g = g + jnp.where(lab == c, x, 0.0)
    lse = jnp.log(s) + m
    closs = lse - g
    pos = (lab > 0) & valid
    cln_ref[...] = jnp.where((lab == 0) & valid, closs, 0.0)

    d = loc_ref[...] - gtl_ref[...]
    ad = jnp.abs(d)
    sl1 = jnp.sum(jnp.where(ad < 1.0, 0.5 * d * d, ad - 0.5), axis=1)
    np_row = jnp.sum(pos.astype(jnp.float32), axis=1)
    ps_row = jnp.sum(jnp.where(pos, closs, 0.0), axis=1)
    lc_row = jnp.sum(jnp.where(pos, sl1, 0.0), axis=1)

    il = lax.broadcasted_iota(jnp.int32, (B, 128), 1)
    vals = (jnp.where(il == 0, np_row[:, None], 0.0)
            + jnp.where(il == 1, ps_row[:, None], 0.0)
            + jnp.where(il == 2, lc_row[:, None], 0.0))

    @pl.when(j == 0)
    def _():
        part_ref[...] = vals

    @pl.when(j > 0)
    def _():
        part_ref[...] += vals


def _iota16():
    return lax.broadcasted_iota(jnp.int32, (L,), 0)


def _scan_hist(hc_ref, hs_ref, nbins, target, acc0_c, acc0_s):
    nch = nbins // L

    def chunk_tot(c):
        return (jnp.sum(hc_ref[pl.ds(c * L, L)]),
                jnp.sum(hs_ref[pl.ds(c * L, L)]))

    def body(t, carry):
        acc_c, acc_s, c_sel, acc_sel_c, acc_sel_s, found = carry
        c = nch - 1 - t
        s_c, t_c = chunk_tot(c)
        new_acc = acc_c + s_c
        hit = jnp.logical_and(jnp.logical_not(found), new_acc >= target)
        c_sel = jnp.where(hit, c, c_sel)
        acc_sel_c = jnp.where(hit, acc_c, acc_sel_c)
        acc_sel_s = jnp.where(hit, acc_s, acc_sel_s)
        return (new_acc, acc_s + t_c, c_sel, acc_sel_c, acc_sel_s,
                jnp.logical_or(found, hit))

    init = (acc0_c, acc0_s, jnp.int32(0), acc0_c, acc0_s, False)
    _, _, c_sel, acc_sel_c, acc_sel_s, _ = lax.fori_loop(0, nch, body, init)

    cnt_ch = hc_ref[pl.ds(c_sel * L, L)]
    sum_ch = hs_ref[pl.ds(c_sel * L, L)]
    pc = plsc.cumsum(cnt_ch)
    ps = plsc.cumsum(sum_ch)
    s_c = jnp.sum(cnt_ch)
    t_c = jnp.sum(sum_ch)
    io = _iota16()
    inc = acc_sel_c + (s_c - pc) + cnt_ch
    i_star = jnp.max(jnp.where(inc >= target, io, -1))
    sel = io == i_star
    pc_i = jnp.sum(jnp.where(sel, pc, 0.0))
    ps_i = jnp.sum(jnp.where(sel, ps, 0.0))
    cnt_in = jnp.sum(jnp.where(sel, cnt_ch, 0.0))
    sum_in = jnp.sum(jnp.where(sel, sum_ch, 0.0))
    cnt_above = acc_sel_c + s_c - pc_i
    sum_above = acc_sel_s + t_c - ps_i
    return cnt_above, sum_above, cnt_in, sum_in, c_sel * L + i_star


def _phase2_sc_body(cln_hbm, k_hbm, out_hbm,
                    vrow, kv, h16c, h16s, vout):
    wid = lax.axis_index("s") * 2 + lax.axis_index("c")
    pltpu.sync_copy(cln_hbm.at[wid], vrow)
    pltpu.sync_copy(k_hbm, kv)

    io = _iota16()
    klo = kv[pl.ds(0, L)]
    khi = kv[pl.ds(L, L)]
    ksel = jnp.where(wid < L, klo, khi).astype(jnp.float32)
    lane = wid - jnp.where(wid < L, 0, L)
    k_f = jnp.sum(jnp.where(io == lane, ksel, 0.0))

    zeros = jnp.zeros((L,), jnp.float32)

    def zinit(ref, nwords):
        @plsc.parallel_loop(0, nwords // L, unroll=8)
        def _(c):
            ref[pl.ds(c * L, L)] = zeros

    def merge(ref, nbins):
        @plsc.parallel_loop(0, nbins // L, unroll=2)
        def _(c):
            acc = ref[pl.ds(c * L, L)]
            for l in range(1, L):
                acc = acc + ref[pl.ds(l * nbins + c * L, L)]
            ref[pl.ds(c * L, L)] = acc

    ones = jnp.ones((L,), jnp.float32)
    nchunks = A // L
    laneoff1 = io * NB1
    laneoff2 = io * NB2

    zinit(h16c, NB1 * L)
    zinit(h16s, NB1 * L)

    @plsc.parallel_loop(0, nchunks, unroll=10)
    def _(i):
        x = vrow[pl.ds(i * L, L)]
        xb = plsc.bitcast(x, jnp.int32)
        idx = laneoff1 + lax.shift_right_logical(xb, SH1)
        plsc.addupdate_scatter(h16c, [idx], ones)
        plsc.addupdate_scatter(h16s, [idx], x)
    merge(h16c, NB1)
    merge(h16s, NB1)

    cnt_ab1, sum_ab1, _, _, b1 = _scan_hist(h16c, h16s, NB1, k_f,
                                            jnp.float32(0), jnp.float32(0))
    k_rem = k_f - cnt_ab1

    zinit(h16c, NB2 * L)
    zinit(h16s, NB2 * L)

    @plsc.parallel_loop(0, nchunks, unroll=10)
    def _(i):
        x = vrow[pl.ds(i * L, L)]
        xb = plsc.bitcast(x, jnp.int32)
        cand = lax.shift_right_logical(xb, SH1) == b1
        idx = laneoff2 + jnp.bitwise_and(lax.shift_right_logical(xb, SH2),
                                         NB2 - 1)
        plsc.addupdate_scatter(h16c, [idx], ones, mask=cand)
        plsc.addupdate_scatter(h16s, [idx], x, mask=cand)
    merge(h16c, NB2)
    merge(h16s, NB2)

    cnt_ab2, sum_ab2, cnt_in2, sum_in2, _ = _scan_hist(
        h16c, h16s, NB2, k_rem, jnp.float32(0), jnp.float32(0))

    zf = jnp.zeros((L,), jnp.float32)
    avg_vec = (zf + sum_in2) / (zf + cnt_in2)
    res_vec = (sum_ab1 + sum_ab2) + (k_rem - cnt_ab2) * avg_vec
    res_vec = jnp.where(k_f > 0, res_vec, zf)
    vout[...] = res_vec
    pltpu.sync_copy(vout, out_hbm.at[wid])


@functools.partial(
    pl.kernel,
    mesh=plsc.VectorSubcoreMesh(core_axis_name="c", subcore_axis_name="s"),
    out_type=jax.ShapeDtypeStruct((B, L), jnp.float32),
    scratch_types=[
        pltpu.VMEM((A,), jnp.float32),
        pltpu.VMEM((B,), jnp.int32),
        pltpu.VMEM((NB1 * L,), jnp.float32),
        pltpu.VMEM((NB1 * L,), jnp.float32),
        pltpu.VMEM((L,), jnp.float32),
    ],
    compiler_params=pltpu.CompilerParams(needs_layout_passes=False),
)
def _phase2_sc(cln_hbm, k_hbm, out_hbm, vrow, kv, h16c, h16s, vout):
    _phase2_sc_body(cln_hbm, k_hbm, out_hbm, vrow, kv, h16c, h16s, vout)


@jax.jit
def kernel(confidences, locations, gt_labels, gt_locations):
    conf_t = jnp.transpose(confidences, (2, 0, 1))
    loc_t = jnp.transpose(locations, (0, 2, 1))
    gtl_t = jnp.transpose(gt_locations, (0, 2, 1))

    cln, parts = pl.pallas_call(
        _phase1_body,
        grid=(NB,),
        in_specs=[
            pl.BlockSpec((C, B, TA), lambda j: (0, 0, j)),
            pl.BlockSpec((B, TA), lambda j: (0, j)),
            pl.BlockSpec((B, 4, TA), lambda j: (0, 0, j)),
            pl.BlockSpec((B, 4, TA), lambda j: (0, 0, j)),
        ],
        out_specs=[
            pl.BlockSpec((B, TA), lambda j: (0, j)),
            pl.BlockSpec((B, 128), lambda j: (0, 0)),
        ],
        out_shape=[
            jax.ShapeDtypeStruct((B, A), jnp.float32),
            jax.ShapeDtypeStruct((B, 128), jnp.float32),
        ],
    )(conf_t, gt_labels, loc_t, gtl_t)

    num_pos = parts[:, 0]
    pos_conf = parts[:, 1]
    loc_loss = jnp.sum(parts[:, 2])

    np_i = num_pos.astype(jnp.int32)
    num_neg = jnp.minimum(NEG_POS_RATIO * np_i, A - np_i)

    topk = _phase2_sc(cln, num_neg)[:, 0]

    conf_sum = jnp.sum(pos_conf) + jnp.sum(topk)
    total = (loc_loss + ALPHA * conf_sum) / jnp.sum(num_pos)
    return total

# --- scband reference (transcript-rebuilt; emitter-appended) ---
"""Pipeline reference for scband-multi-box-loss-1486058684466 (READ-ONLY COPY).

The authoritative reference and input builder live on the scoring server;
editing this copy changes nothing except your own understanding.
"""

import jax, jax.numpy as jnp
import numpy as np

ALPHA = 1.0
NEG_POS_RATIO = 3


def setup_inputs(seed: int = 0) -> dict:
    key = jax.random.key(seed)
    k1, k2, k3, k4 = jax.random.split(key, 4)
    B, A, C = 32, 20000, 81
    return {
        "confidences": jax.random.normal(k1, (B, A, C), dtype=jnp.float32),
        "locations": jax.random.normal(k2, (B, A, 4), dtype=jnp.float32),
        "gt_labels": jax.random.randint(k3, (B, A), 0, 81, dtype=jnp.int32),
        "gt_locations": jax.random.normal(k4, (B, A, 4), dtype=jnp.float32),
    }


def reference(confidences, locations, gt_labels, gt_locations):
    pos_mask = gt_labels > 0
    # localization loss: smooth_l1 (beta=1) over positive anchors, summed
    d = locations - gt_locations
    ad = jnp.abs(d)
    sl1 = jnp.where(ad < 1.0, 0.5 * d * d, ad - 0.5)
    loc_loss = jnp.sum(sl1 * pos_mask[..., None].astype(sl1.dtype))
    # per-anchor cross entropy: logsumexp(logits) - logits[gt_label]
    lse = jax.nn.logsumexp(confidences, axis=-1)
    gathered = jnp.take_along_axis(confidences, gt_labels[..., None].astype(jnp.int32), axis=-1)[..., 0]
    conf_loss = lse - gathered
    # hard negative mining
    neg_mask0 = gt_labels == 0
    num_pos = jnp.sum(pos_mask.astype(jnp.int32), axis=1, keepdims=True)
    num_neg = jnp.minimum(NEG_POS_RATIO * num_pos, jnp.sum(neg_mask0.astype(jnp.int32), axis=1, keepdims=True))
    conf_loss_neg = jnp.where(pos_mask, 0.0, conf_loss)
    order = jnp.argsort(-conf_loss_neg, axis=1)      # descending sort indices
    rank = jnp.argsort(order, axis=1)                # rank of each position in descending order
    neg_mask = rank < num_neg                        # top-num_neg hardest negatives per row
    final_mask = pos_mask | neg_mask
    conf_sum = jnp.sum(conf_loss * final_mask.astype(conf_loss.dtype))
    total_loss = (loc_loss + ALPHA * conf_sum) / jnp.sum(num_pos).astype(jnp.float32)
    return total_loss

if __name__ == "__main__":
    import jax
    _d = setup_inputs()
    print(jax.jit(kernel)(*tuple(_d.values())))

</pallas_src>

<mosaic_0001>
#map = affine_map<(d0, d1) -> (0, 0)>
#map1 = affine_map<(d0, d1) -> (0)>
module attributes {stable_mosaic.version = 14 : i64} {
  func.func @_phase2_sc(%arg0: i32, %arg1: i32, %arg2: memref<32x20000xf32, #tpu.memory_space<hbm>>, %arg3: memref<32xi32, #tpu.memory_space<hbm>>, %arg4: memref<32x16xf32, #tpu.memory_space<hbm>>, %arg5: memref<20000xf32, #tpu.memory_space<vmem>>, %arg6: memref<32xi32, #tpu.memory_space<vmem>>, %arg7: memref<32768xf32, #tpu.memory_space<vmem>>, %arg8: memref<32768xf32, #tpu.memory_space<vmem>>, %arg9: memref<16xf32, #tpu.memory_space<vmem>>) attributes {dimension_semantics = [#tpu.dimension_semantics<core_parallel>, #tpu.dimension_semantics<subcore_parallel>], iteration_bounds = array<i64: 2, 16>, scalar_prefetch = 0 : i64, scratch_operands = 5 : i64, tpu.core_type = #tpu.core_type<sc_vector_subcore>, window_params = [{transform_indices = #map}, {transform_indices = #map1}, {transform_indices = #map}]} {
    %mul3A = arith.constant 2 : i32
    %mul3A_0 = arith.muli %arg1, %mul3A : i32
    %add3A = arith.addi %mul3A_0, %arg0 : i32
    "tpu.region"() ({
      %run_scoped3A = tpu.sem_alloc : memref<!tpu.dma_semaphore, #tpu.memory_space<semaphore_mem>>
      %dma_start3A = arith.constant 0 : i32
      %dma_start3A_246 = tpu.memref_slice %arg2[%add3A, %dma_start3A] : memref<32x20000xf32, #tpu.memory_space<hbm>> -> memref<1x20000xf32, #tpu.memory_space<hbm>>
      %dma_start3A_247 = tpu.memref_squeeze %dma_start3A_246 : memref<1x20000xf32, #tpu.memory_space<hbm>> -> memref<20000xf32, #tpu.memory_space<hbm>>
      %dma_start3A_248 = arith.constant 0 : i32
      %dma_start3A_249 = tpu.memref_slice %arg2[%add3A, %dma_start3A_248] : memref<32x20000xf32, #tpu.memory_space<hbm>> -> memref<1x20000xf32, #tpu.memory_space<hbm>>
      %dma_start3A_250 = tpu.memref_squeeze %dma_start3A_249 : memref<1x20000xf32, #tpu.memory_space<hbm>> -> memref<20000xf32, #tpu.memory_space<hbm>>
      tpu.enqueue_dma source(%dma_start3A_250 : memref<20000xf32, #tpu.memory_space<hbm>>) target(%arg5 : memref<20000xf32, #tpu.memory_space<vmem>>) target_semaphore(%run_scoped3A : memref<!tpu.dma_semaphore, #tpu.memory_space<semaphore_mem>>)
      %dma_wait3A = arith.constant 0 : i32
      %dma_wait3A_251 = tpu.memref_slice %arg2[%add3A, %dma_wait3A] : memref<32x20000xf32, #tpu.memory_space<hbm>> -> memref<1x20000xf32, #tpu.memory_space<hbm>>
      %dma_wait3A_252 = tpu.memref_squeeze %dma_wait3A_251 : memref<1x20000xf32, #tpu.memory_space<hbm>> -> memref<20000xf32, #tpu.memory_space<hbm>>
      %dma_wait3A_253 = arith.constant 0 : i32
      %dma_wait3A_254 = tpu.memref_slice %arg2[%add3A, %dma_wait3A_253] : memref<32x20000xf32, #tpu.memory_space<hbm>> -> memref<1x20000xf32, #tpu.memory_space<hbm>>
      %dma_wait3A_255 = tpu.memref_squeeze %dma_wait3A_254 : memref<1x20000xf32, #tpu.memory_space<hbm>> -> memref<20000xf32, #tpu.memory_space<hbm>>
      tpu.wait_dma2 semaphore(%run_scoped3A : memref<!tpu.dma_semaphore, #tpu.memory_space<semaphore_mem>>) src(%dma_wait3A_255 : memref<20000xf32, #tpu.memory_space<hbm>>) dst(%arg5 : memref<20000xf32, #tpu.memory_space<vmem>>)
      tpu.yield
    }) : () -> ()
    "tpu.region"() ({
      %run_scoped3A = tpu.sem_alloc : memref<!tpu.dma_semaphore, #tpu.memory_space<semaphore_mem>>
      tpu.enqueue_dma source(%arg3 : memref<32xi32, #tpu.memory_space<hbm>>) target(%arg6 : memref<32xi32, #tpu.memory_space<vmem>>) target_semaphore(%run_scoped3A : memref<!tpu.dma_semaphore, #tpu.memory_space<semaphore_mem>>)
      tpu.wait_dma2 semaphore(%run_scoped3A : memref<!tpu.dma_semaphore, #tpu.memory_space<semaphore_mem>>) src(%arg3 : memref<32xi32, #tpu.memory_space<hbm>>) dst(%arg6 : memref<32xi32, #tpu.memory_space<vmem>>)
      tpu.yield
    }) : () -> ()
    %iota3A = tpu.iota {dimensions = array<i32: 0>} : vector<16xi32>
    %get3A = arith.constant 0 : index
    %get3A_1 = tpu.vector_load %arg6[%get3A] {strides = array<i32>} : memref<32xi32, #tpu.memory_space<vmem>>, vector<16xi32>,
    %get3A_2 = arith.constant 16 : index
    %get3A_3 = tpu.vector_load %arg6[%get3A_2] {strides = array<i32>} : memref<32xi32, #tpu.memory_space<vmem>>, vector<16xi32>,
    %lt3A = arith.constant 16 : i32
    %lt3A_4 = arith.cmpi slt, %add3A, %lt3A : i32
    %select_n3A = arith.select %lt3A_4, %get3A_1, %get3A_3 : vector<16xi32>
    %convert_element_type3A = arith.sitofp %select_n3A : vector<16xi32> to vector<16xf32>
    %lt3A_5 = arith.constant 16 : i32
    %lt3A_6 = arith.cmpi slt, %add3A, %lt3A_5 : i32
    %jit3A = arith.constant 0 : i32
    %jit3A_7 = arith.constant 16 : i32
    %select_n3A_8 = arith.select %lt3A_6, %jit3A, %jit3A_7 : i32
    %sub3A = arith.subi %add3A, %select_n3A_8 : i32
    %eq3A = vector.broadcast %sub3A : i32 to vector<16xi32>
    %eq3A_9 = arith.cmpi eq, %iota3A, %eq3A : vector<16xi32>
    %jit3A_10 = arith.constant 0.000000e+00 : f32
    %broadcast_in_dim3A = vector.broadcast %jit3A_10 : f32 to vector<16xf32>
    %select_n3A_11 = arith.select %eq3A_9, %convert_element_type3A, %broadcast_in_dim3A : vector<16xi1>, vector<16xf32>
    %reduce_sum3A = arith.constant true
    %reduce_sum3A_12 = vector.broadcast %reduce_sum3A : i1 to vector<16xi1>
    %reduce_sum3A_13 = tpu.scan <sum>, %select_n3A_11 masked %reduce_sum3A_12 : vector<16xf32>, vector<16xi1> -> vector<16xf32>
    %reduce_sum3A_14 = vector.extract %reduce_sum3A_13[15] : f32 from vector<16xf32>
    %broadcast_in_dim3A_15 = arith.constant 0.000000e+00 : f32
    %broadcast_in_dim3A_16 = vector.broadcast %broadcast_in_dim3A_15 : f32 to vector<16xf32>
    %broadcast_in_dim3A_17 = arith.constant 1.000000e+00 : f32
    %broadcast_in_dim3A_18 = vector.broadcast %broadcast_in_dim3A_17 : f32 to vector<16xf32>
    %mul3A_19 = arith.constant 2048 : i32
    %mul3A_20 = vector.broadcast %mul3A_19 : i32 to vector<16xi32>
    %mul3A_21 = arith.muli %iota3A, %mul3A_20 : vector<16xi32>
    %mul3A_22 = arith.constant 1024 : i32
    %mul3A_23 = vector.broadcast %mul3A_22 : i32 to vector<16xi32>
    %mul3A_24 = arith.muli %iota3A, %mul3A_23 : vector<16xi32>
    %parallel_loop3A = arith.constant 0 : i32
    %parallel_loop3A_25 = arith.constant 2048 : i32
    %parallel_loop3A_26 = arith.constant 1 : i32
    scf.for %parallel_loop3A_246 = %parallel_loop3A to %parallel_loop3A_25 step %parallel_loop3A_26  : i32 {
      %parallel_loop3A_247 = arith.constant 16 : i32
      %parallel_loop3A_248 = arith.muli %parallel_loop3A_246, %parallel_loop3A_247 : i32
      %parallel_loop3A_249 = arith.index_cast %parallel_loop3A_248 : i32 to index
      %parallel_loop3A_250 = tpu.vector_load %arg7[%parallel_loop3A_249] {strides = array<i32>} : memref<32768xf32, #tpu.memory_space<vmem>>, vector<16xf32>,
      tpu.vector_store %arg7[%parallel_loop3A_249], %broadcast_in_dim3A_16 {strides = array<i32>} : memref<32768xf32, #tpu.memory_space<vmem>>, vector<16xf32>,
    } {sc.loop_unroll_factor = 8 : i64, sc.parallel_access}
    %parallel_loop3A_27 = arith.constant 0 : i32
    %parallel_loop3A_28 = arith.constant 2048 : i32
    %parallel_loop3A_29 = arith.constant 1 : i32
    scf.for %parallel_loop3A_246 = %parallel_loop3A_27 to %parallel_loop3A_28 step %parallel_loop3A_29  : i32 {
      %parallel_loop3A_247 = arith.constant 16 : i32
      %parallel_loop3A_248 = arith.muli %parallel_loop3A_246, %parallel_loop3A_247 : i32
      %parallel_loop3A_249 = arith.index_cast %parallel_loop3A_248 : i32 to index
      %parallel_loop3A_250 = tpu.vector_load %arg8[%parallel_loop3A_249] {strides = array<i32>} : memref<32768xf32, #tpu.memory_space<vmem>>, vector<16xf32>,
      tpu.vector_store %arg8[%parallel_loop3A_249], %broadcast_in_dim3A_16 {strides = array<i32>} : memref<32768xf32, #tpu.memory_space<vmem>>, vector<16xf32>,
    } {sc.loop_unroll_factor = 8 : i64, sc.parallel_access}
    %parallel_loop3A_30 = arith.constant 0 : i32
    %parallel_loop3A_31 = arith.constant 1250 : i32
    %parallel_loop3A_32 = arith.constant 1 : i32
    scf.for %parallel_loop3A_246 = %parallel_loop3A_30 to %parallel_loop3A_31 step %parallel_loop3A_32  : i32 {
      %parallel_loop3A_247 = arith.constant 16 : i32
      %parallel_loop3A_248 = arith.muli %parallel_loop3A_246, %parallel_loop3A_247 : i32
      %parallel_loop3A_249 = arith.index_cast %parallel_loop3A_248 : i32 to index
      %parallel_loop3A_250 = tpu.vector_load %arg5[%parallel_loop3A_249] {strides = array<i32>} : memref<20000xf32, #tpu.memory_space<vmem>>, vector<16xf32>,
      %parallel_loop3A_251 = vector.bitcast %parallel_loop3A_250 : vector<16xf32> to vector<16xi32>
      %parallel_loop3A_252 = arith.constant 20 : i32
      %parallel_loop3A_253 = vector.broadcast %parallel_loop3A_252 : i32 to vector<16xi32>
      %parallel_loop3A_254 = arith.shrui %parallel_loop3A_251, %parallel_loop3A_253 : vector<16xi32>
      %parallel_loop3A_255 = arith.addi %mul3A_21, %parallel_loop3A_254 : vector<16xi32>
      tpu.vector_store_idx %arg7[%parallel_loop3A_255], %broadcast_in_dim3A_18 {add = true} : memref<32768xf32, #tpu.memory_space<vmem>>[vector<16xi32>], vector<16xf32>,
      tpu.vector_store_idx %arg8[%parallel_loop3A_255], %parallel_loop3A_250 {add = true} : memref<32768xf32, #tpu.memory_space<vmem>>[vector<16xi32>], vector<16xf32>,
    } {sc.loop_unroll_factor = 10 : i64, sc.parallel_access}
    %parallel_loop3A_33 = arith.constant 0 : i32
    %parallel_loop3A_34 = arith.constant 128 : i32
    %parallel_loop3A_35 = arith.constant 1 : i32
    scf.for %parallel_loop3A_246 = %parallel_loop3A_33 to %parallel_loop3A_34 step %parallel_loop3A_35  : i32 {
      %parallel_loop3A_247 = arith.constant 16 : i32
      %parallel_loop3A_248 = arith.muli %parallel_loop3A_246, %parallel_loop3A_247 : i32
      %parallel_loop3A_249 = arith.index_cast %parallel_loop3A_248 : i32 to index
      %parallel_loop3A_250 = tpu.vector_load %arg7[%parallel_loop3A_249] {strides = array<i32>} : memref<32768xf32, #tpu.memory_space<vmem>>, vector<16xf32>,
      %parallel_loop3A_251 = arith.constant 16 : i32
      %parallel_loop3A_252 = arith.muli %parallel_loop3A_246, %parallel_loop3A_251 : i32
      %parallel_loop3A_253 = arith.constant 2048 : i32
      %parallel_loop3A_254 = arith.addi %parallel_loop3A_253, %parallel_loop3A_252 : i32
      %parallel_loop3A_255 = arith.index_cast %parallel_loop3A_254 : i32 to index
      %parallel_loop3A_256 = tpu.vector_load %arg7[%parallel_loop3A_255] {strides = array<i32>} : memref<32768xf32, #tpu.memory_space<vmem>>, vector<16xf32>,
      %parallel_loop3A_257 = arith.addf %parallel_loop3A_250, %parallel_loop3A_256 : vector<16xf32>
      %parallel_loop3A_258 = arith.constant 16 : i32
      %parallel_loop3A_259 = arith.muli %parallel_loop3A_246, %parallel_loop3A_258 : i32
      %parallel_loop3A_260 = arith.constant 4096 : i32
      %parallel_loop3A_261 = arith.addi %parallel_loop3A_260, %parallel_loop3A_259 : i32
      %parallel_loop3A_262 = arith.index_cast %parallel_loop3A_261 : i32 to index
      %parallel_loop3A_263 = tpu.vector_load %arg7[%parallel_loop3A_262] {strides = array<i32>} : memref<32768xf32, #tpu.memory_space<vmem>>, vector<16xf32>,
      %parallel_loop3A_264 = arith.addf %parallel_loop3A_257, %parallel_loop3A_263 : vector<16xf32>
      %parallel_loop3A_265 = arith.constant 16 : i32
      %parallel_loop3A_266 = arith.muli %parallel_loop3A_246, %parallel_loop3A_265 : i32
      %parallel_loop3A_267 = arith.constant 6144 : i32
      %parallel_loop3A_268 = arith.addi %parallel_loop3A_267, %parallel_loop3A_266 : i32
      %parallel_loop3A_269 = arith.index_cast %parallel_loop3A_268 : i32 to index
      %parallel_loop3A_270 = tpu.vector_load %arg7[%parallel_loop3A_269] {strides = array<i32>} : memref<32768xf32, #tpu.memory_space<vmem>>, vector<16xf32>,
      %parallel_loop3A_271 = arith.addf %parallel_loop3A_264, %parallel_loop3A_270 : vector<16xf32>
      %parallel_loop3A_272 = arith.constant 16 : i32
      %parallel_loop3A_273 = arith.muli %parallel_loop3A_246, %parallel_loop3A_272 : i32
      %parallel_loop3A_274 = arith.constant 8192 : i32
      %parallel_loop3A_275 = arith.addi %parallel_loop3A_274, %parallel_loop3A_273 : i32
      %parallel_loop3A_276 = arith.index_cast %parallel_loop3A_275 : i32 to index
      %parallel_loop3A_277 = tpu.vector_load %arg7[%parallel_loop3A_276] {strides = array<i32>} : memref<32768xf32, #tpu.memory_space<vmem>>, vector<16xf32>,
      %parallel_loop3A_278 = arith.addf %parallel_loop3A_271, %parallel_loop3A_277 : vector<16xf32>
      %parallel_loop3A_279 = arith.constant 16 : i32
      %parallel_loop3A_280 = arith.muli %parallel_loop3A_246, %parallel_loop3A_279 : i32
      %parallel_loop3A_281 = arith.constant 10240 : i32
      %parallel_loop3A_282 = arith.addi %parallel_loop3A_281, %parallel_loop3A_280 : i32
      %parallel_loop3A_283 = arith.index_cast %parallel_loop3A_282 : i32 to index
      %parallel_loop3A_284 = tpu.vector_load %arg7[%parallel_loop3A_283] {strides = array<i32>} : memref<32768xf32, #tpu.memory_space<vmem>>, vector<16xf32>,
      %parallel_loop3A_285 = arith.addf %parallel_loop3A_278, %parallel_loop3A_284 : vector<16xf32>
      %parallel_loop3A_286 = arith.constant 16 : i32
      %parallel_loop3A_287 = arith.muli %parallel_loop3A_246, %parallel_loop3A_286 : i32
      %parallel_loop3A_288 = arith.constant 12288 : i32
      %parallel_loop3A_289 = arith.addi %parallel_loop3A_288, %parallel_loop3A_287 : i32
      %parallel_loop3A_290 = arith.index_cast %parallel_loop3A_289 : i32 to index
      %parallel_loop3A_291 = tpu.vector_load %arg7[%parallel_loop3A_290] {strides = array<i32>} : memref<32768xf32, #tpu.memory_space<vmem>>, vector<16xf32>,
      %parallel_loop3A_292 = arith.addf %parallel_loop3A_285, %parallel_loop3A_291 : vector<16xf32>
      %parallel_loop3A_293 = arith.constant 16 : i32
      %parallel_loop3A_294 = arith.muli %parallel_loop3A_246, %parallel_loop3A_293 : i32
      %parallel_loop3A_295 = arith.constant 14336 : i32
      %parallel_loop3A_296 = arith.addi %parallel_loop3A_295, %parallel_loop3A_294 : i32
      %parallel_loop3A_297 = arith.index_cast %parallel_loop3A_296 : i32 to index
      %parallel_loop3A_298 = tpu.vector_load %arg7[%parallel_loop3A_297] {strides = array<i32>} : memref<32768xf32, #tpu.memory_space<vmem>>, vector<16xf32>,
      %parallel_loop3A_299 = arith.addf %parallel_loop3A_292, %parallel_loop3A_298 : vector<16xf32>
      %parallel_loop3A_300 = arith.constant 16 : i32
      %parallel_loop3A_301 = arith.muli %parallel_loop3A_246, %parallel_loop3A_300 : i32
      %parallel_loop3A_302 = arith.constant 16384 : i32
      %parallel_loop3A_303 = arith.addi %parallel_loop3A_302, %parallel_loop3A_301 : i32
      %parallel_loop3A_304 = arith.index_cast %parallel_loop3A_303 : i32 to index
      %parallel_loop3A_305 = tpu.vector_load %arg7[%parallel_loop3A_304] {strides = array<i32>} : memref<32768xf32, #tpu.memory_space<vmem>>, vector<16xf32>,
      %parallel_loop3A_306 = arith.addf %parallel_loop3A_299, %parallel_loop3A_305 : vector<16xf32>
      %parallel_loop3A_307 = arith.constant 16 : i32
      %parallel_loop3A_308 = arith.muli %parallel_loop3A_246, %parallel_loop3A_307 : i32
      %parallel_loop3A_309 = arith.constant 18432 : i32
      %parallel_loop3A_310 = arith.addi %parallel_loop3A_309, %parallel_loop3A_308 : i32
      %parallel_loop3A_311 = arith.index_cast %parallel_loop3A_310 : i32 to index
      %parallel_loop3A_312 = tpu.vector_load %arg7[%parallel_loop3A_311] {strides = array<i32>} : memref<32768xf32, #tpu.memory_space<vmem>>, vector<16xf32>,
      %parallel_loop3A_313 = arith.addf %parallel_loop3A_306, %parallel_loop3A_312 : vector<16xf32>
      %parallel_loop3A_314 = arith.constant 16 : i32
      %parallel_loop3A_315 = arith.muli %parallel_loop3A_246, %parallel_loop3A_314 : i32
      %parallel_loop3A_316 = arith.constant 20480 : i32
      %parallel_loop3A_317 = arith.addi %parallel_loop3A_316, %parallel_loop3A_315 : i32
      %parallel_loop3A_318 = arith.index_cast %parallel_loop3A_317 : i32 to index
      %parallel_loop3A_319 = tpu.vector_load %arg7[%parallel_loop3A_318] {strides = array<i32>} : memref<32768xf32, #tpu.memory_space<vmem>>, vector<16xf32>,
      %parallel_loop3A_320 = arith.addf %parallel_loop3A_313, %parallel_loop3A_319 : vector<16xf32>
      %parallel_loop3A_321 = arith.constant 16 : i32
      %parallel_loop3A_322 = arith.muli %parallel_loop3A_246, %parallel_loop3A_321 : i32
      %parallel_loop3A_323 = arith.constant 22528 : i32
      %parallel_loop3A_324 = arith.addi %parallel_loop3A_323, %parallel_loop3A_322 : i32
      %parallel_loop3A_325 = arith.index_cast %parallel_loop3A_324 : i32 to index
      %parallel_loop3A_326 = tpu.vector_load %arg7[%parallel_loop3A_325] {strides = array<i32>} : memref<32768xf32, #tpu.memory_space<vmem>>, vector<16xf32>,
      %parallel_loop3A_327 = arith.addf %parallel_loop3A_320, %parallel_loop3A_326 : vector<16xf32>
      %parallel_loop3A_328 = arith.constant 16 : i32
      %parallel_loop3A_329 = arith.muli %parallel_loop3A_246, %parallel_loop3A_328 : i32
      %parallel_loop3A_330 = arith.constant 24576 : i32
      %parallel_loop3A_331 = arith.addi %parallel_loop3A_330, %parallel_loop3A_329 : i32
      %parallel_loop3A_332 = arith.index_cast %parallel_loop3A_331 : i32 to index
      %parallel_loop3A_333 = tpu.vector_load %arg7[%parallel_loop3A_332] {strides = array<i32>} : memref<32768xf32, #tpu.memory_space<vmem>>, vector<16xf32>,
      %parallel_loop3A_334 = arith.addf %parallel_loop3A_327, %parallel_loop3A_333 : vector<16xf32>
      %parallel_loop3A_335 = arith.constant 16 : i32
      %parallel_loop3A_336 = arith.muli %parallel_loop3A_246, %parallel_loop3A_335 : i32
      %parallel_loop3A_337 = arith.constant 26624 : i32
      %parallel_loop3A_338 = arith.addi %parallel_loop3A_337, %parallel_loop3A_336 : i32
      %parallel_loop3A_339 = arith.index_cast %parallel_loop3A_338 : i32 to index
      %parallel_loop3A_340 = tpu.vector_load %arg7[%parallel_loop3A_339] {strides = array<i32>} : memref<32768xf32, #tpu.memory_space<vmem>>, vector<16xf32>,
      %parallel_loop3A_341 = arith.addf %parallel_loop3A_334, %parallel_loop3A_340 : vector<16xf32>
      %parallel_loop3A_342 = arith.constant 16 : i32
      %parallel_loop3A_343 = arith.muli %parallel_loop3A_246, %parallel_loop3A_342 : i32
      %parallel_loop3A_344 = arith.constant 28672 : i32
      %parallel_loop3A_345 = arith.addi %parallel_loop3A_344, %parallel_loop3A_343 : i32
      %parallel_loop3A_346 = arith.index_cast %parallel_loop3A_345 : i32 to index
      %parallel_loop3A_347 = tpu.vector_load %arg7[%parallel_loop3A_346] {strides = array<i32>} : memref<32768xf32, #tpu.memory_space<vmem>>, vector<16xf32>,
      %parallel_loop3A_348 = arith.addf %parallel_loop3A_341, %parallel_loop3A_347 : vector<16xf32>
      %parallel_loop3A_349 = arith.constant 16 : i32
      %parallel_loop3A_350 = arith.muli %parallel_loop3A_246, %parallel_loop3A_349 : i32
      %parallel_loop3A_351 = arith.constant 30720 : i32
      %parallel_loop3A_352 = arith.addi %parallel_loop3A_351, %parallel_loop3A_350 : i32
      %parallel_loop3A_353 = arith.index_cast %parallel_loop3A_352 : i32 to index
      %parallel_loop3A_354 = tpu.vector_load %arg7[%parallel_loop3A_353] {strides = array<i32>} : memref<32768xf32, #tpu.memory_space<vmem>>, vector<16xf32>,
      %parallel_loop3A_355 = arith.addf %parallel_loop3A_348, %parallel_loop3A_354 : vector<16xf32>
      %parallel_loop3A_356 = arith.constant 16 : i32
      %parallel_loop3A_357 = arith.muli %parallel_loop3A_246, %parallel_loop3A_356 : i32
      %parallel_loop3A_358 = arith.index_cast %parallel_loop3A_357 : i32 to index
      %parallel_loop3A_359 = tpu.vector_load %arg7[%parallel_loop3A_358] {strides = array<i32>} : memref<32768xf32, #tpu.memory_space<vmem>>, vector<16xf32>,
      tpu.vector_store %arg7[%parallel_loop3A_358], %parallel_loop3A_355 {strides = array<i32>} : memref<32768xf32, #tpu.memory_space<vmem>>, vector<16xf32>,
    } {sc.loop_unroll_factor = 2 : i64, sc.parallel_access}
    %parallel_loop3A_36 = arith.constant 0 : i32
    %parallel_loop3A_37 = arith.constant 128 : i32
    %parallel_loop3A_38 = arith.constant 1 : i32
    scf.for %parallel_loop3A_246 = %parallel_loop3A_36 to %parallel_loop3A_37 step %parallel_loop3A_38  : i32 {
      %parallel_loop3A_247 = arith.constant 16 : i32
      %parallel_loop3A_248 = arith.muli %parallel_loop3A_246, %parallel_loop3A_247 : i32
      %parallel_loop3A_249 = arith.index_cast %parallel_loop3A_248 : i32 to index
      %parallel_loop3A_250 = tpu.vector_load %arg8[%parallel_loop3A_249] {strides = array<i32>} : memref<32768xf32, #tpu.memory_space<vmem>>, vector<16xf32>,
      %parallel_loop3A_251 = arith.constant 16 : i32
      %parallel_loop3A_252 = arith.muli %parallel_loop3A_246, %parallel_loop3A_251 : i32
      %parallel_loop3A_253 = arith.constant 2048 : i32
      %parallel_loop3A_254 = arith.addi %parallel_loop3A_253, %parallel_loop3A_252 : i32
      %parallel_loop3A_255 = arith.index_cast %parallel_loop3A_254 : i32 to index
      %parallel_loop3A_256 = tpu.vector_load %arg8[%parallel_loop3A_255] {strides = array<i32>} : memref<32768xf32, #tpu.memory_space<vmem>>, vector<16xf32>,
      %parallel_loop3A_257 = arith.addf %parallel_loop3A_250, %parallel_loop3A_256 : vector<16xf32>
      %parallel_loop3A_258 = arith.constant 16 : i32
      %parallel_loop3A_259 = arith.muli %parallel_loop3A_246, %parallel_loop3A_258 : i32
      %parallel_loop3A_260 = arith.constant 4096 : i32
      %parallel_loop3A_261 = arith.addi %parallel_loop3A_260, %parallel_loop3A_259 : i32
      %parallel_loop3A_262 = arith.index_cast %parallel_loop3A_261 : i32 to index
      %parallel_loop3A_263 = tpu.vector_load %arg8[%parallel_loop3A_262] {strides = array<i32>} : memref<32768xf32, #tpu.memory_space<vmem>>, vector<16xf32>,
      %parallel_loop3A_264 = arith.addf %parallel_loop3A_257, %parallel_loop3A_263 : vector<16xf32>
      %parallel_loop3A_265 = arith.constant 16 : i32
      %parallel_loop3A_266 = arith.muli %parallel_loop3A_246, %parallel_loop3A_265 : i32
      %parallel_loop3A_267 = arith.constant 6144 : i32
      %parallel_loop3A_268 = arith.addi %parallel_loop3A_267, %parallel_loop3A_266 : i32
      %parallel_loop3A_269 = arith.index_cast %parallel_loop3A_268 : i32 to index
      %parallel_loop3A_270 = tpu.vector_load %arg8[%parallel_loop3A_269] {strides = array<i32>} : memref<32768xf32, #tpu.memory_space<vmem>>, vector<16xf32>,
      %parallel_loop3A_271 = arith.addf %parallel_loop3A_264, %parallel_loop3A_270 : vector<16xf32>
      %parallel_loop3A_272 = arith.constant 16 : i32
      %parallel_loop3A_273 = arith.muli %parallel_loop3A_246, %parallel_loop3A_272 : i32
      %parallel_loop3A_274 = arith.constant 8192 : i32
      %parallel_loop3A_275 = arith.addi %parallel_loop3A_274, %parallel_loop3A_273 : i32
      %parallel_loop3A_276 = arith.index_cast %parallel_loop3A_275 : i32 to index
      %parallel_loop3A_277 = tpu.vector_load %arg8[%parallel_loop3A_276] {strides = array<i32>} : memref<32768xf32, #tpu.memory_space<vmem>>, vector<16xf32>,
      %parallel_loop3A_278 = arith.addf %parallel_loop3A_271, %parallel_loop3A_277 : vector<16xf32>
      %parallel_loop3A_279 = arith.constant 16 : i32
      %parallel_loop3A_280 = arith.muli %parallel_loop3A_246, %parallel_loop3A_279 : i32
      %parallel_loop3A_281 = arith.constant 10240 : i32
      %parallel_loop3A_282 = arith.addi %parallel_loop3A_281, %parallel_loop3A_280 : i32
      %parallel_loop3A_283 = arith.index_cast %parallel_loop3A_282 : i32 to index
      %parallel_loop3A_284 = tpu.vector_load %arg8[%parallel_loop3A_283] {strides = array<i32>} : memref<32768xf32, #tpu.memory_space<vmem>>, vector<16xf32>,
      %parallel_loop3A_285 = arith.addf %parallel_loop3A_278, %parallel_loop3A_284 : vector<16xf32>
      %parallel_loop3A_286 = arith.constant 16 : i32
      %parallel_loop3A_287 = arith.muli %parallel_loop3A_246, %parallel_loop3A_286 : i32
      %parallel_loop3A_288 = arith.constant 12288 : i32
      %parallel_loop3A_289 = arith.addi %parallel_loop3A_288, %parallel_loop3A_287 : i32
      %parallel_loop3A_290 = arith.index_cast %parallel_loop3A_289 : i32 to index
      %parallel_loop3A_291 = tpu.vector_load %arg8[%parallel_loop3A_290] {strides = array<i32>} : memref<32768xf32, #tpu.memory_space<vmem>>, vector<16xf32>,
      %parallel_loop3A_292 = arith.addf %parallel_loop3A_285, %parallel_loop3A_291 : vector<16xf32>
      %parallel_loop3A_293 = arith.constant 16 : i32
      %parallel_loop3A_294 = arith.muli %parallel_loop3A_246, %parallel_loop3A_293 : i32
      %parallel_loop3A_295 = arith.constant 14336 : i32
      %parallel_loop3A_296 = arith.addi %parallel_loop3A_295, %parallel_loop3A_294 : i32
      %parallel_loop3A_297 = arith.index_cast %parallel_loop3A_296 : i32 to index
      %parallel_loop3A_298 = tpu.vector_load %arg8[%parallel_loop3A_297] {strides = array<i32>} : memref<32768xf32, #tpu.memory_space<vmem>>, vector<16xf32>,
      %parallel_loop3A_299 = arith.addf %parallel_loop3A_292, %parallel_loop3A_298 : vector<16xf32>
      %parallel_loop3A_300 = arith.constant 16 : i32
      %parallel_loop3A_301 = arith.muli %parallel_loop3A_246, %parallel_loop3A_300 : i32
      %parallel_loop3A_302 = arith.constant 16384 : i32
      %parallel_loop3A_303 = arith.addi %parallel_loop3A_302, %parallel_loop3A_301 : i32
      %parallel_loop3A_304 = arith.index_cast %parallel_loop3A_303 : i32 to index
      %parallel_loop3A_305 = tpu.vector_load %arg8[%parallel_loop3A_304] {strides = array<i32>} : memref<32768xf32, #tpu.memory_space<vmem>>, vector<16xf32>,
      %parallel_loop3A_306 = arith.addf %parallel_loop3A_299, %parallel_loop3A_305 : vector<16xf32>
      %parallel_loop3A_307 = arith.constant 16 : i32
      %parallel_loop3A_308 = arith.muli %parallel_loop3A_246, %parallel_loop3A_307 : i32
      %parallel_loop3A_309 = arith.constant 18432 : i32
      %parallel_loop3A_310 = arith.addi %parallel_loop3A_309, %parallel_loop3A_308 : i32
      %parallel_loop3A_311 = arith.index_cast %parallel_loop3A_310 : i32 to index
      %parallel_loop3A_312 = tpu.vector_load %arg8[%parallel_loop3A_311] {strides = array<i32>} : memref<32768xf32, #tpu.memory_space<vmem>>, vector<16xf32>,
      %parallel_loop3A_313 = arith.addf %parallel_loop3A_306, %parallel_loop3A_312 : vector<16xf32>
      %parallel_loop3A_314 = arith.constant 16 : i32
      %parallel_loop3A_315 = arith.muli %parallel_loop3A_246, %parallel_loop3A_314 : i32
      %parallel_loop3A_316 = arith.constant 20480 : i32
      %parallel_loop3A_317 = arith.addi %parallel_loop3A_316, %parallel_loop3A_315 : i32
      %parallel_loop3A_318 = arith.index_cast %parallel_loop3A_317 : i32 to index
      %parallel_loop3A_319 = tpu.vector_load %arg8[%parallel_loop3A_318] {strides = array<i32>} : memref<32768xf32, #tpu.memory_space<vmem>>, vector<16xf32>,
      %parallel_loop3A_320 = arith.addf %parallel_loop3A_313, %parallel_loop3A_319 : vector<16xf32>
      %parallel_loop3A_321 = arith.constant 16 : i32
      %parallel_loop3A_322 = arith.muli %parallel_loop3A_246, %parallel_loop3A_321 : i32
      %parallel_loop3A_323 = arith.constant 22528 : i32
      %parallel_loop3A_324 = arith.addi %parallel_loop3A_323, %parallel_loop3A_322 : i32
      %parallel_loop3A_325 = arith.index_cast %parallel_loop3A_324 : i32 to index
      %parallel_loop3A_326 = tpu.vector_load %arg8[%parallel_loop3A_325] {strides = array<i32>} : memref<32768xf32, #tpu.memory_space<vmem>>, vector<16xf32>,
      %parallel_loop3A_327 = arith.addf %parallel_loop3A_320, %parallel_loop3A_326 : vector<16xf32>
      %parallel_loop3A_328 = arith.constant 16 : i32
      %parallel_loop3A_329 = arith.muli %parallel_loop3A_246, %parallel_loop3A_328 : i32
      %parallel_loop3A_330 = arith.constant 24576 : i32
      %parallel_loop3A_331 = arith.addi %parallel_loop3A_330, %parallel_loop3A_329 : i32
      %parallel_loop3A_332 = arith.index_cast %parallel_loop3A_331 : i32 to index
      %parallel_loop3A_333 = tpu.vector_load %arg8[%parallel_loop3A_332] {strides = array<i32>} : memref<32768xf32, #tpu.memory_space<vmem>>, vector<16xf32>,
      %parallel_loop3A_334 = arith.addf %parallel_loop3A_327, %parallel_loop3A_333 : vector<16xf32>
      %parallel_loop3A_335 = arith.constant 16 : i32
      %parallel_loop3A_336 = arith.muli %parallel_loop3A_246, %parallel_loop3A_335 : i32
      %parallel_loop3A_337 = arith.constant 26624 : i32
      %parallel_loop3A_338 = arith.addi %parallel_loop3A_337, %parallel_loop3A_336 : i32
      %parallel_loop3A_339 = arith.index_cast %parallel_loop3A_338 : i32 to index
      %parallel_loop3A_340 = tpu.vector_load %arg8[%parallel_loop3A_339] {strides = array<i32>} : memref<32768xf32, #tpu.memory_space<vmem>>, vector<16xf32>,
      %parallel_loop3A_341 = arith.addf %parallel_loop3A_334, %parallel_loop3A_340 : vector<16xf32>
      %parallel_loop3A_342 = arith.constant 16 : i32
      %parallel_loop3A_343 = arith.muli %parallel_loop3A_246, %parallel_loop3A_342 : i32
      %parallel_loop3A_344 = arith.constant 28672 : i32
      %parallel_loop3A_345 = arith.addi %parallel_loop3A_344, %parallel_loop3A_343 : i32
      %parallel_loop3A_346 = arith.index_cast %parallel_loop3A_345 : i32 to index
      %parallel_loop3A_347 = tpu.vector_load %arg8[%parallel_loop3A_346] {strides = array<i32>} : memref<32768xf32, #tpu.memory_space<vmem>>, vector<16xf32>,
      %parallel_loop3A_348 = arith.addf %parallel_loop3A_341, %parallel_loop3A_347 : vector<16xf32>
      %parallel_loop3A_349 = arith.constant 16 : i32
      %parallel_loop3A_350 = arith.muli %parallel_loop3A_246, %parallel_loop3A_349 : i32
      %parallel_loop3A_351 = arith.constant 30720 : i32
      %parallel_loop3A_352 = arith.addi %parallel_loop3A_351, %parallel_loop3A_350 : i32
      %parallel_loop3A_353 = arith.index_cast %parallel_loop3A_352 : i32 to index
      %parallel_loop3A_354 = tpu.vector_load %arg8[%parallel_loop3A_353] {strides = array<i32>} : memref<32768xf32, #tpu.memory_space<vmem>>, vector<16xf32>,
      %parallel_loop3A_355 = arith.addf %parallel_loop3A_348, %parallel_loop3A_354 : vector<16xf32>
      %parallel_loop3A_356 = arith.constant 16 : i32
      %parallel_loop3A_357 = arith.muli %parallel_loop3A_246, %parallel_loop3A_356 : i32
      %parallel_loop3A_358 = arith.index_cast %parallel_loop3A_357 : i32 to index
      %parallel_loop3A_359 = tpu.vector_load %arg8[%parallel_loop3A_358] {strides = array<i32>} : memref<32768xf32, #tpu.memory_space<vmem>>, vector<16xf32>,
      tpu.vector_store %arg8[%parallel_loop3A_358], %parallel_loop3A_355 {strides = array<i32>} : memref<32768xf32, #tpu.memory_space<vmem>>, vector<16xf32>,
    } {sc.loop_unroll_factor = 2 : i64, sc.parallel_access}
    %scan3A = arith.constant 0.000000e+00 : f32
    %scan3A_39 = arith.constant 0.000000e+00 : f32
    %scan3A_40 = arith.constant 0 : i32
    %scan3A_41 = arith.constant 0.000000e+00 : f32
    %scan3A_42 = arith.constant 0.000000e+00 : f32
    %scan3A_43 = arith.constant false
    %scan3A_44 = arith.constant 0 : i32
    %scan3A_45 = arith.constant 128 : i32
    %scan3A_46 = arith.addi %scan3A_44, %scan3A_45 : i32
    %scan3A_47 = arith.constant 1 : i32
    %scan3A_48:6 = scf.for %scan3A_246 = %scan3A_44 to %scan3A_46 step %scan3A_47 iter_args(%scan3A_247 = %scan3A, %scan3A_248 = %scan3A_39, %scan3A_249 = %scan3A_40, %scan3A_250 = %scan3A_41, %scan3A_251 = %scan3A_42, %scan3A_252 = %scan3A_43) -> (f32, f32, i32, f32, f32, i1)  : i32 {
      %sub3A_253 = arith.constant 127 : i32
      %sub3A_254 = arith.subi %sub3A_253, %scan3A_246 : i32
      %mul3A_255 = arith.constant 16 : i32
      %mul3A_256 = arith.muli %sub3A_254, %mul3A_255 : i32
      %get3A_257 = arith.index_cast %mul3A_256 : i32 to index
      %get3A_258 = tpu.vector_load %arg7[%get3A_257] {strides = array<i32>} : memref<32768xf32, #tpu.memory_space<vmem>>, vector<16xf32>,
      %reduce_sum3A_259 = arith.constant true
      %reduce_sum3A_260 = vector.broadcast %reduce_sum3A_259 : i1 to vector<16xi1>
      %reduce_sum3A_261 = tpu.scan <sum>, %get3A_258 masked %reduce_sum3A_260 : vector<16xf32>, vector<16xi1> -> vector<16xf32>
      %reduce_sum3A_262 = vector.extract %reduce_sum3A_261[15] : f32 from vector<16xf32>
      %mul3A_263 = arith.constant 16 : i32
      %mul3A_264 = arith.muli %sub3A_254, %mul3A_263 : i32
      %get3A_265 = arith.index_cast %mul3A_264 : i32 to index
      %get3A_266 = tpu.vector_load %arg8[%get3A_265] {strides = array<i32>} : memref<32768xf32, #tpu.memory_space<vmem>>, vector<16xf32>,
      %reduce_sum3A_267 = arith.constant true
      %reduce_sum3A_268 = vector.broadcast %reduce_sum3A_267 : i1 to vector<16xi1>
      %reduce_sum3A_269 = tpu.scan <sum>, %get3A_266 masked %reduce_sum3A_268 : vector<16xf32>, vector<16xi1> -> vector<16xf32>
      %reduce_sum3A_270 = vector.extract %reduce_sum3A_269[15] : f32 from vector<16xf32>
      %add3A_271 = arith.addf %scan3A_247, %reduce_sum3A_262 : f32
      %not3A = arith.constant true
      %not3A_272 = arith.xori %scan3A_252, %not3A : i1
      %ge3A_273 = arith.cmpf oge, %add3A_271, %reduce_sum3A_14 : f32
      %and3A = arith.andi %not3A_272, %ge3A_273 : i1
      %select_n3A_274 = arith.select %and3A, %sub3A_254, %scan3A_249 : i32
      %select_n3A_275 = arith.select %and3A, %scan3A_247, %scan3A_250 : f32
      %select_n3A_276 = arith.select %and3A, %scan3A_248, %scan3A_251 : f32
      %add3A_277 = arith.addf %scan3A_248, %reduce_sum3A_270 : f32
      %or3A = arith.ori %scan3A_252, %and3A : i1
      scf.yield %add3A_271, %add3A_277, %select_n3A_274, %select_n3A_275, %select_n3A_276, %or3A : f32, f32, i32, f32, f32, i1
    }
    %scan3A_49 = arith.constant 128 : i32
    %mul3A_50 = arith.constant 16 : i32
    %mul3A_51 = arith.muli %scan3A_48#2, %mul3A_50 : i32
    %get3A_52 = arith.index_cast %mul3A_51 : i32 to index
    %get3A_53 = tpu.vector_load %arg7[%get3A_52] {strides = array<i32>} : memref<32768xf32, #tpu.memory_space<vmem>>, vector<16xf32>,
    %mul3A_54 = arith.constant 16 : i32
    %mul3A_55 = arith.muli %scan3A_48#2, %mul3A_54 : i32
    %get3A_56 = arith.index_cast %mul3A_55 : i32 to index
    %get3A_57 = tpu.vector_load %arg8[%get3A_56] {strides = array<i32>} : memref<32768xf32, #tpu.memory_space<vmem>>, vector<16xf32>,
    %broadcast_in_dim3A_58 = arith.constant true
    %broadcast_in_dim3A_59 = vector.broadcast %broadcast_in_dim3A_58 : i1 to vector<16xi1>
    %masked_cumsum3A = tpu.scan <sum>, %get3A_53 masked %broadcast_in_dim3A_59 : vector<16xf32>, vector<16xi1> -> vector<16xf32>
    %broadcast_in_dim3A_60 = arith.constant true
    %broadcast_in_dim3A_61 = vector.broadcast %broadcast_in_dim3A_60 : i1 to vector<16xi1>
    %masked_cumsum3A_62 = tpu.scan <sum>, %get3A_57 masked %broadcast_in_dim3A_61 : vector<16xf32>, vector<16xi1> -> vector<16xf32>
    %reduce_sum3A_63 = arith.constant true
    %reduce_sum3A_64 = vector.broadcast %reduce_sum3A_63 : i1 to vector<16xi1>
    %reduce_sum3A_65 = tpu.scan <sum>, %get3A_53 masked %reduce_sum3A_64 : vector<16xf32>, vector<16xi1> -> vector<16xf32>
    %reduce_sum3A_66 = vector.extract %reduce_sum3A_65[15] : f32 from vector<16xf32>
    %reduce_sum3A_67 = arith.constant true
    %reduce_sum3A_68 = vector.broadcast %reduce_sum3A_67 : i1 to vector<16xi1>
    %reduce_sum3A_69 = tpu.scan <sum>, %get3A_57 masked %reduce_sum3A_68 : vector<16xf32>, vector<16xi1> -> vector<16xf32>
    %reduce_sum3A_70 = vector.extract %reduce_sum3A_69[15] : f32 from vector<16xf32>
    %iota3A_71 = tpu.iota {dimensions = array<i32: 0>} : vector<16xi32>
    %sub3A_72 = vector.broadcast %reduce_sum3A_66 : f32 to vector<16xf32>
    %sub3A_73 = arith.subf %sub3A_72, %masked_cumsum3A : vector<16xf32>
    %add3A_74 = vector.broadcast %scan3A_48#3 : f32 to vector<16xf32>
    %add3A_75 = arith.addf %add3A_74, %sub3A_73 : vector<16xf32>
    %add3A_76 = arith.addf %add3A_75, %get3A_53 : vector<16xf32>
    %ge3A = vector.broadcast %reduce_sum3A_14 : f32 to vector<16xf32>
    %ge3A_77 = arith.cmpf oge, %add3A_76, %ge3A : vector<16xf32>
    %jit3A_78 = arith.constant -1 : i32
    %broadcast_in_dim3A_79 = vector.broadcast %jit3A_78 : i32 to vector<16xi32>
    %select_n3A_80 = arith.select %ge3A_77, %iota3A_71, %broadcast_in_dim3A_79 : vector<16xi1>, vector<16xi32>
    %reduce_max3A = arith.constant true
    %reduce_max3A_81 = vector.broadcast %reduce_max3A : i1 to vector<16xi1>
    %reduce_max3A_82 = arith.constant -2147483648 : i32
    %reduce_max3A_83 = vector.broadcast %reduce_max3A_82 : i32 to vector<16xi32>
    %reduce_max3A_84 = arith.xori %select_n3A_80, %reduce_max3A_83 : vector<16xi32>
    %reduce_max3A_85 = tpu.scan <max>, %reduce_max3A_84 masked %reduce_max3A_81 : vector<16xi32>, vector<16xi1> -> vector<16xi32>
    %reduce_max3A_86 = arith.xori %reduce_max3A_85, %reduce_max3A_83 : vector<16xi32>
    %reduce_max3A_87 = vector.extract %reduce_max3A_86[15] : i32 from vector<16xi32>
    %eq3A_88 = vector.broadcast %reduce_max3A_87 : i32 to vector<16xi32>
    %eq3A_89 = arith.cmpi eq, %iota3A_71, %eq3A_88 : vector<16xi32>
    %jit3A_90 = arith.constant 0.000000e+00 : f32
    %broadcast_in_dim3A_91 = vector.broadcast %jit3A_90 : f32 to vector<16xf32>
    %select_n3A_92 = arith.select %eq3A_89, %masked_cumsum3A, %broadcast_in_dim3A_91 : vector<16xi1>, vector<16xf32>
    %reduce_sum3A_93 = arith.constant true
    %reduce_sum3A_94 = vector.broadcast %reduce_sum3A_93 : i1 to vector<16xi1>
    %reduce_sum3A_95 = tpu.scan <sum>, %select_n3A_92 masked %reduce_sum3A_94 : vector<16xf32>, vector<16xi1> -> vector<16xf32>
    %reduce_sum3A_96 = vector.extract %reduce_sum3A_95[15] : f32 from vector<16xf32>
    %jit3A_97 = arith.constant 0.000000e+00 : f32
    %broadcast_in_dim3A_98 = vector.broadcast %jit3A_97 : f32 to vector<16xf32>
    %select_n3A_99 = arith.select %eq3A_89, %masked_cumsum3A_62, %broadcast_in_dim3A_98 : vector<16xi1>, vector<16xf32>
    %reduce_sum3A_100 = arith.constant true
    %reduce_sum3A_101 = vector.broadcast %reduce_sum3A_100 : i1 to vector<16xi1>
    %reduce_sum3A_102 = tpu.scan <sum>, %select_n3A_99 masked %reduce_sum3A_101 : vector<16xf32>, vector<16xi1> -> vector<16xf32>
    %reduce_sum3A_103 = vector.extract %reduce_sum3A_102[15] : f32 from vector<16xf32>
    %jit3A_104 = arith.constant 0.000000e+00 : f32
    %broadcast_in_dim3A_105 = vector.broadcast %jit3A_104 : f32 to vector<16xf32>
    %select_n3A_106 = arith.select %eq3A_89, %get3A_53, %broadcast_in_dim3A_105 : vector<16xi1>, vector<16xf32>
    %reduce_sum3A_107 = arith.constant true
    %reduce_sum3A_108 = vector.broadcast %reduce_sum3A_107 : i1 to vector<16xi1>
    %reduce_sum3A_109 = tpu.scan <sum>, %select_n3A_106 masked %reduce_sum3A_108 : vector<16xf32>, vector<16xi1> -> vector<16xf32>
    %reduce_sum3A_110 = vector.extract %reduce_sum3A_109[15] : f32 from vector<16xf32>
    %jit3A_111 = arith.constant 0.000000e+00 : f32
    %broadcast_in_dim3A_112 = vector.broadcast %jit3A_111 : f32 to vector<16xf32>
    %select_n3A_113 = arith.select %eq3A_89, %get3A_57, %broadcast_in_dim3A_112 : vector<16xi1>, vector<16xf32>
    %reduce_sum3A_114 = arith.constant true
    %reduce_sum3A_115 = vector.broadcast %reduce_sum3A_114 : i1 to vector<16xi1>
    %reduce_sum3A_116 = tpu.scan <sum>, %select_n3A_113 masked %reduce_sum3A_115 : vector<16xf32>, vector<16xi1> -> vector<16xf32>
    %reduce_sum3A_117 = vector.extract %reduce_sum3A_116[15] : f32 from vector<16xf32>
    %add3A_118 = arith.addf %scan3A_48#3, %reduce_sum3A_66 : f32
    %sub3A_119 = arith.subf %add3A_118, %reduce_sum3A_96 : f32
    %add3A_120 = arith.addf %scan3A_48#4, %reduce_sum3A_70 : f32
    %sub3A_121 = arith.subf %add3A_120, %reduce_sum3A_103 : f32
    %mul3A_122 = arith.constant 16 : i32
    %mul3A_123 = arith.muli %scan3A_48#2, %mul3A_122 : i32
    %add3A_124 = arith.addi %mul3A_123, %reduce_max3A_87 : i32
    %sub3A_125 = arith.subf %reduce_sum3A_14, %sub3A_119 : f32
    %parallel_loop3A_126 = arith.constant 0 : i32
    %parallel_loop3A_127 = arith.constant 1024 : i32
    %parallel_loop3A_128 = arith.constant 1 : i32
    scf.for %parallel_loop3A_246 = %parallel_loop3A_126 to %parallel_loop3A_127 step %parallel_loop3A_128  : i32 {
      %parallel_loop3A_247 = arith.constant 16 : i32
      %parallel_loop3A_248 = arith.muli %parallel_loop3A_246, %parallel_loop3A_247 : i32
      %parallel_loop3A_249 = arith.index_cast %parallel_loop3A_248 : i32 to index
      %parallel_loop3A_250 = tpu.vector_load %arg7[%parallel_loop3A_249] {strides = array<i32>} : memref<32768xf32, #tpu.memory_space<vmem>>, vector<16xf32>,
      tpu.vector_store %arg7[%parallel_loop3A_249], %broadcast_in_dim3A_16 {strides = array<i32>} : memref<32768xf32, #tpu.memory_space<vmem>>, vector<16xf32>,
    } {sc.loop_unroll_factor = 8 : i64, sc.parallel_access}
    %parallel_loop3A_129 = arith.constant 0 : i32
    %parallel_loop3A_130 = arith.constant 1024 : i32
    %parallel_loop3A_131 = arith.constant 1 : i32
    scf.for %parallel_loop3A_246 = %parallel_loop3A_129 to %parallel_loop3A_130 step %parallel_loop3A_131  : i32 {
      %parallel_loop3A_247 = arith.constant 16 : i32
      %parallel_loop3A_248 = arith.muli %parallel_loop3A_246, %parallel_loop3A_247 : i32
      %parallel_loop3A_249 = arith.index_cast %parallel_loop3A_248 : i32 to index
      %parallel_loop3A_250 = tpu.vector_load %arg8[%parallel_loop3A_249] {strides = array<i32>} : memref<32768xf32, #tpu.memory_space<vmem>>, vector<16xf32>,
      tpu.vector_store %arg8[%parallel_loop3A_249], %broadcast_in_dim3A_16 {strides = array<i32>} : memref<32768xf32, #tpu.memory_space<vmem>>, vector<16xf32>,
    } {sc.loop_unroll_factor = 8 : i64, sc.parallel_access}
    %parallel_loop3A_132 = arith.constant 0 : i32
    %parallel_loop3A_133 = arith.constant 1250 : i32
    %parallel_loop3A_134 = arith.constant 1 : i32
    scf.for %parallel_loop3A_246 = %parallel_loop3A_132 to %parallel_loop3A_133 step %parallel_loop3A_134  : i32 {
      %parallel_loop3A_247 = arith.constant 16 : i32
      %parallel_loop3A_248 = arith.muli %parallel_loop3A_246, %parallel_loop3A_247 : i32
      %parallel_loop3A_249 = arith.index_cast %parallel_loop3A_248 : i32 to index
      %parallel_loop3A_250 = tpu.vector_load %arg5[%parallel_loop3A_249] {strides = array<i32>} : memref<20000xf32, #tpu.memory_space<vmem>>, vector<16xf32>,
      %parallel_loop3A_251 = vector.bitcast %parallel_loop3A_250 : vector<16xf32> to vector<16xi32>
      %parallel_loop3A_252 = arith.constant 20 : i32
      %parallel_loop3A_253 = vector.broadcast %parallel_loop3A_252 : i32 to vector<16xi32>
      %parallel_loop3A_254 = arith.shrui %parallel_loop3A_251, %parallel_loop3A_253 : vector<16xi32>
      %parallel_loop3A_255 = vector.broadcast %add3A_124 : i32 to vector<16xi32>
      %parallel_loop3A_256 = arith.cmpi eq, %parallel_loop3A_254, %parallel_loop3A_255 : vector<16xi32>
      %parallel_loop3A_257 = arith.constant 10 : i32
      %parallel_loop3A_258 = vector.broadcast %parallel_loop3A_257 : i32 to vector<16xi32>
      %parallel_loop3A_259 = arith.shrui %parallel_loop3A_251, %parallel_loop3A_258 : vector<16xi32>
      %parallel_loop3A_260 = arith.constant 1023 : i32
      %parallel_loop3A_261 = vector.broadcast %parallel_loop3A_260 : i32 to vector<16xi32>
      %parallel_loop3A_262 = arith.andi %parallel_loop3A_259, %parallel_loop3A_261 : vector<16xi32>
      %parallel_loop3A_263 = arith.addi %mul3A_24, %parallel_loop3A_262 : vector<16xi32>
      tpu.vector_store_idx %arg7[%parallel_loop3A_263], %broadcast_in_dim3A_18 masked %parallel_loop3A_256 {add = true} : memref<32768xf32, #tpu.memory_space<vmem>>[vector<16xi32>], vector<16xf32>, vector<16xi1>
      tpu.vector_store_idx %arg8[%parallel_loop3A_263], %parallel_loop3A_250 masked %parallel_loop3A_256 {add = true} : memref<32768xf32, #tpu.memory_space<vmem>>[vector<16xi32>], vector<16xf32>, vector<16xi1>
    } {sc.loop_unroll_factor = 10 : i64, sc.parallel_access}
    %parallel_loop3A_135 = arith.constant 0 : i32
    %parallel_loop3A_136 = arith.constant 64 : i32
    %parallel_loop3A_137 = arith.constant 1 : i32
    scf.for %parallel_loop3A_246 = %parallel_loop3A_135 to %parallel_loop3A_136 step %parallel_loop3A_137  : i32 {
      %parallel_loop3A_247 = arith.constant 16 : i32
      %parallel_loop3A_248 = arith.muli %parallel_loop3A_246, %parallel_loop3A_247 : i32
      %parallel_loop3A_249 = arith.index_cast %parallel_loop3A_248 : i32 to index
      %parallel_loop3A_250 = tpu.vector_load %arg7[%parallel_loop3A_249] {strides = array<i32>} : memref<32768xf32, #tpu.memory_space<vmem>>, vector<16xf32>,
      %parallel_loop3A_251 = arith.constant 16 : i32
      %parallel_loop3A_252 = arith.muli %parallel_loop3A_246, %parallel_loop3A_251 : i32
      %parallel_loop3A_253 = arith.constant 1024 : i32
      %parallel_loop3A_254 = arith.addi %parallel_loop3A_253, %parallel_loop3A_252 : i32
      %parallel_loop3A_255 = arith.index_cast %parallel_loop3A_254 : i32 to index
      %parallel_loop3A_256 = tpu.vector_load %arg7[%parallel_loop3A_255] {strides = array<i32>} : memref<32768xf32, #tpu.memory_space<vmem>>, vector<16xf32>,
      %parallel_loop3A_257 = arith.addf %parallel_loop3A_250, %parallel_loop3A_256 : vector<16xf32>
      %parallel_loop3A_258 = arith.constant 16 : i32
      %parallel_loop3A_259 = arith.muli %parallel_loop3A_246, %parallel_loop3A_258 : i32
      %parallel_loop3A_260 = arith.constant 2048 : i32
      %parallel_loop3A_261 = arith.addi %parallel_loop3A_260, %parallel_loop3A_259 : i32
      %parallel_loop3A_262 = arith.index_cast %parallel_loop3A_261 : i32 to index
      %parallel_loop3A_263 = tpu.vector_load %arg7[%parallel_loop3A_262] {strides = array<i32>} : memref<32768xf32, #tpu.memory_space<vmem>>, vector<16xf32>,
      %parallel_loop3A_264 = arith.addf %parallel_loop3A_257, %parallel_loop3A_263 : vector<16xf32>
      %parallel_loop3A_265 = arith.constant 16 : i32
      %parallel_loop3A_266 = arith.muli %parallel_loop3A_246, %parallel_loop3A_265 : i32
      %parallel_loop3A_267 = arith.constant 3072 : i32
      %parallel_loop3A_268 = arith.addi %parallel_loop3A_267, %parallel_loop3A_266 : i32
      %parallel_loop3A_269 = arith.index_cast %parallel_loop3A_268 : i32 to index
      %parallel_loop3A_270 = tpu.vector_load %arg7[%parallel_loop3A_269] {strides = array<i32>} : memref<32768xf32, #tpu.memory_space<vmem>>, vector<16xf32>,
      %parallel_loop3A_271 = arith.addf %parallel_loop3A_264, %parallel_loop3A_270 : vector<16xf32>
      %parallel_loop3A_272 = arith.constant 16 : i32
      %parallel_loop3A_273 = arith.muli %parallel_loop3A_246, %parallel_loop3A_272 : i32
      %parallel_loop3A_274 = arith.constant 4096 : i32
      %parallel_loop3A_275 = arith.addi %parallel_loop3A_274, %parallel_loop3A_273 : i32
      %parallel_loop3A_276 = arith.index_cast %parallel_loop3A_275 : i32 to index
      %parallel_loop3A_277 = tpu.vector_load %arg7[%parallel_loop3A_276] {strides = array<i32>} : memref<32768xf32, #tpu.memory_space<vmem>>, vector<16xf32>,
      %parallel_loop3A_278 = arith.addf %parallel_loop3A_271, %parallel_loop3A_277 : vector<16xf32>
      %parallel_loop3A_279 = arith.constant 16 : i32
      %parallel_loop3A_280 = arith.muli %parallel_loop3A_246, %parallel_loop3A_279 : i32
      %parallel_loop3A_281 = arith.constant 5120 : i32
      %parallel_loop3A_282 = arith.addi %parallel_loop3A_281, %parallel_loop3A_280 : i32
      %parallel_loop3A_283 = arith.index_cast %parallel_loop3A_282 : i32 to index
      %parallel_loop3A_284 = tpu.vector_load %arg7[%parallel_loop3A_283] {strides = array<i32>} : memref<32768xf32, #tpu.memory_space<vmem>>, vector<16xf32>,
      %parallel_loop3A_285 = arith.addf %parallel_loop3A_278, %parallel_loop3A_284 : vector<16xf32>
      %parallel_loop3A_286 = arith.constant 16 : i32
      %parallel_loop3A_287 = arith.muli %parallel_loop3A_246, %parallel_loop3A_286 : i32
      %parallel_loop3A_288 = arith.constant 6144 : i32
      %parallel_loop3A_289 = arith.addi %parallel_loop3A_288, %parallel_loop3A_287 : i32
      %parallel_loop3A_290 = arith.index_cast %parallel_loop3A_289 : i32 to index
      %parallel_loop3A_291 = tpu.vector_load %arg7[%parallel_loop3A_290] {strides = array<i32>} : memref<32768xf32, #tpu.memory_space<vmem>>, vector<16xf32>,
      %parallel_loop3A_292 = arith.addf %parallel_loop3A_285, %parallel_loop3A_291 : vector<16xf32>
      %parallel_loop3A_293 = arith.constant 16 : i32
      %parallel_loop3A_294 = arith.muli %parallel_loop3A_246, %parallel_loop3A_293 : i32
      %parallel_loop3A_295 = arith.constant 7168 : i32
      %parallel_loop3A_296 = arith.addi %parallel_loop3A_295, %parallel_loop3A_294 : i32
      %parallel_loop3A_297 = arith.index_cast %parallel_loop3A_296 : i32 to index
      %parallel_loop3A_298 = tpu.vector_load %arg7[%parallel_loop3A_297] {strides = array<i32>} : memref<32768xf32, #tpu.memory_space<vmem>>, vector<16xf32>,
      %parallel_loop3A_299 = arith.addf %parallel_loop3A_292, %parallel_loop3A_298 : vector<16xf32>
      %parallel_loop3A_300 = arith.constant 16 : i32
      %parallel_loop3A_301 = arith.muli %parallel_loop3A_246, %parallel_loop3A_300 : i32
      %parallel_loop3A_302 = arith.constant 8192 : i32
      %parallel_loop3A_303 = arith.addi %parallel_loop3A_302, %parallel_loop3A_301 : i32
      %parallel_loop3A_304 = arith.index_cast %parallel_loop3A_303 : i32 to index
      %parallel_loop3A_305 = tpu.vector_load %arg7[%parallel_loop3A_304] {strides = array<i32>} : memref<32768xf32, #tpu.memory_space<vmem>>, vector<16xf32>,
      %parallel_loop3A_306 = arith.addf %parallel_loop3A_299, %parallel_loop3A_305 : vector<16xf32>
      %parallel_loop3A_307 = arith.constant 16 : i32
      %parallel_loop3A_308 = arith.muli %parallel_loop3A_246, %parallel_loop3A_307 : i32
      %parallel_loop3A_309 = arith.constant 9216 : i32
      %parallel_loop3A_310 = arith.addi %parallel_loop3A_309, %parallel_loop3A_308 : i32
      %parallel_loop3A_311 = arith.index_cast %parallel_loop3A_310 : i32 to index
      %parallel_loop3A_312 = tpu.vector_load %arg7[%parallel_loop3A_311] {strides = array<i32>} : memref<32768xf32, #tpu.memory_space<vmem>>, vector<16xf32>,
      %parallel_loop3A_313 = arith.addf %parallel_loop3A_306, %parallel_loop3A_312 : vector<16xf32>
      %parallel_loop3A_314 = arith.constant 16 : i32
      %parallel_loop3A_315 = arith.muli %parallel_loop3A_246, %parallel_loop3A_314 : i32
      %parallel_loop3A_316 = arith.constant 10240 : i32
      %parallel_loop3A_317 = arith.addi %parallel_loop3A_316, %parallel_loop3A_315 : i32
      %parallel_loop3A_318 = arith.index_cast %parallel_loop3A_317 : i32 to index
      %parallel_loop3A_319 = tpu.vector_load %arg7[%parallel_loop3A_318] {strides = array<i32>} : memref<32768xf32, #tpu.memory_space<vmem>>, vector<16xf32>,
      %parallel_loop3A_320 = arith.addf %parallel_loop3A_313, %parallel_loop3A_319 : vector<16xf32>
      %parallel_loop3A_321 = arith.constant 16 : i32
      %parallel_loop3A_322 = arith.muli %parallel_loop3A_246, %parallel_loop3A_321 : i32
      %parallel_loop3A_323 = arith.constant 11264 : i32
      %parallel_loop3A_324 = arith.addi %parallel_loop3A_323, %parallel_loop3A_322 : i32
      %parallel_loop3A_325 = arith.index_cast %parallel_loop3A_324 : i32 to index
      %parallel_loop3A_326 = tpu.vector_load %arg7[%parallel_loop3A_325] {strides = array<i32>} : memref<32768xf32, #tpu.memory_space<vmem>>, vector<16xf32>,
      %parallel_loop3A_327 = arith.addf %parallel_loop3A_320, %parallel_loop3A_326 : vector<16xf32>
      %parallel_loop3A_328 = arith.constant 16 : i32
      %parallel_loop3A_329 = arith.muli %parallel_loop3A_246, %parallel_loop3A_328 : i32
      %parallel_loop3A_330 = arith.constant 12288 : i32
      %parallel_loop3A_331 = arith.addi %parallel_loop3A_330, %parallel_loop3A_329 : i32
      %parallel_loop3A_332 = arith.index_cast %parallel_loop3A_331 : i32 to index
      %parallel_loop3A_333 = tpu.vector_load %arg7[%parallel_loop3A_332] {strides = array<i32>} : memref<32768xf32, #tpu.memory_space<vmem>>, vector<16xf32>,
      %parallel_loop3A_334 = arith.addf %parallel_loop3A_327, %parallel_loop3A_333 : vector<16xf32>
      %parallel_loop3A_335 = arith.constant 16 : i32
      %parallel_loop3A_336 = arith.muli %parallel_loop3A_246, %parallel_loop3A_335 : i32
      %parallel_loop3A_337 = arith.constant 13312 : i32
      %parallel_loop3A_338 = arith.addi %parallel_loop3A_337, %parallel_loop3A_336 : i32
      %parallel_loop3A_339 = arith.index_cast %parallel_loop3A_338 : i32 to index
      %parallel_loop3A_340 = tpu.vector_load %arg7[%parallel_loop3A_339] {strides = array<i32>} : memref<32768xf32, #tpu.memory_space<vmem>>, vector<16xf32>,
      %parallel_loop3A_341 = arith.addf %parallel_loop3A_334, %parallel_loop3A_340 : vector<16xf32>
      %parallel_loop3A_342 = arith.constant 16 : i32
      %parallel_loop3A_343 = arith.muli %parallel_loop3A_246, %parallel_loop3A_342 : i32
      %parallel_loop3A_344 = arith.constant 14336 : i32
      %parallel_loop3A_345 = arith.addi %parallel_loop3A_344, %parallel_loop3A_343 : i32
      %parallel_loop3A_346 = arith.index_cast %parallel_loop3A_345 : i32 to index
      %parallel_loop3A_347 = tpu.vector_load %arg7[%parallel_loop3A_346] {strides = array<i32>} : memref<32768xf32, #tpu.memory_space<vmem>>, vector<16xf32>,
      %parallel_loop3A_348 = arith.addf %parallel_loop3A_341, %parallel_loop3A_347 : vector<16xf32>
      %parallel_loop3A_349 = arith.constant 16 : i32
      %parallel_loop3A_350 = arith.muli %parallel_loop3A_246, %parallel_loop3A_349 : i32
      %parallel_loop3A_351 = arith.constant 15360 : i32
      %parallel_loop3A_352 = arith.addi %parallel_loop3A_351, %parallel_loop3A_350 : i32
      %parallel_loop3A_353 = arith.index_cast %parallel_loop3A_352 : i32 to index
      %parallel_loop3A_354 = tpu.vector_load %arg7[%parallel_loop3A_353] {strides = array<i32>} : memref<32768xf32, #tpu.memory_space<vmem>>, vector<16xf32>,
      %parallel_loop3A_355 = arith.addf %parallel_loop3A_348, %parallel_loop3A_354 : vector<16xf32>
      %parallel_loop3A_356 = arith.constant 16 : i32
      %parallel_loop3A_357 = arith.muli %parallel_loop3A_246, %parallel_loop3A_356 : i32
      %parallel_loop3A_358 = arith.index_cast %parallel_loop3A_357 : i32 to index
      %parallel_loop3A_359 = tpu.vector_load %arg7[%parallel_loop3A_358] {strides = array<i32>} : memref<32768xf32, #tpu.memory_space<vmem>>, vector<16xf32>,
      tpu.vector_store %arg7[%parallel_loop3A_358], %parallel_loop3A_355 {strides = array<i32>} : memref<32768xf32, #tpu.memory_space<vmem>>, vector<16xf32>,
    } {sc.loop_unroll_factor = 2 : i64, sc.parallel_access}
    %parallel_loop3A_138 = arith.constant 0 : i32
    %parallel_loop3A_139 = arith.constant 64 : i32
    %parallel_loop3A_140 = arith.constant 1 : i32
    scf.for %parallel_loop3A_246 = %parallel_loop3A_138 to %parallel_loop3A_139 step %parallel_loop3A_140  : i32 {
      %parallel_loop3A_247 = arith.constant 16 : i32
      %parallel_loop3A_248 = arith.muli %parallel_loop3A_246, %parallel_loop3A_247 : i32
      %parallel_loop3A_249 = arith.index_cast %parallel_loop3A_248 : i32 to index
      %parallel_loop3A_250 = tpu.vector_load %arg8[%parallel_loop3A_249] {strides = array<i32>} : memref<32768xf32, #tpu.memory_space<vmem>>, vector<16xf32>,
      %parallel_loop3A_251 = arith.constant 16 : i32
      %parallel_loop3A_252 = arith.muli %parallel_loop3A_246, %parallel_loop3A_251 : i32
      %parallel_loop3A_253 = arith.constant 1024 : i32
      %parallel_loop3A_254 = arith.addi %parallel_loop3A_253, %parallel_loop3A_252 : i32
      %parallel_loop3A_255 = arith.index_cast %parallel_loop3A_254 : i32 to index
      %parallel_loop3A_256 = tpu.vector_load %arg8[%parallel_loop3A_255] {strides = array<i32>} : memref<32768xf32, #tpu.memory_space<vmem>>, vector<16xf32>,
      %parallel_loop3A_257 = arith.addf %parallel_loop3A_250, %parallel_loop3A_256 : vector<16xf32>
      %parallel_loop3A_258 = arith.constant 16 : i32
      %parallel_loop3A_259 = arith.muli %parallel_loop3A_246, %parallel_loop3A_258 : i32
      %parallel_loop3A_260 = arith.constant 2048 : i32
      %parallel_loop3A_261 = arith.addi %parallel_loop3A_260, %parallel_loop3A_259 : i32
      %parallel_loop3A_262 = arith.index_cast %parallel_loop3A_261 : i32 to index
      %parallel_loop3A_263 = tpu.vector_load %arg8[%parallel_loop3A_262] {strides = array<i32>} : memref<32768xf32, #tpu.memory_space<vmem>>, vector<16xf32>,
      %parallel_loop3A_264 = arith.addf %parallel_loop3A_257, %parallel_loop3A_263 : vector<16xf32>
      %parallel_loop3A_265 = arith.constant 16 : i32
      %parallel_loop3A_266 = arith.muli %parallel_loop3A_246, %parallel_loop3A_265 : i32
      %parallel_loop3A_267 = arith.constant 3072 : i32
      %parallel_loop3A_268 = arith.addi %parallel_loop3A_267, %parallel_loop3A_266 : i32
      %parallel_loop3A_269 = arith.index_cast %parallel_loop3A_268 : i32 to index
      %parallel_loop3A_270 = tpu.vector_load %arg8[%parallel_loop3A_269] {strides = array<i32>} : memref<32768xf32, #tpu.memory_space<vmem>>, vector<16xf32>,
      %parallel_loop3A_271 = arith.addf %parallel_loop3A_264, %parallel_loop3A_270 : vector<16xf32>
      %parallel_loop3A_272 = arith.constant 16 : i32
      %parallel_loop3A_273 = arith.muli %parallel_loop3A_246, %parallel_loop3A_272 : i32
      %parallel_loop3A_274 = arith.constant 4096 : i32
      %parallel_loop3A_275 = arith.addi %parallel_loop3A_274, %parallel_loop3A_273 : i32
      %parallel_loop3A_276 = arith.index_cast %parallel_loop3A_275 : i32 to index
      %parallel_loop3A_277 = tpu.vector_load %arg8[%parallel_loop3A_276] {strides = array<i32>} : memref<32768xf32, #tpu.memory_space<vmem>>, vector<16xf32>,
      %parallel_loop3A_278 = arith.addf %parallel_loop3A_271, %parallel_loop3A_277 : vector<16xf32>
      %parallel_loop3A_279 = arith.constant 16 : i32
      %parallel_loop3A_280 = arith.muli %parallel_loop3A_246, %parallel_loop3A_279 : i32
      %parallel_loop3A_281 = arith.constant 5120 : i32
      %parallel_loop3A_282 = arith.addi %parallel_loop3A_281, %parallel_loop3A_280 : i32
      %parallel_loop3A_283 = arith.index_cast %parallel_loop3A_282 : i32 to index
      %parallel_loop3A_284 = tpu.vector_load %arg8[%parallel_loop3A_283] {strides = array<i32>} : memref<32768xf32, #tpu.memory_space<vmem>>, vector<16xf32>,
      %parallel_loop3A_285 = arith.addf %parallel_loop3A_278, %parallel_loop3A_284 : vector<16xf32>
      %parallel_loop3A_286 = arith.constant 16 : i32
      %parallel_loop3A_287 = arith.muli %parallel_loop3A_246, %parallel_loop3A_286 : i32
      %parallel_loop3A_288 = arith.constant 6144 : i32
      %parallel_loop3A_289 = arith.addi %parallel_loop3A_288, %parallel_loop3A_287 : i32
      %parallel_loop3A_290 = arith.index_cast %parallel_loop3A_289 : i32 to index
      %parallel_loop3A_291 = tpu.vector_load %arg8[%parallel_loop3A_290] {strides = array<i32>} : memref<32768xf32, #tpu.memory_space<vmem>>, vector<16xf32>,
      %parallel_loop3A_292 = arith.addf %parallel_loop3A_285, %parallel_loop3A_291 : vector<16xf32>
      %parallel_loop3A_293 = arith.constant 16 : i32
      %parallel_loop3A_294 = arith.muli %parallel_loop3A_246, %parallel_loop3A_293 : i32
      %parallel_loop3A_295 = arith.constant 7168 : i32
      %parallel_loop3A_296 = arith.addi %parallel_loop3A_295, %parallel_loop3A_294 : i32
      %parallel_loop3A_297 = arith.index_cast %parallel_loop3A_296 : i32 to index
      %parallel_loop3A_298 = tpu.vector_load %arg8[%parallel_loop3A_297] {strides = array<i32>} : memref<32768xf32, #tpu.memory_space<vmem>>, vector<16xf32>,
      %parallel_loop3A_299 = arith.addf %parallel_loop3A_292, %parallel_loop3A_298 : vector<16xf32>
      %parallel_loop3A_300 = arith.constant 16 : i32
      %parallel_loop3A_301 = arith.muli %parallel_loop3A_246, %parallel_loop3A_300 : i32
      %parallel_loop3A_302 = arith.constant 8192 : i32
      %parallel_loop3A_303 = arith.addi %parallel_loop3A_302, %parallel_loop3A_301 : i32
      %parallel_loop3A_304 = arith.index_cast %parallel_loop3A_303 : i32 to index
      %parallel_loop3A_305 = tpu.vector_load %arg8[%parallel_loop3A_304] {strides = array<i32>} : memref<32768xf32, #tpu.memory_space<vmem>>, vector<16xf32>,
      %parallel_loop3A_306 = arith.addf %parallel_loop3A_299, %parallel_loop3A_305 : vector<16xf32>
      %parallel_loop3A_307 = arith.constant 16 : i32
      %parallel_loop3A_308 = arith.muli %parallel_loop3A_246, %parallel_loop3A_307 : i32
      %parallel_loop3A_309 = arith.constant 9216 : i32
      %parallel_loop3A_310 = arith.addi %parallel_loop3A_309, %parallel_loop3A_308 : i32
      %parallel_loop3A_311 = arith.index_cast %parallel_loop3A_310 : i32 to index
      %parallel_loop3A_312 = tpu.vector_load %arg8[%parallel_loop3A_311] {strides = array<i32>} : memref<32768xf32, #tpu.memory_space<vmem>>, vector<16xf32>,
      %parallel_loop3A_313 = arith.addf %parallel_loop3A_306, %parallel_loop3A_312 : vector<16xf32>
      %parallel_loop3A_314 = arith.constant 16 : i32
      %parallel_loop3A_315 = arith.muli %parallel_loop3A_246, %parallel_loop3A_314 : i32
      %parallel_loop3A_316 = arith.constant 10240 : i32
      %parallel_loop3A_317 = arith.addi %parallel_loop3A_316, %parallel_loop3A_315 : i32
      %parallel_loop3A_318 = arith.index_cast %parallel_loop3A_317 : i32 to index
      %parallel_loop3A_319 = tpu.vector_load %arg8[%parallel_loop3A_318] {strides = array<i32>} : memref<32768xf32, #tpu.memory_space<vmem>>, vector<16xf32>,
      %parallel_loop3A_320 = arith.addf %parallel_loop3A_313, %parallel_loop3A_319 : vector<16xf32>
      %parallel_loop3A_321 = arith.constant 16 : i32
      %parallel_loop3A_322 = arith.muli %parallel_loop3A_246, %parallel_loop3A_321 : i32
      %parallel_loop3A_323 = arith.constant 11264 : i32
      %parallel_loop3A_324 = arith.addi %parallel_loop3A_323, %parallel_loop3A_322 : i32
      %parallel_loop3A_325 = arith.index_cast %parallel_loop3A_324 : i32 to index
      %parallel_loop3A_326 = tpu.vector_load %arg8[%parallel_loop3A_325] {strides = array<i32>} : memref<32768xf32, #tpu.memory_space<vmem>>, vector<16xf32>,
      %parallel_loop3A_327 = arith.addf %parallel_loop3A_320, %parallel_loop3A_326 : vector<16xf32>
      %parallel_loop3A_328 = arith.constant 16 : i32
      %parallel_loop3A_329 = arith.muli %parallel_loop3A_246, %parallel_loop3A_328 : i32
      %parallel_loop3A_330 = arith.constant 12288 : i32
      %parallel_loop3A_331 = arith.addi %parallel_loop3A_330, %parallel_loop3A_329 : i32
      %parallel_loop3A_332 = arith.index_cast %parallel_loop3A_331 : i32 to index
      %parallel_loop3A_333 = tpu.vector_load %arg8[%parallel_loop3A_332] {strides = array<i32>} : memref<32768xf32, #tpu.memory_space<vmem>>, vector<16xf32>,
      %parallel_loop3A_334 = arith.addf %parallel_loop3A_327, %parallel_loop3A_333 : vector<16xf32>
      %parallel_loop3A_335 = arith.constant 16 : i32
      %parallel_loop3A_336 = arith.muli %parallel_loop3A_246, %parallel_loop3A_335 : i32
      %parallel_loop3A_337 = arith.constant 13312 : i32
      %parallel_loop3A_338 = arith.addi %parallel_loop3A_337, %parallel_loop3A_336 : i32
      %parallel_loop3A_339 = arith.index_cast %parallel_loop3A_338 : i32 to index
      %parallel_loop3A_340 = tpu.vector_load %arg8[%parallel_loop3A_339] {strides = array<i32>} : memref<32768xf32, #tpu.memory_space<vmem>>, vector<16xf32>,
      %parallel_loop3A_341 = arith.addf %parallel_loop3A_334, %parallel_loop3A_340 : vector<16xf32>
      %parallel_loop3A_342 = arith.constant 16 : i32
      %parallel_loop3A_343 = arith.muli %parallel_loop3A_246, %parallel_loop3A_342 : i32
      %parallel_loop3A_344 = arith.constant 14336 : i32
      %parallel_loop3A_345 = arith.addi %parallel_loop3A_344, %parallel_loop3A_343 : i32
      %parallel_loop3A_346 = arith.index_cast %parallel_loop3A_345 : i32 to index
      %parallel_loop3A_347 = tpu.vector_load %arg8[%parallel_loop3A_346] {strides = array<i32>} : memref<32768xf32, #tpu.memory_space<vmem>>, vector<16xf32>,
      %parallel_loop3A_348 = arith.addf %parallel_loop3A_341, %parallel_loop3A_347 : vector<16xf32>
      %parallel_loop3A_349 = arith.constant 16 : i32
      %parallel_loop3A_350 = arith.muli %parallel_loop3A_246, %parallel_loop3A_349 : i32
      %parallel_loop3A_351 = arith.constant 15360 : i32
      %parallel_loop3A_352 = arith.addi %parallel_loop3A_351, %parallel_loop3A_350 : i32
      %parallel_loop3A_353 = arith.index_cast %parallel_loop3A_352 : i32 to index
      %parallel_loop3A_354 = tpu.vector_load %arg8[%parallel_loop3A_353] {strides = array<i32>} : memref<32768xf32, #tpu.memory_space<vmem>>, vector<16xf32>,
      %parallel_loop3A_355 = arith.addf %parallel_loop3A_348, %parallel_loop3A_354 : vector<16xf32>
      %parallel_loop3A_356 = arith.constant 16 : i32
      %parallel_loop3A_357 = arith.muli %parallel_loop3A_246, %parallel_loop3A_356 : i32
      %parallel_loop3A_358 = arith.index_cast %parallel_loop3A_357 : i32 to index
      %parallel_loop3A_359 = tpu.vector_load %arg8[%parallel_loop3A_358] {strides = array<i32>} : memref<32768xf32, #tpu.memory_space<vmem>>, vector<16xf32>,
      tpu.vector_store %arg8[%parallel_loop3A_358], %parallel_loop3A_355 {strides = array<i32>} : memref<32768xf32, #tpu.memory_space<vmem>>, vector<16xf32>,
    } {sc.loop_unroll_factor = 2 : i64, sc.parallel_access}
    %scan3A_141 = arith.constant 0.000000e+00 : f32
    %scan3A_142 = arith.constant 0.000000e+00 : f32
    %scan3A_143 = arith.constant 0 : i32
    %scan3A_144 = arith.constant 0.000000e+00 : f32
    %scan3A_145 = arith.constant 0.000000e+00 : f32
    %scan3A_146 = arith.constant false
    %scan3A_147 = arith.constant 0 : i32
    %scan3A_148 = arith.constant 64 : i32
    %scan3A_149 = arith.addi %scan3A_147, %scan3A_148 : i32
    %scan3A_150 = arith.constant 1 : i32
    %scan3A_151:6 = scf.for %scan3A_246 = %scan3A_147 to %scan3A_149 step %scan3A_150 iter_args(%scan3A_247 = %scan3A_141, %scan3A_248 = %scan3A_142, %scan3A_249 = %scan3A_143, %scan3A_250 = %scan3A_144, %scan3A_251 = %scan3A_145, %scan3A_252 = %scan3A_146) -> (f32, f32, i32, f32, f32, i1)  : i32 {
      %sub3A_253 = arith.constant 63 : i32
      %sub3A_254 = arith.subi %sub3A_253, %scan3A_246 : i32
      %mul3A_255 = arith.constant 16 : i32
      %mul3A_256 = arith.muli %sub3A_254, %mul3A_255 : i32
      %get3A_257 = arith.index_cast %mul3A_256 : i32 to index
      %get3A_258 = tpu.vector_load %arg7[%get3A_257] {strides = array<i32>} : memref<32768xf32, #tpu.memory_space<vmem>>, vector<16xf32>,
      %reduce_sum3A_259 = arith.constant true
      %reduce_sum3A_260 = vector.broadcast %reduce_sum3A_259 : i1 to vector<16xi1>
      %reduce_sum3A_261 = tpu.scan <sum>, %get3A_258 masked %reduce_sum3A_260 : vector<16xf32>, vector<16xi1> -> vector<16xf32>
      %reduce_sum3A_262 = vector.extract %reduce_sum3A_261[15] : f32 from vector<16xf32>
      %mul3A_263 = arith.constant 16 : i32
      %mul3A_264 = arith.muli %sub3A_254, %mul3A_263 : i32
      %get3A_265 = arith.index_cast %mul3A_264 : i32 to index
      %get3A_266 = tpu.vector_load %arg8[%get3A_265] {strides = array<i32>} : memref<32768xf32, #tpu.memory_space<vmem>>, vector<16xf32>,
      %reduce_sum3A_267 = arith.constant true
      %reduce_sum3A_268 = vector.broadcast %reduce_sum3A_267 : i1 to vector<16xi1>
      %reduce_sum3A_269 = tpu.scan <sum>, %get3A_266 masked %reduce_sum3A_268 : vector<16xf32>, vector<16xi1> -> vector<16xf32>
      %reduce_sum3A_270 = vector.extract %reduce_sum3A_269[15] : f32 from vector<16xf32>
      %add3A_271 = arith.addf %scan3A_247, %reduce_sum3A_262 : f32
      %not3A = arith.constant true
      %not3A_272 = arith.xori %scan3A_252, %not3A : i1
      %ge3A_273 = arith.cmpf oge, %add3A_271, %sub3A_125 : f32
      %and3A = arith.andi %not3A_272, %ge3A_273 : i1
      %select_n3A_274 = arith.select %and3A, %sub3A_254, %scan3A_249 : i32
      %select_n3A_275 = arith.select %and3A, %scan3A_247, %scan3A_250 : f32
      %select_n3A_276 = arith.select %and3A, %scan3A_248, %scan3A_251 : f32
      %add3A_277 = arith.addf %scan3A_248, %reduce_sum3A_270 : f32
      %or3A = arith.ori %scan3A_252, %and3A : i1
      scf.yield %add3A_271, %add3A_277, %select_n3A_274, %select_n3A_275, %select_n3A_276, %or3A : f32, f32, i32, f32, f32, i1
    }
    %scan3A_152 = arith.constant 64 : i32
    %mul3A_153 = arith.constant 16 : i32
    %mul3A_154 = arith.muli %scan3A_151#2, %mul3A_153 : i32
    %get3A_155 = arith.index_cast %mul3A_154 : i32 to index
    %get3A_156 = tpu.vector_load %arg7[%get3A_155] {strides = array<i32>} : memref<32768xf32, #tpu.memory_space<vmem>>, vector<16xf32>,
    %mul3A_157 = arith.constant 16 : i32
    %mul3A_158 = arith.muli %scan3A_151#2, %mul3A_157 : i32
    %get3A_159 = arith.index_cast %mul3A_158 : i32 to index
    %get3A_160 = tpu.vector_load %arg8[%get3A_159] {strides = array<i32>} : memref<32768xf32, #tpu.memory_space<vmem>>, vector<16xf32>,
    %broadcast_in_dim3A_161 = arith.constant true
    %broadcast_in_dim3A_162 = vector.broadcast %broadcast_in_dim3A_161 : i1 to vector<16xi1>
    %masked_cumsum3A_163 = tpu.scan <sum>, %get3A_156 masked %broadcast_in_dim3A_162 : vector<16xf32>, vector<16xi1> -> vector<16xf32>
    %broadcast_in_dim3A_164 = arith.constant true
    %broadcast_in_dim3A_165 = vector.broadcast %broadcast_in_dim3A_164 : i1 to vector<16xi1>
    %masked_cumsum3A_166 = tpu.scan <sum>, %get3A_160 masked %broadcast_in_dim3A_165 : vector<16xf32>, vector<16xi1> -> vector<16xf32>
    %reduce_sum3A_167 = arith.constant true
    %reduce_sum3A_168 = vector.broadcast %reduce_sum3A_167 : i1 to vector<16xi1>
    %reduce_sum3A_169 = tpu.scan <sum>, %get3A_156 masked %reduce_sum3A_168 : vector<16xf32>, vector<16xi1> -> vector<16xf32>
    %reduce_sum3A_170 = vector.extract %reduce_sum3A_169[15] : f32 from vector<16xf32>
    %reduce_sum3A_171 = arith.constant true
    %reduce_sum3A_172 = vector.broadcast %reduce_sum3A_171 : i1 to vector<16xi1>
    %reduce_sum3A_173 = tpu.scan <sum>, %get3A_160 masked %reduce_sum3A_172 : vector<16xf32>, vector<16xi1> -> vector<16xf32>
    %reduce_sum3A_174 = vector.extract %reduce_sum3A_173[15] : f32 from vector<16xf32>
    %iota3A_175 = tpu.iota {dimensions = array<i32: 0>} : vector<16xi32>
    %sub3A_176 = vector.broadcast %reduce_sum3A_170 : f32 to vector<16xf32>
    %sub3A_177 = arith.subf %sub3A_176, %masked_cumsum3A_163 : vector<16xf32>
    %add3A_178 = vector.broadcast %scan3A_151#3 : f32 to vector<16xf32>
    %add3A_179 = arith.addf %add3A_178, %sub3A_177 : vector<16xf32>
    %add3A_180 = arith.addf %add3A_179, %get3A_156 : vector<16xf32>
    %ge3A_181 = vector.broadcast %sub3A_125 : f32 to vector<16xf32>
    %ge3A_182 = arith.cmpf oge, %add3A_180, %ge3A_181 : vector<16xf32>
    %jit3A_183 = arith.constant -1 : i32
    %broadcast_in_dim3A_184 = vector.broadcast %jit3A_183 : i32 to vector<16xi32>
    %select_n3A_185 = arith.select %ge3A_182, %iota3A_175, %broadcast_in_dim3A_184 : vector<16xi1>, vector<16xi32>
    %reduce_max3A_186 = arith.constant true
    %reduce_max3A_187 = vector.broadcast %reduce_max3A_186 : i1 to vector<16xi1>
    %reduce_max3A_188 = arith.constant -2147483648 : i32
    %reduce_max3A_189 = vector.broadcast %reduce_max3A_188 : i32 to vector<16xi32>
    %reduce_max3A_190 = arith.xori %select_n3A_185, %reduce_max3A_189 : vector<16xi32>
    %reduce_max3A_191 = tpu.scan <max>, %reduce_max3A_190 masked %reduce_max3A_187 : vector<16xi32>, vector<16xi1> -> vector<16xi32>
    %reduce_max3A_192 = arith.xori %reduce_max3A_191, %reduce_max3A_189 : vector<16xi32>
    %reduce_max3A_193 = vector.extract %reduce_max3A_192[15] : i32 from vector<16xi32>
    %eq3A_194 = vector.broadcast %reduce_max3A_193 : i32 to vector<16xi32>
    %eq3A_195 = arith.cmpi eq, %iota3A_175, %eq3A_194 : vector<16xi32>
    %jit3A_196 = arith.constant 0.000000e+00 : f32
    %broadcast_in_dim3A_197 = vector.broadcast %jit3A_196 : f32 to vector<16xf32>
    %select_n3A_198 = arith.select %eq3A_195, %masked_cumsum3A_163, %broadcast_in_dim3A_197 : vector<16xi1>, vector<16xf32>
    %reduce_sum3A_199 = arith.constant true
    %reduce_sum3A_200 = vector.broadcast %reduce_sum3A_199 : i1 to vector<16xi1>
    %reduce_sum3A_201 = tpu.scan <sum>, %select_n3A_198 masked %reduce_sum3A_200 : vector<16xf32>, vector<16xi1> -> vector<16xf32>
    %reduce_sum3A_202 = vector.extract %reduce_sum3A_201[15] : f32 from vector<16xf32>
    %jit3A_203 = arith.constant 0.000000e+00 : f32
    %broadcast_in_dim3A_204 = vector.broadcast %jit3A_203 : f32 to vector<16xf32>
    %select_n3A_205 = arith.select %eq3A_195, %masked_cumsum3A_166, %broadcast_in_dim3A_204 : vector<16xi1>, vector<16xf32>
    %reduce_sum3A_206 = arith.constant true
    %reduce_sum3A_207 = vector.broadcast %reduce_sum3A_206 : i1 to vector<16xi1>
    %reduce_sum3A_208 = tpu.scan <sum>, %select_n3A_205 masked %reduce_sum3A_207 : vector<16xf32>, vector<16xi1> -> vector<16xf32>
    %reduce_sum3A_209 = vector.extract %reduce_sum3A_208[15] : f32 from vector<16xf32>
    %jit3A_210 = arith.constant 0.000000e+00 : f32
    %broadcast_in_dim3A_211 = vector.broadcast %jit3A_210 : f32 to vector<16xf32>
    %select_n3A_212 = arith.select %eq3A_195, %get3A_156, %broadcast_in_dim3A_211 : vector<16xi1>, vector<16xf32>
    %reduce_sum3A_213 = arith.constant true
    %reduce_sum3A_214 = vector.broadcast %reduce_sum3A_213 : i1 to vector<16xi1>
    %reduce_sum3A_215 = tpu.scan <sum>, %select_n3A_212 masked %reduce_sum3A_214 : vector<16xf32>, vector<16xi1> -> vector<16xf32>
    %reduce_sum3A_216 = vector.extract %reduce_sum3A_215[15] : f32 from vector<16xf32>
    %jit3A_217 = arith.constant 0.000000e+00 : f32
    %broadcast_in_dim3A_218 = vector.broadcast %jit3A_217 : f32 to vector<16xf32>
    %select_n3A_219 = arith.select %eq3A_195, %get3A_160, %broadcast_in_dim3A_218 : vector<16xi1>, vector<16xf32>
    %reduce_sum3A_220 = arith.constant true
    %reduce_sum3A_221 = vector.broadcast %reduce_sum3A_220 : i1 to vector<16xi1>
    %reduce_sum3A_222 = tpu.scan <sum>, %select_n3A_219 masked %reduce_sum3A_221 : vector<16xf32>, vector<16xi1> -> vector<16xf32>
    %reduce_sum3A_223 = vector.extract %reduce_sum3A_222[15] : f32 from vector<16xf32>
    %add3A_224 = arith.addf %scan3A_151#3, %reduce_sum3A_170 : f32
    %sub3A_225 = arith.subf %add3A_224, %reduce_sum3A_202 : f32
    %add3A_226 = arith.addf %scan3A_151#4, %reduce_sum3A_174 : f32
    %sub3A_227 = arith.subf %add3A_226, %reduce_sum3A_209 : f32
    %mul3A_228 = arith.constant 16 : i32
    %mul3A_229 = arith.muli %scan3A_151#2, %mul3A_228 : i32
    %add3A_230 = arith.addi %mul3A_229, %reduce_max3A_193 : i32
    %broadcast_in_dim3A_231 = arith.constant 0.000000e+00 : f32
    %broadcast_in_dim3A_232 = vector.broadcast %broadcast_in_dim3A_231 : f32 to vector<16xf32>
    %add3A_233 = vector.broadcast %reduce_sum3A_223 : f32 to vector<16xf32>
    %add3A_234 = arith.addf %broadcast_in_dim3A_232, %add3A_233 : vector<16xf32>
    %add3A_235 = vector.broadcast %reduce_sum3A_216 : f32 to vector<16xf32>
    %add3A_236 = arith.addf %broadcast_in_dim3A_232, %add3A_235 : vector<16xf32>
    %div3A = arith.divf %add3A_234, %add3A_236 : vector<16xf32>
    %add3A_237 = arith.addf %sub3A_121, %sub3A_227 : f32
    %sub3A_238 = arith.subf %sub3A_125, %sub3A_225 : f32
    %mul3A_239 = vector.broadcast %sub3A_238 : f32 to vector<16xf32>
    %mul3A_240 = arith.mulf %mul3A_239, %div3A : vector<16xf32>
    %add3A_241 = vector.broadcast %add3A_237 : f32 to vector<16xf32>
    %add3A_242 = arith.addf %add3A_241, %mul3A_240 : vector<16xf32>
    %gt3A = arith.constant 0.000000e+00 : f32
    %gt3A_243 = arith.cmpf ogt, %reduce_sum3A_14, %gt3A : f32
    %select_n3A_244 = arith.select %gt3A_243, %add3A_242, %broadcast_in_dim3A_232 : vector<16xf32>
    %swap3A = arith.constant 0 : index
    %swap3A_245 = tpu.vector_load %arg9[%swap3A] {strides = array<i32>} : memref<16xf32, #tpu.memory_space<vmem>>, vector<16xf32>,
    tpu.vector_store %arg9[%swap3A], %select_n3A_244 {strides = array<i32>} : memref<16xf32, #tpu.memory_space<vmem>>, vector<16xf32>,
    "tpu.region"() ({
      %run_scoped3A = tpu.sem_alloc : memref<!tpu.dma_semaphore, #tpu.memory_space<semaphore_mem>>
      %dma_start3A = arith.constant 0 : i32
      %dma_start3A_246 = tpu.memref_slice %arg4[%add3A, %dma_start3A] : memref<32x16xf32, #tpu.memory_space<hbm>> -> memref<1x16xf32, #tpu.memory_space<hbm>>
      %dma_start3A_247 = tpu.memref_squeeze %dma_start3A_246 : memref<1x16xf32, #tpu.memory_space<hbm>> -> memref<16xf32, #tpu.memory_space<hbm>>
      %dma_start3A_248 = arith.constant 0 : i32
      %dma_start3A_249 = tpu.memref_slice %arg4[%add3A, %dma_start3A_248] : memref<32x16xf32, #tpu.memory_space<hbm>> -> memref<1x16xf32, #tpu.memory_space<hbm>>
      %dma_start3A_250 = tpu.memref_squeeze %dma_start3A_249 : memref<1x16xf32, #tpu.memory_space<hbm>> -> memref<16xf32, #tpu.memory_space<hbm>>
      tpu.enqueue_dma source(%arg9 : memref<16xf32, #tpu.memory_space<vmem>>) target(%dma_start3A_250 : memref<16xf32, #tpu.memory_space<hbm>>) target_semaphore(%run_scoped3A : memref<!tpu.dma_semaphore, #tpu.memory_space<semaphore_mem>>)
      %dma_wait3A = arith.constant 0 : i32
      %dma_wait3A_251 = tpu.memref_slice %arg4[%add3A, %dma_wait3A] : memref<32x16xf32, #tpu.memory_space<hbm>> -> memref<1x16xf32, #tpu.memory_space<hbm>>
      %dma_wait3A_252 = tpu.memref_squeeze %dma_wait3A_251 : memref<1x16xf32, #tpu.memory_space<hbm>> -> memref<16xf32, #tpu.memory_space<hbm>>
      %dma_wait3A_253 = arith.constant 0 : i32
      %dma_wait3A_254 = tpu.memref_slice %arg4[%add3A, %dma_wait3A_253] : memref<32x16xf32, #tpu.memory_space<hbm>> -> memref<1x16xf32, #tpu.memory_space<hbm>>
      %dma_wait3A_255 = tpu.memref_squeeze %dma_wait3A_254 : memref<1x16xf32, #tpu.memory_space<hbm>> -> memref<16xf32, #tpu.memory_space<hbm>>
      tpu.wait_dma2 semaphore(%run_scoped3A : memref<!tpu.dma_semaphore, #tpu.memory_space<semaphore_mem>>) src(%arg9 : memref<16xf32, #tpu.memory_space<vmem>>) dst(%dma_wait3A_255 : memref<16xf32, #tpu.memory_space<hbm>>)
      tpu.yield
    }) : () -> ()
    return
  }
}

module attributes {stable_mosaic.version = 14 : i64} {
  func.func @_phase1_body(%arg0: i32, %arg1: memref<81x32x1024xf32, #tpu.memory_space<vmem>>, %arg2: memref<32x1024xi32, #tpu.memory_space<vmem>>, %arg3: memref<32x4x1024xf32, #tpu.memory_space<vmem>>, %arg4: memref<32x4x1024xf32, #tpu.memory_space<vmem>>, %arg5: memref<32x1024xf32, #tpu.memory_space<vmem>>, %arg6: memref<32x128xf32, #tpu.memory_space<vmem>>) attributes {dimension_semantics = [#tpu.dimension_semantics<arbitrary>], iteration_bounds = array<i64: 20>, scalar_prefetch = 0 : i64, scratch_operands = 0 : i64, tpu.core_type = #tpu.core_type<tc>, window_params = [{transform_indices = @transform_0, window_bounds = array<i64: 81, 32, 1024>}, {transform_indices = @transform_1, window_bounds = array<i64: 32, 1024>}, {transform_indices = @transform_2, window_bounds = array<i64: 32, 4, 1024>}, {transform_indices = @transform_3, window_bounds = array<i64: 32, 4, 1024>}, {transform_indices = @transform_4, window_bounds = array<i64: 32, 1024>}, {pipeline_mode = #tpu.pipeline_mode<synchronous>, transform_indices = @transform_5, window_bounds = array<i64: 32, 128>}]} {
    %get3A = arith.constant 0 : index
    %get3A_0 = arith.constant 0 : index
    %get3A_1 = vector.load %arg2[%get3A, %get3A_0] : memref<32x1024xi32, #tpu.memory_space<vmem>>, vector<32x1024xi32>
    %mul3A = arith.constant 1024 : i32
    %mul3A_2 = arith.muli %arg0, %mul3A : i32
    %iota3A = tpu.iota {dimensions = array<i32: 1>} : vector<32x1024xi32>
    %add3A = vector.broadcast %mul3A_2 : i32 to vector<32x1024xi32>
    %add3A_3 = arith.addi %add3A, %iota3A : vector<32x1024xi32>
    %lt3A = arith.constant 20000 : i32
    %lt3A_4 = vector.broadcast %lt3A : i32 to vector<32x1024xi32>
    %lt3A_5 = arith.cmpi slt, %add3A_3, %lt3A_4 : vector<32x1024xi32>
    %get3A_6 = arith.constant 0 : index
    %get3A_7 = arith.constant 0 : index
    %get3A_8 = arith.constant 0 : index
    %get3A_9 = vector.load %arg1[%get3A_6, %get3A_7, %get3A_8] : memref<81x32x1024xf32, #tpu.memory_space<vmem>>, vector<1x32x1024xf32>
    %get3A_10 = vector.shape_cast %get3A_9 : vector<1x32x1024xf32> to vector<32x1024xf32>
    %get3A_11 = arith.constant 1 : index
    %get3A_12 = arith.constant 0 : index
    %get3A_13 = arith.constant 0 : index
    %get3A_14 = vector.load %arg1[%get3A_11, %get3A_12, %get3A_13] : memref<81x32x1024xf32, #tpu.memory_space<vmem>>, vector<1x32x1024xf32>
    %get3A_15 = vector.shape_cast %get3A_14 : vector<1x32x1024xf32> to vector<32x1024xf32>
    %max3A = arith.maximumf %get3A_10, %get3A_15 : vector<32x1024xf32>
    %get3A_16 = arith.constant 2 : index
    %get3A_17 = arith.constant 0 : index
    %get3A_18 = arith.constant 0 : index
    %get3A_19 = vector.load %arg1[%get3A_16, %get3A_17, %get3A_18] : memref<81x32x1024xf32, #tpu.memory_space<vmem>>, vector<1x32x1024xf32>
    %get3A_20 = vector.shape_cast %get3A_19 : vector<1x32x1024xf32> to vector<32x1024xf32>
    %max3A_21 = arith.maximumf %max3A, %get3A_20 : vector<32x1024xf32>
    %get3A_22 = arith.constant 3 : index
    %get3A_23 = arith.constant 0 : index
    %get3A_24 = arith.constant 0 : index
    %get3A_25 = vector.load %arg1[%get3A_22, %get3A_23, %get3A_24] : memref<81x32x1024xf32, #tpu.memory_space<vmem>>, vector<1x32x1024xf32>
    %get3A_26 = vector.shape_cast %get3A_25 : vector<1x32x1024xf32> to vector<32x1024xf32>
    %max3A_27 = arith.maximumf %max3A_21, %get3A_26 : vector<32x1024xf32>
    %get3A_28 = arith.constant 4 : index
    %get3A_29 = arith.constant 0 : index
    %get3A_30 = arith.constant 0 : index
    %get3A_31 = vector.load %arg1[%get3A_28, %get3A_29, %get3A_30] : memref<81x32x1024xf32, #tpu.memory_space<vmem>>, vector<1x32x1024xf32>
    %get3A_32 = vector.shape_cast %get3A_31 : vector<1x32x1024xf32> to vector<32x1024xf32>
    %max3A_33 = arith.maximumf %max3A_27, %get3A_32 : vector<32x1024xf32>
    %get3A_34 = arith.constant 5 : index
    %get3A_35 = arith.constant 0 : index
    %get3A_36 = arith.constant 0 : index
    %get3A_37 = vector.load %arg1[%get3A_34, %get3A_35, %get3A_36] : memref<81x32x1024xf32, #tpu.memory_space<vmem>>, vector<1x32x1024xf32>
    %get3A_38 = vector.shape_cast %get3A_37 : vector<1x32x1024xf32> to vector<32x1024xf32>
    %max3A_39 = arith.maximumf %max3A_33, %get3A_38 : vector<32x1024xf32>
    %get3A_40 = arith.constant 6 : index
    %get3A_41 = arith.constant 0 : index
    %get3A_42 = arith.constant 0 : index
    %get3A_43 = vector.load %arg1[%get3A_40, %get3A_41, %get3A_42] : memref<81x32x1024xf32, #tpu.memory_space<vmem>>, vector<1x32x1024xf32>
    %get3A_44 = vector.shape_cast %get3A_43 : vector<1x32x1024xf32> to vector<32x1024xf32>
    %max3A_45 = arith.maximumf %max3A_39, %get3A_44 : vector<32x1024xf32>
    %get3A_46 = arith.constant 7 : index
    %get3A_47 = arith.constant 0 : index
    %get3A_48 = arith.constant 0 : index
    %get3A_49 = vector.load %arg1[%get3A_46, %get3A_47, %get3A_48] : memref<81x32x1024xf32, #tpu.memory_space<vmem>>, vector<1x32x1024xf32>
    %get3A_50 = vector.shape_cast %get3A_49 : vector<1x32x1024xf32> to vector<32x1024xf32>
    %max3A_51 = arith.maximumf %max3A_45, %get3A_50 : vector<32x1024xf32>
    %get3A_52 = arith.constant 8 : index
    %get3A_53 = arith.constant 0 : index
    %get3A_54 = arith.constant 0 : index
    %get3A_55 = vector.load %arg1[%get3A_52, %get3A_53, %get3A_54] : memref<81x32x1024xf32, #tpu.memory_space<vmem>>, vector<1x32x1024xf32>
    %get3A_56 = vector.shape_cast %get3A_55 : vector<1x32x1024xf32> to vector<32x1024xf32>
    %max3A_57 = arith.maximumf %max3A_51, %get3A_56 : vector<32x1024xf32>
    %get3A_58 = arith.constant 9 : index
    %get3A_59 = arith.constant 0 : index
    %get3A_60 = arith.constant 0 : index
    %get3A_61 = vector.load %arg1[%get3A_58, %get3A_59, %get3A_60] : memref<81x32x1024xf32, #tpu.memory_space<vmem>>, vector<1x32x1024xf32>
    %get3A_62 = vector.shape_cast %get3A_61 : vector<1x32x1024xf32> to vector<32x1024xf32>
    %max3A_63 = arith.maximumf %max3A_57, %get3A_62 : vector<32x1024xf32>
    %get3A_64 = arith.constant 10 : index
    %get3A_65 = arith.constant 0 : index
    %get3A_66 = arith.constant 0 : index
    %get3A_67 = vector.load %arg1[%get3A_64, %get3A_65, %get3A_66] : memref<81x32x1024xf32, #tpu.memory_space<vmem>>, vector<1x32x1024xf32>
    %get3A_68 = vector.shape_cast %get3A_67 : vector<1x32x1024xf32> to vector<32x1024xf32>
    %max3A_69 = arith.maximumf %max3A_63, %get3A_68 : vector<32x1024xf32>
    %get3A_70 = arith.constant 11 : index
    %get3A_71 = arith.constant 0 : index
    %get3A_72 = arith.constant 0 : index
    %get3A_73 = vector.load %arg1[%get3A_70, %get3A_71, %get3A_72] : memref<81x32x1024xf32, #tpu.memory_space<vmem>>, vector<1x32x1024xf32>
    %get3A_74 = vector.shape_cast %get3A_73 : vector<1x32x1024xf32> to vector<32x1024xf32>
    %max3A_75 = arith.maximumf %max3A_69, %get3A_74 : vector<32x1024xf32>
    %get3A_76 = arith.constant 12 : index
    %get3A_77 = arith.constant 0 : index
    %get3A_78 = arith.constant 0 : index
    %get3A_79 = vector.load %arg1[%get3A_76, %get3A_77, %get3A_78] : memref<81x32x1024xf32, #tpu.memory_space<vmem>>, vector<1x32x1024xf32>
    %get3A_80 = vector.shape_cast %get3A_79 : vector<1x32x1024xf32> to vector<32x1024xf32>
    %max3A_81 = arith.maximumf %max3A_75, %get3A_80 : vector<32x1024xf32>
    %get3A_82 = arith.constant 13 : index
    %get3A_83 = arith.constant 0 : index
    %get3A_84 = arith.constant 0 : index
    %get3A_85 = vector.load %arg1[%get3A_82, %get3A_83, %get3A_84] : memref<81x32x1024xf32, #tpu.memory_space<vmem>>, vector<1x32x1024xf32>
    %get3A_86 = vector.shape_cast %get3A_85 : vector<1x32x1024xf32> to vector<32x1024xf32>
    %max3A_87 = arith.maximumf %max3A_81, %get3A_86 : vector<32x1024xf32>
    %get3A_88 = arith.constant 14 : index
    %get3A_89 = arith.constant 0 : index
    %get3A_90 = arith.constant 0 : index
    %get3A_91 = vector.load %arg1[%get3A_88, %get3A_89, %get3A_90] : memref<81x32x1024xf32, #tpu.memory_space<vmem>>, vector<1x32x1024xf32>
    %get3A_92 = vector.shape_cast %get3A_91 : vector<1x32x1024xf32> to vector<32x1024xf32>
    %max3A_93 = arith.maximumf %max3A_87, %get3A_92 : vector<32x1024xf32>
    %get3A_94 = arith.constant 15 : index
    %get3A_95 = arith.constant 0 : index
    %get3A_96 = arith.constant 0 : index
    %get3A_97 = vector.load %arg1[%get3A_94, %get3A_95, %get3A_96] : memref<81x32x1024xf32, #tpu.memory_space<vmem>>, vector<1x32x1024xf32>
    %get3A_98 = vector.shape_cast %get3A_97 : vector<1x32x1024xf32> to vector<32x1024xf32>
    %max3A_99 = arith.maximumf %max3A_93, %get3A_98 : vector<32x1024xf32>
    %get3A_100 = arith.constant 16 : index
    %get3A_101 = arith.constant 0 : index
    %get3A_102 = arith.constant 0 : index
    %get3A_103 = vector.load %arg1[%get3A_100, %get3A_101, %get3A_102] : memref<81x32x1024xf32, #tpu.memory_space<vmem>>, vector<1x32x1024xf32>
    %get3A_104 = vector.shape_cast %get3A_103 : vector<1x32x1024xf32> to vector<32x1024xf32>
    %max3A_105 = arith.maximumf %max3A_99, %get3A_104 : vector<32x1024xf32>
    %get3A_106 = arith.constant 17 : index
    %get3A_107 = arith.constant 0 : index
    %get3A_108 = arith.constant 0 : index
    %get3A_109 = vector.load %arg1[%get3A_106, %get3A_107, %get3A_108] : memref<81x32x1024xf32, #tpu.memory_space<vmem>>, vector<1x32x1024xf32>
    %get3A_110 = vector.shape_cast %get3A_109 : vector<1x32x1024xf32> to vector<32x1024xf32>
    %max3A_111 = arith.maximumf %max3A_105, %get3A_110 : vector<32x1024xf32>
    %get3A_112 = arith.constant 18 : index
    %get3A_113 = arith.constant 0 : index
    %get3A_114 = arith.constant 0 : index
    %get3A_115 = vector.load %arg1[%get3A_112, %get3A_113, %get3A_114] : memref<81x32x1024xf32, #tpu.memory_space<vmem>>, vector<1x32x1024xf32>
    %get3A_116 = vector.shape_cast %get3A_115 : vector<1x32x1024xf32> to vector<32x1024xf32>
    %max3A_117 = arith.maximumf %max3A_111, %get3A_116 : vector<32x1024xf32>
    %get3A_118 = arith.constant 19 : index
    %get3A_119 = arith.constant 0 : index
    %get3A_120 = arith.constant 0 : index
    %get3A_121 = vector.load %arg1[%get3A_118, %get3A_119, %get3A_120] : memref<81x32x1024xf32, #tpu.memory_space<vmem>>, vector<1x32x1024xf32>
    %get3A_122 = vector.shape_cast %get3A_121 : vector<1x32x1024xf32> to vector<32x1024xf32>
    %max3A_123 = arith.maximumf %max3A_117, %get3A_122 : vector<32x1024xf32>
    %get3A_124 = arith.constant 20 : index
    %get3A_125 = arith.constant 0 : index
    %get3A_126 = arith.constant 0 : index
    %get3A_127 = vector.load %arg1[%get3A_124, %get3A_125, %get3A_126] : memref<81x32x1024xf32, #tpu.memory_space<vmem>>, vector<1x32x1024xf32>
    %get3A_128 = vector.shape_cast %get3A_127 : vector<1x32x1024xf32> to vector<32x1024xf32>
    %max3A_129 = arith.maximumf %max3A_123, %get3A_128 : vector<32x1024xf32>
    %get3A_130 = arith.constant 21 : index
    %get3A_131 = arith.constant 0 : index
    %get3A_132 = arith.constant 0 : index
    %get3A_133 = vector.load %arg1[%get3A_130, %get3A_131, %get3A_132] : memref<81x32x1024xf32, #tpu.memory_space<vmem>>, vector<1x32x1024xf32>
    %get3A_134 = vector.shape_cast %get3A_133 : vector<1x32x1024xf32> to vector<32x1024xf32>
    %max3A_135 = arith.maximumf %max3A_129, %get3A_134 : vector<32x1024xf32>
    %get3A_136 = arith.constant 22 : index
    %get3A_137 = arith.constant 0 : index
    %get3A_138 = arith.constant 0 : index
    %get3A_139 = vector.load %arg1[%get3A_136, %get3A_137, %get3A_138] : memref<81x32x1024xf32, #tpu.memory_space<vmem>>, vector<1x32x1024xf32>
    %get3A_140 = vector.shape_cast %get3A_139 : vector<1x32x1024xf32> to vector<32x1024xf32>
    %max3A_141 = arith.maximumf %max3A_135, %get3A_140 : vector<32x1024xf32>
    %get3A_142 = arith.constant 23 : index
    %get3A_143 = arith.constant 0 : index
    %get3A_144 = arith.constant 0 : index
    %get3A_145 = vector.load %arg1[%get3A_142, %get3A_143, %get3A_144] : memref<81x32x1024xf32, #tpu.memory_space<vmem>>, vector<1x32x1024xf32>
    %get3A_146 = vector.shape_cast %get3A_145 : vector<1x32x1024xf32> to vector<32x1024xf32>
    %max3A_147 = arith.maximumf %max3A_141, %get3A_146 : vector<32x1024xf32>
    %get3A_148 = arith.constant 24 : index
    %get3A_149 = arith.constant 0 : index
    %get3A_150 = arith.constant 0 : index
    %get3A_151 = vector.load %arg1[%get3A_148, %get3A_149, %get3A_150] : memref<81x32x1024xf32, #tpu.memory_space<vmem>>, vector<1x32x1024xf32>
    %get3A_152 = vector.shape_cast %get3A_151 : vector<1x32x1024xf32> to vector<32x1024xf32>
    %max3A_153 = arith.maximumf %max3A_147, %get3A_152 : vector<32x1024xf32>
    %get3A_154 = arith.constant 25 : index
    %get3A_155 = arith.constant 0 : index
    %get3A_156 = arith.constant 0 : index
    %get3A_157 = vector.load %arg1[%get3A_154, %get3A_155, %get3A_156] : memref<81x32x1024xf32, #tpu.memory_space<vmem>>, vector<1x32x1024xf32>
    %get3A_158 = vector.shape_cast %get3A_157 : vector<1x32x1024xf32> to vector<32x1024xf32>
    %max3A_159 = arith.maximumf %max3A_153, %get3A_158 : vector<32x1024xf32>
    %get3A_160 = arith.constant 26 : index
    %get3A_161 = arith.constant 0 : index
    %get3A_162 = arith.constant 0 : index
    %get3A_163 = vector.load %arg1[%get3A_160, %get3A_161, %get3A_162] : memref<81x32x1024xf32, #tpu.memory_space<vmem>>, vector<1x32x1024xf32>
    %get3A_164 = vector.shape_cast %get3A_163 : vector<1x32x1024xf32> to vector<32x1024xf32>
    %max3A_165 = arith.maximumf %max3A_159, %get3A_164 : vector<32x1024xf32>
    %get3A_166 = arith.constant 27 : index
    %get3A_167 = arith.constant 0 : index
    %get3A_168 = arith.constant 0 : index
    %get3A_169 = vector.load %arg1[%get3A_166, %get3A_167, %get3A_168] : memref<81x32x1024xf32, #tpu.memory_space<vmem>>, vector<1x32x1024xf32>
    %get3A_170 = vector.shape_cast %get3A_169 : vector<1x32x1024xf32> to vector<32x1024xf32>
    %max3A_171 = arith.maximumf %max3A_165, %get3A_170 : vector<32x1024xf32>
    %get3A_172 = arith.constant 28 : index
    %get3A_173 = arith.constant 0 : index
    %get3A_174 = arith.constant 0 : index
    %get3A_175 = vector.load %arg1[%get3A_172, %get3A_173, %get3A_174] : memref<81x32x1024xf32, #tpu.memory_space<vmem>>, vector<1x32x1024xf32>
    %get3A_176 = vector.shape_cast %get3A_175 : vector<1x32x1024xf32> to vector<32x1024xf32>
    %max3A_177 = arith.maximumf %max3A_171, %get3A_176 : vector<32x1024xf32>
    %get3A_178 = arith.constant 29 : index
    %get3A_179 = arith.constant 0 : index
    %get3A_180 = arith.constant 0 : index
    %get3A_181 = vector.load %arg1[%get3A_178, %get3A_179, %get3A_180] : memref<81x32x1024xf32, #tpu.memory_space<vmem>>, vector<1x32x1024xf32>
    %get3A_182 = vector.shape_cast %get3A_181 : vector<1x32x1024xf32> to vector<32x1024xf32>
    %max3A_183 = arith.maximumf %max3A_177, %get3A_182 : vector<32x1024xf32>
    %get3A_184 = arith.constant 30 : index
    %get3A_185 = arith.constant 0 : index
    %get3A_186 = arith.constant 0 : index
    %get3A_187 = vector.load %arg1[%get3A_184, %get3A_185, %get3A_186] : memref<81x32x1024xf32, #tpu.memory_space<vmem>>, vector<1x32x1024xf32>
    %get3A_188 = vector.shape_cast %get3A_187 : vector<1x32x1024xf32> to vector<32x1024xf32>
    %max3A_189 = arith.maximumf %max3A_183, %get3A_188 : vector<32x1024xf32>
    %get3A_190 = arith.constant 31 : index
    %get3A_191 = arith.constant 0 : index
    %get3A_192 = arith.constant 0 : index
    %get3A_193 = vector.load %arg1[%get3A_190, %get3A_191, %get3A_192] : memref<81x32x1024xf32, #tpu.memory_space<vmem>>, vector<1x32x1024xf32>
    %get3A_194 = vector.shape_cast %get3A_193 : vector<1x32x1024xf32> to vector<32x1024xf32>
    %max3A_195 = arith.maximumf %max3A_189, %get3A_194 : vector<32x1024xf32>
    %get3A_196 = arith.constant 32 : index
    %get3A_197 = arith.constant 0 : index
    %get3A_198 = arith.constant 0 : index
    %get3A_199 = vector.load %arg1[%get3A_196, %get3A_197, %get3A_198] : memref<81x32x1024xf32, #tpu.memory_space<vmem>>, vector<1x32x1024xf32>
    %get3A_200 = vector.shape_cast %get3A_199 : vector<1x32x1024xf32> to vector<32x1024xf32>
    %max3A_201 = arith.maximumf %max3A_195, %get3A_200 : vector<32x1024xf32>
    %get3A_202 = arith.constant 33 : index
    %get3A_203 = arith.constant 0 : index
    %get3A_204 = arith.constant 0 : index
    %get3A_205 = vector.load %arg1[%get3A_202, %get3A_203, %get3A_204] : memref<81x32x1024xf32, #tpu.memory_space<vmem>>, vector<1x32x1024xf32>
    %get3A_206 = vector.shape_cast %get3A_205 : vector<1x32x1024xf32> to vector<32x1024xf32>
    %max3A_207 = arith.maximumf %max3A_201, %get3A_206 : vector<32x1024xf32>
    %get3A_208 = arith.constant 34 : index
    %get3A_209 = arith.constant 0 : index
    %get3A_210 = arith.constant 0 : index
    %get3A_211 = vector.load %arg1[%get3A_208, %get3A_209, %get3A_210] : memref<81x32x1024xf32, #tpu.memory_space<vmem>>, vector<1x32x1024xf32>
    %get3A_212 = vector.shape_cast %get3A_211 : vector<1x32x1024xf32> to vector<32x1024xf32>
    %max3A_213 = arith.maximumf %max3A_207, %get3A_212 : vector<32x1024xf32>
    %get3A_214 = arith.constant 35 : index
    %get3A_215 = arith.constant 0 : index
    %get3A_216 = arith.constant 0 : index
    %get3A_217 = vector.load %arg1[%get3A_214, %get3A_215, %get3A_216] : memref<81x32x1024xf32, #tpu.memory_space<vmem>>, vector<1x32x1024xf32>
    %get3A_218 = vector.shape_cast %get3A_217 : vector<1x32x1024xf32> to vector<32x1024xf32>
    %max3A_219 = arith.maximumf %max3A_213, %get3A_218 : vector<32x1024xf32>
    %get3A_220 = arith.constant 36 : index
    %get3A_221 = arith.constant 0 : index
    %get3A_222 = arith.constant 0 : index
    %get3A_223 = vector.load %arg1[%get3A_220, %get3A_221, %get3A_222] : memref<81x32x1024xf32, #tpu.memory_space<vmem>>, vector<1x32x1024xf32>
    %get3A_224 = vector.shape_cast %get3A_223 : vector<1x32x1024xf32> to vector<32x1024xf32>
    %max3A_225 = arith.maximumf %max3A_219, %get3A_224 : vector<32x1024xf32>
    %get3A_226 = arith.constant 37 : index
    %get3A_227 = arith.constant 0 : index
    %get3A_228 = arith.constant 0 : index
    %get3A_229 = vector.load %arg1[%get3A_226, %get3A_227, %get3A_228] : memref<81x32x1024xf32, #tpu.memory_space<vmem>>, vector<1x32x1024xf32>
    %get3A_230 = vector.shape_cast %get3A_229 : vector<1x32x1024xf32> to vector<32x1024xf32>
    %max3A_231 = arith.maximumf %max3A_225, %get3A_230 : vector<32x1024xf32>
    %get3A_232 = arith.constant 38 : index
    %get3A_233 = arith.constant 0 : index
    %get3A_234 = arith.constant 0 : index
    %get3A_235 = vector.load %arg1[%get3A_232, %get3A_233, %get3A_234] : memref<81x32x1024xf32, #tpu.memory_space<vmem>>, vector<1x32x1024xf32>
    %get3A_236 = vector.shape_cast %get3A_235 : vector<1x32x1024xf32> to vector<32x1024xf32>
    %max3A_237 = arith.maximumf %max3A_231, %get3A_236 : vector<32x1024xf32>
    %get3A_238 = arith.constant 39 : index
    %get3A_239 = arith.constant 0 : index
    %get3A_240 = arith.constant 0 : index
    %get3A_241 = vector.load %arg1[%get3A_238, %get3A_239, %get3A_240] : memref<81x32x1024xf32, #tpu.memory_space<vmem>>, vector<1x32x1024xf32>
    %get3A_242 = vector.shape_cast %get3A_241 : vector<1x32x1024xf32> to vector<32x1024xf32>
    %max3A_243 = arith.maximumf %max3A_237, %get3A_242 : vector<32x1024xf32>
    %get3A_244 = arith.constant 40 : index
    %get3A_245 = arith.constant 0 : index
    %get3A_246 = arith.constant 0 : index
    %get3A_247 = vector.load %arg1[%get3A_244, %get3A_245, %get3A_246] : memref<81x32x1024xf32, #tpu.memory_space<vmem>>, vector<1x32x1024xf32>
    %get3A_248 = vector.shape_cast %get3A_247 : vector<1x32x1024xf32> to vector<32x1024xf32>
    %max3A_249 = arith.maximumf %max3A_243, %get3A_248 : vector<32x1024xf32>
    %get3A_250 = arith.constant 41 : index
    %get3A_251 = arith.constant 0 : index
    %get3A_252 = arith.constant 0 : index
    %get3A_253 = vector.load %arg1[%get3A_250, %get3A_251, %get3A_252] : memref<81x32x1024xf32, #tpu.memory_space<vmem>>, vector<1x32x1024xf32>
    %get3A_254 = vector.shape_cast %get3A_253 : vector<1x32x1024xf32> to vector<32x1024xf32>
    %max3A_255 = arith.maximumf %max3A_249, %get3A_254 : vector<32x1024xf32>
    %get3A_256 = arith.constant 42 : index
    %get3A_257 = arith.constant 0 : index
    %get3A_258 = arith.constant 0 : index
    %get3A_259 = vector.load %arg1[%get3A_256, %get3A_257, %get3A_258] : memref<81x32x1024xf32, #tpu.memory_space<vmem>>, vector<1x32x1024xf32>
    %get3A_260 = vector.shape_cast %get3A_259 : vector<1x32x1024xf32> to vector<32x1024xf32>
    %max3A_261 = arith.maximumf %max3A_255, %get3A_260 : vector<32x1024xf32>
    %get3A_262 = arith.constant 43 : index
    %get3A_263 = arith.constant 0 : index
    %get3A_264 = arith.constant 0 : index
    %get3A_265 = vector.load %arg1[%get3A_262, %get3A_263, %get3A_264] : memref<81x32x1024xf32, #tpu.memory_space<vmem>>, vector<1x32x1024xf32>
    %get3A_266 = vector.shape_cast %get3A_265 : vector<1x32x1024xf32> to vector<32x1024xf32>
    %max3A_267 = arith.maximumf %max3A_261, %get3A_266 : vector<32x1024xf32>
    %get3A_268 = arith.constant 44 : index
    %get3A_269 = arith.constant 0 : index
    %get3A_270 = arith.constant 0 : index
    %get3A_271 = vector.load %arg1[%get3A_268, %get3A_269, %get3A_270] : memref<81x32x1024xf32, #tpu.memory_space<vmem>>, vector<1x32x1024xf32>
    %get3A_272 = vector.shape_cast %get3A_271 : vector<1x32x1024xf32> to vector<32x1024xf32>
    %max3A_273 = arith.maximumf %max3A_267, %get3A_272 : vector<32x1024xf32>
    %get3A_274 = arith.constant 45 : index
    %get3A_275 = arith.constant 0 : index
    %get3A_276 = arith.constant 0 : index
    %get3A_277 = vector.load %arg1[%get3A_274, %get3A_275, %get3A_276] : memref<81x32x1024xf32, #tpu.memory_space<vmem>>, vector<1x32x1024xf32>
    %get3A_278 = vector.shape_cast %get3A_277 : vector<1x32x1024xf32> to vector<32x1024xf32>
    %max3A_279 = arith.maximumf %max3A_273, %get3A_278 : vector<32x1024xf32>
    %get3A_280 = arith.constant 46 : index
    %get3A_281 = arith.constant 0 : index
    %get3A_282 = arith.constant 0 : index
    %get3A_283 = vector.load %arg1[%get3A_280, %get3A_281, %get3A_282] : memref<81x32x1024xf32, #tpu.memory_space<vmem>>, vector<1x32x1024xf32>
    %get3A_284 = vector.shape_cast %get3A_283 : vector<1x32x1024xf32> to vector<32x1024xf32>
    %max3A_285 = arith.maximumf %max3A_279, %get3A_284 : vector<32x1024xf32>
    %get3A_286 = arith.constant 47 : index
    %get3A_287 = arith.constant 0 : index
    %get3A_288 = arith.constant 0 : index
    %get3A_289 = vector.load %arg1[%get3A_286, %get3A_287, %get3A_288] : memref<81x32x1024xf32, #tpu.memory_space<vmem>>, vector<1x32x1024xf32>
    %get3A_290 = vector.shape_cast %get3A_289 : vector<1x32x1024xf32> to vector<32x1024xf32>
    %max3A_291 = arith.maximumf %max3A_285, %get3A_290 : vector<32x1024xf32>
    %get3A_292 = arith.constant 48 : index
    %get3A_293 = arith.constant 0 : index
    %get3A_294 = arith.constant 0 : index
    %get3A_295 = vector.load %arg1[%get3A_292, %get3A_293, %get3A_294] : memref<81x32x1024xf32, #tpu.memory_space<vmem>>, vector<1x32x1024xf32>
    %get3A_296 = vector.shape_cast %get3A_295 : vector<1x32x1024xf32> to vector<32x1024xf32>
    %max3A_297 = arith.maximumf %max3A_291, %get3A_296 : vector<32x1024xf32>
    %get3A_298 = arith.constant 49 : index
    %get3A_299 = arith.constant 0 : index
    %get3A_300 = arith.constant 0 : index
    %get3A_301 = vector.load %arg1[%get3A_298, %get3A_299, %get3A_300] : memref<81x32x1024xf32, #tpu.memory_space<vmem>>, vector<1x32x1024xf32>
    %get3A_302 = vector.shape_cast %get3A_301 : vector<1x32x1024xf32> to vector<32x1024xf32>
    %max3A_303 = arith.maximumf %max3A_297, %get3A_302 : vector<32x1024xf32>
    %get3A_304 = arith.constant 50 : index
    %get3A_305 = arith.constant 0 : index
    %get3A_306 = arith.constant 0 : index
    %get3A_307 = vector.load %arg1[%get3A_304, %get3A_305, %get3A_306] : memref<81x32x1024xf32, #tpu.memory_space<vmem>>, vector<1x32x1024xf32>
    %get3A_308 = vector.shape_cast %get3A_307 : vector<1x32x1024xf32> to vector<32x1024xf32>
    %max3A_309 = arith.maximumf %max3A_303, %get3A_308 : vector<32x1024xf32>
    %get3A_310 = arith.constant 51 : index
    %get3A_311 = arith.constant 0 : index
    %get3A_312 = arith.constant 0 : index
    %get3A_313 = vector.load %arg1[%get3A_310, %get3A_311, %get3A_312] : memref<81x32x1024xf32, #tpu.memory_space<vmem>>, vector<1x32x1024xf32>
    %get3A_314 = vector.shape_cast %get3A_313 : vector<1x32x1024xf32> to vector<32x1024xf32>
    %max3A_315 = arith.maximumf %max3A_309, %get3A_314 : vector<32x1024xf32>
    %get3A_316 = arith.constant 52 : index
    %get3A_317 = arith.constant 0 : index
    %get3A_318 = arith.constant 0 : index
    %get3A_319 = vector.load %arg1[%get3A_316, %get3A_317, %get3A_318] : memref<81x32x1024xf32, #tpu.memory_space<vmem>>, vector<1x32x1024xf32>
    %get3A_320 = vector.shape_cast %get3A_319 : vector<1x32x1024xf32> to vector<32x1024xf32>
    %max3A_321 = arith.maximumf %max3A_315, %get3A_320 : vector<32x1024xf32>
    %get3A_322 = arith.constant 53 : index
    %get3A_323 = arith.constant 0 : index
    %get3A_324 = arith.constant 0 : index
    %get3A_325 = vector.load %arg1[%get3A_322, %get3A_323, %get3A_324] : memref<81x32x1024xf32, #tpu.memory_space<vmem>>, vector<1x32x1024xf32>
    %get3A_326 = vector.shape_cast %get3A_325 : vector<1x32x1024xf32> to vector<32x1024xf32>
    %max3A_327 = arith.maximumf %max3A_321, %get3A_326 : vector<32x1024xf32>
    %get3A_328 = arith.constant 54 : index
    %get3A_329 = arith.constant 0 : index
    %get3A_330 = arith.constant 0 : index
    %get3A_331 = vector.load %arg1[%get3A_328, %get3A_329, %get3A_330] : memref<81x32x1024xf32, #tpu.memory_space<vmem>>, vector<1x32x1024xf32>
    %get3A_332 = vector.shape_cast %get3A_331 : vector<1x32x1024xf32> to vector<32x1024xf32>
    %max3A_333 = arith.maximumf %max3A_327, %get3A_332 : vector<32x1024xf32>
    %get3A_334 = arith.constant 55 : index
    %get3A_335 = arith.constant 0 : index
    %get3A_336 = arith.constant 0 : index
    %get3A_337 = vector.load %arg1[%get3A_334, %get3A_335, %get3A_336] : memref<81x32x1024xf32, #tpu.memory_space<vmem>>, vector<1x32x1024xf32>
    %get3A_338 = vector.shape_cast %get3A_337 : vector<1x32x1024xf32> to vector<32x1024xf32>
    %max3A_339 = arith.maximumf %max3A_333, %get3A_338 : vector<32x1024xf32>
    %get3A_340 = arith.constant 56 : index
    %get3A_341 = arith.constant 0 : index
    %get3A_342 = arith.constant 0 : index
    %get3A_343 = vector.load %arg1[%get3A_340, %get3A_341, %get3A_342] : memref<81x32x1024xf32, #tpu.memory_space<vmem>>, vector<1x32x1024xf32>
    %get3A_344 = vector.shape_cast %get3A_343 : vector<1x32x1024xf32> to vector<32x1024xf32>
    %max3A_345 = arith.maximumf %max3A_339, %get3A_344 : vector<32x1024xf32>
    %get3A_346 = arith.constant 57 : index
    %get3A_347 = arith.constant 0 : index
    %get3A_348 = arith.constant 0 : index
    %get3A_349 = vector.load %arg1[%get3A_346, %get3A_347, %get3A_348] : memref<81x32x1024xf32, #tpu.memory_space<vmem>>, vector<1x32x1024xf32>
    %get3A_350 = vector.shape_cast %get3A_349 : vector<1x32x1024xf32> to vector<32x1024xf32>
    %max3A_351 = arith.maximumf %max3A_345, %get3A_350 : vector<32x1024xf32>
    %get3A_352 = arith.constant 58 : index
    %get3A_353 = arith.constant 0 : index
    %get3A_354 = arith.constant 0 : index
    %get3A_355 = vector.load %arg1[%get3A_352, %get3A_353, %get3A_354] : memref<81x32x1024xf32, #tpu.memory_space<vmem>>, vector<1x32x1024xf32>
    %get3A_356 = vector.shape_cast %get3A_355 : vector<1x32x1024xf32> to vector<32x1024xf32>
    %max3A_357 = arith.maximumf %max3A_351, %get3A_356 : vector<32x1024xf32>
    %get3A_358 = arith.constant 59 : index
    %get3A_359 = arith.constant 0 : index
    %get3A_360 = arith.constant 0 : index
    %get3A_361 = vector.load %arg1[%get3A_358, %get3A_359, %get3A_360] : memref<81x32x1024xf32, #tpu.memory_space<vmem>>, vector<1x32x1024xf32>
    %get3A_362 = vector.shape_cast %get3A_361 : vector<1x32x1024xf32> to vector<32x1024xf32>
    %max3A_363 = arith.maximumf %max3A_357, %get3A_362 : vector<32x1024xf32>
    %get3A_364 = arith.constant 60 : index
    %get3A_365 = arith.constant 0 : index
    %get3A_366 = arith.constant 0 : index
    %get3A_367 = vector.load %arg1[%get3A_364, %get3A_365, %get3A_366] : memref<81x32x1024xf32, #tpu.memory_space<vmem>>, vector<1x32x1024xf32>
    %get3A_368 = vector.shape_cast %get3A_367 : vector<1x32x1024xf32> to vector<32x1024xf32>
    %max3A_369 = arith.maximumf %max3A_363, %get3A_368 : vector<32x1024xf32>
    %get3A_370 = arith.constant 61 : index
    %get3A_371 = arith.constant 0 : index
    %get3A_372 = arith.constant 0 : index
    %get3A_373 = vector.load %arg1[%get3A_370, %get3A_371, %get3A_372] : memref<81x32x1024xf32, #tpu.memory_space<vmem>>, vector<1x32x1024xf32>
    %get3A_374 = vector.shape_cast %get3A_373 : vector<1x32x1024xf32> to vector<32x1024xf32>
    %max3A_375 = arith.maximumf %max3A_369, %get3A_374 : vector<32x1024xf32>
    %get3A_376 = arith.constant 62 : index
    %get3A_377 = arith.constant 0 : index
    %get3A_378 = arith.constant 0 : index
    %get3A_379 = vector.load %arg1[%get3A_376, %get3A_377, %get3A_378] : memref<81x32x1024xf32, #tpu.memory_space<vmem>>, vector<1x32x1024xf32>
    %get3A_380 = vector.shape_cast %get3A_379 : vector<1x32x1024xf32> to vector<32x1024xf32>
    %max3A_381 = arith.maximumf %max3A_375, %get3A_380 : vector<32x1024xf32>
    %get3A_382 = arith.constant 63 : index
    %get3A_383 = arith.constant 0 : index
    %get3A_384 = arith.constant 0 : index
    %get3A_385 = vector.load %arg1[%get3A_382, %get3A_383, %get3A_384] : memref<81x32x1024xf32, #tpu.memory_space<vmem>>, vector<1x32x1024xf32>
    %get3A_386 = vector.shape_cast %get3A_385 : vector<1x32x1024xf32> to vector<32x1024xf32>
    %max3A_387 = arith.maximumf %max3A_381, %get3A_386 : vector<32x1024xf32>
    %get3A_388 = arith.constant 64 : index
    %get3A_389 = arith.constant 0 : index
    %get3A_390 = arith.constant 0 : index
    %get3A_391 = vector.load %arg1[%get3A_388, %get3A_389, %get3A_390] : memref<81x32x1024xf32, #tpu.memory_space<vmem>>, vector<1x32x1024xf32>
    %get3A_392 = vector.shape_cast %get3A_391 : vector<1x32x1024xf32> to vector<32x1024xf32>
    %max3A_393 = arith.maximumf %max3A_387, %get3A_392 : vector<32x1024xf32>
    %get3A_394 = arith.constant 65 : index
    %get3A_395 = arith.constant 0 : index
    %get3A_396 = arith.constant 0 : index
    %get3A_397 = vector.load %arg1[%get3A_394, %get3A_395, %get3A_396] : memref<81x32x1024xf32, #tpu.memory_space<vmem>>, vector<1x32x1024xf32>
    %get3A_398 = vector.shape_cast %get3A_397 : vector<1x32x1024xf32> to vector<32x1024xf32>
    %max3A_399 = arith.maximumf %max3A_393, %get3A_398 : vector<32x1024xf32>
    %get3A_400 = arith.constant 66 : index
    %get3A_401 = arith.constant 0 : index
    %get3A_402 = arith.constant 0 : index
    %get3A_403 = vector.load %arg1[%get3A_400, %get3A_401, %get3A_402] : memref<81x32x1024xf32, #tpu.memory_space<vmem>>, vector<1x32x1024xf32>
    %get3A_404 = vector.shape_cast %get3A_403 : vector<1x32x1024xf32> to vector<32x1024xf32>
    %max3A_405 = arith.maximumf %max3A_399, %get3A_404 : vector<32x1024xf32>
    %get3A_406 = arith.constant 67 : index
    %get3A_407 = arith.constant 0 : index
    %get3A_408 = arith.constant 0 : index
    %get3A_409 = vector.load %arg1[%get3A_406, %get3A_407, %get3A_408] : memref<81x32x1024xf32, #tpu.memory_space<vmem>>, vector<1x32x1024xf32>
    %get3A_410 = vector.shape_cast %get3A_409 : vector<1x32x1024xf32> to vector<32x1024xf32>
    %max3A_411 = arith.maximumf %max3A_405, %get3A_410 : vector<32x1024xf32>
    %get3A_412 = arith.constant 68 : index
    %get3A_413 = arith.constant 0 : index
    %get3A_414 = arith.constant 0 : index
    %get3A_415 = vector.load %arg1[%get3A_412, %get3A_413, %get3A_414] : memref<81x32x1024xf32, #tpu.memory_space<vmem>>, vector<1x32x1024xf32>
    %get3A_416 = vector.shape_cast %get3A_415 : vector<1x32x1024xf32> to vector<32x1024xf32>
    %max3A_417 = arith.maximumf %max3A_411, %get3A_416 : vector<32x1024xf32>
    %get3A_418 = arith.constant 69 : index
    %get3A_419 = arith.constant 0 : index
    %get3A_420 = arith.constant 0 : index
    %get3A_421 = vector.load %arg1[%get3A_418, %get3A_419, %get3A_420] : memref<81x32x1024xf32, #tpu.memory_space<vmem>>, vector<1x32x1024xf32>
    %get3A_422 = vector.shape_cast %get3A_421 : vector<1x32x1024xf32> to vector<32x1024xf32>
    %max3A_423 = arith.maximumf %max3A_417, %get3A_422 : vector<32x1024xf32>
    %get3A_424 = arith.constant 70 : index
    %get3A_425 = arith.constant 0 : index
    %get3A_426 = arith.constant 0 : index
    %get3A_427 = vector.load %arg1[%get3A_424, %get3A_425, %get3A_426] : memref<81x32x1024xf32, #tpu.memory_space<vmem>>, vector<1x32x1024xf32>
    %get3A_428 = vector.shape_cast %get3A_427 : vector<1x32x1024xf32> to vector<32x1024xf32>
    %max3A_429 = arith.maximumf %max3A_423, %get3A_428 : vector<32x1024xf32>
    %get3A_430 = arith.constant 71 : index
    %get3A_431 = arith.constant 0 : index
    %get3A_432 = arith.constant 0 : index
    %get3A_433 = vector.load %arg1[%get3A_430, %get3A_431, %get3A_432] : memref<81x32x1024xf32, #tpu.memory_space<vmem>>, vector<1x32x1024xf32>
    %get3A_434 = vector.shape_cast %get3A_433 : vector<1x32x1024xf32> to vector<32x1024xf32>
    %max3A_435 = arith.maximumf %max3A_429, %get3A_434 : vector<32x1024xf32>
    %get3A_436 = arith.constant 72 : index
    %get3A_437 = arith.constant 0 : index
    %get3A_438 = arith.constant 0 : index
    %get3A_439 = vector.load %arg1[%get3A_436, %get3A_437, %get3A_438] : memref<81x32x1024xf32, #tpu.memory_space<vmem>>, vector<1x32x1024xf32>
    %get3A_440 = vector.shape_cast %get3A_439 : vector<1x32x1024xf32> to vector<32x1024xf32>
    %max3A_441 = arith.maximumf %max3A_435, %get3A_440 : vector<32x1024xf32>
    %get3A_442 = arith.constant 73 : index
    %get3A_443 = arith.constant 0 : index
    %get3A_444 = arith.constant 0 : index
    %get3A_445 = vector.load %arg1[%get3A_442, %get3A_443, %get3A_444] : memref<81x32x1024xf32, #tpu.memory_space<vmem>>, vector<1x32x1024xf32>
    %get3A_446 = vector.shape_cast %get3A_445 : vector<1x32x1024xf32> to vector<32x1024xf32>
    %max3A_447 = arith.maximumf %max3A_441, %get3A_446 : vector<32x1024xf32>
    %get3A_448 = arith.constant 74 : index
    %get3A_449 = arith.constant 0 : index
    %get3A_450 = arith.constant 0 : index
    %get3A_451 = vector.load %arg1[%get3A_448, %get3A_449, %get3A_450] : memref<81x32x1024xf32, #tpu.memory_space<vmem>>, vector<1x32x1024xf32>
    %get3A_452 = vector.shape_cast %get3A_451 : vector<1x32x1024xf32> to vector<32x1024xf32>
    %max3A_453 = arith.maximumf %max3A_447, %get3A_452 : vector<32x1024xf32>
    %get3A_454 = arith.constant 75 : index
    %get3A_455 = arith.constant 0 : index
    %get3A_456 = arith.constant 0 : index
    %get3A_457 = vector.load %arg1[%get3A_454, %get3A_455, %get3A_456] : memref<81x32x1024xf32, #tpu.memory_space<vmem>>, vector<1x32x1024xf32>
    %get3A_458 = vector.shape_cast %get3A_457 : vector<1x32x1024xf32> to vector<32x1024xf32>
    %max3A_459 = arith.maximumf %max3A_453, %get3A_458 : vector<32x1024xf32>
    %get3A_460 = arith.constant 76 : index
    %get3A_461 = arith.constant 0 : index
    %get3A_462 = arith.constant 0 : index
    %get3A_463 = vector.load %arg1[%get3A_460, %get3A_461, %get3A_462] : memref<81x32x1024xf32, #tpu.memory_space<vmem>>, vector<1x32x1024xf32>
    %get3A_464 = vector.shape_cast %get3A_463 : vector<1x32x1024xf32> to vector<32x1024xf32>
    %max3A_465 = arith.maximumf %max3A_459, %get3A_464 : vector<32x1024xf32>
    %get3A_466 = arith.constant 77 : index
    %get3A_467 = arith.constant 0 : index
    %get3A_468 = arith.constant 0 : index
    %get3A_469 = vector.load %arg1[%get3A_466, %get3A_467, %get3A_468] : memref<81x32x1024xf32, #tpu.memory_space<vmem>>, vector<1x32x1024xf32>
    %get3A_470 = vector.shape_cast %get3A_469 : vector<1x32x1024xf32> to vector<32x1024xf32>
    %max3A_471 = arith.maximumf %max3A_465, %get3A_470 : vector<32x1024xf32>
    %get3A_472 = arith.constant 78 : index
    %get3A_473 = arith.constant 0 : index
    %get3A_474 = arith.constant 0 : index
    %get3A_475 = vector.load %arg1[%get3A_472, %get3A_473, %get3A_474] : memref<81x32x1024xf32, #tpu.memory_space<vmem>>, vector<1x32x1024xf32>
    %get3A_476 = vector.shape_cast %get3A_475 : vector<1x32x1024xf32> to vector<32x1024xf32>
    %max3A_477 = arith.maximumf %max3A_471, %get3A_476 : vector<32x1024xf32>
    %get3A_478 = arith.constant 79 : index
    %get3A_479 = arith.constant 0 : index
    %get3A_480 = arith.constant 0 : index
    %get3A_481 = vector.load %arg1[%get3A_478, %get3A_479, %get3A_480] : memref<81x32x1024xf32, #tpu.memory_space<vmem>>, vector<1x32x1024xf32>
    %get3A_482 = vector.shape_cast %get3A_481 : vector<1x32x1024xf32> to vector<32x1024xf32>
    %max3A_483 = arith.maximumf %max3A_477, %get3A_482 : vector<32x1024xf32>
    %get3A_484 = arith.constant 80 : index
    %get3A_485 = arith.constant 0 : index
    %get3A_486 = arith.constant 0 : index
    %get3A_487 = vector.load %arg1[%get3A_484, %get3A_485, %get3A_486] : memref<81x32x1024xf32, #tpu.memory_space<vmem>>, vector<1x32x1024xf32>
    %get3A_488 = vector.shape_cast %get3A_487 : vector<1x32x1024xf32> to vector<32x1024xf32>
    %max3A_489 = arith.maximumf %max3A_483, %get3A_488 : vector<32x1024xf32>
    %broadcast_in_dim3A = arith.constant 0.000000e+00 : f32
    %broadcast_in_dim3A_490 = vector.broadcast %broadcast_in_dim3A : f32 to vector<32x1024xf32>
    %broadcast_in_dim3A_491 = arith.constant 0.000000e+00 : f32
    %broadcast_in_dim3A_492 = vector.broadcast %broadcast_in_dim3A_491 : f32 to vector<32x1024xf32>
    %get3A_493 = arith.constant 0 : index
    %get3A_494 = arith.constant 0 : index
    %get3A_495 = arith.constant 0 : index
    %get3A_496 = vector.load %arg1[%get3A_493, %get3A_494, %get3A_495] : memref<81x32x1024xf32, #tpu.memory_space<vmem>>, vector<1x32x1024xf32>
    %get3A_497 = vector.shape_cast %get3A_496 : vector<1x32x1024xf32> to vector<32x1024xf32>
    %sub3A = arith.subf %get3A_497, %max3A_489 : vector<32x1024xf32>
    %exp3A = math.exp %sub3A : vector<32x1024xf32>
    %add3A_498 = arith.addf %broadcast_in_dim3A_490, %exp3A : vector<32x1024xf32>
    %eq3A = arith.constant 0 : i32
    %eq3A_499 = vector.broadcast %eq3A : i32 to vector<32x1024xi32>
    %eq3A_500 = arith.cmpi eq, %get3A_1, %eq3A_499 : vector<32x1024xi32>
    %jit3A = arith.constant 0.000000e+00 : f32
    %broadcast_in_dim3A_501 = vector.broadcast %jit3A : f32 to vector<32x1024xf32>
    %select_n3A = arith.select %eq3A_500, %get3A_497, %broadcast_in_dim3A_501 : vector<32x1024xi1>, vector<32x1024xf32>
    %add3A_502 = arith.addf %broadcast_in_dim3A_492, %select_n3A : vector<32x1024xf32>
    %get3A_503 = arith.constant 1 : index
    %get3A_504 = arith.constant 0 : index
    %get3A_505 = arith.constant 0 : index
    %get3A_506 = vector.load %arg1[%get3A_503, %get3A_504, %get3A_505] : memref<81x32x1024xf32, #tpu.memory_space<vmem>>, vector<1x32x1024xf32>
    %get3A_507 = vector.shape_cast %get3A_506 : vector<1x32x1024xf32> to vector<32x1024xf32>
    %sub3A_508 = arith.subf %get3A_507, %max3A_489 : vector<32x1024xf32>
    %exp3A_509 = math.exp %sub3A_508 : vector<32x1024xf32>
    %add3A_510 = arith.addf %add3A_498, %exp3A_509 : vector<32x1024xf32>
    %eq3A_511 = arith.constant 1 : i32
    %eq3A_512 = vector.broadcast %eq3A_511 : i32 to vector<32x1024xi32>
    %eq3A_513 = arith.cmpi eq, %get3A_1, %eq3A_512 : vector<32x1024xi32>
    %jit3A_514 = arith.constant 0.000000e+00 : f32
    %broadcast_in_dim3A_515 = vector.broadcast %jit3A_514 : f32 to vector<32x1024xf32>
    %select_n3A_516 = arith.select %eq3A_513, %get3A_507, %broadcast_in_dim3A_515 : vector<32x1024xi1>, vector<32x1024xf32>
    %add3A_517 = arith.addf %add3A_502, %select_n3A_516 : vector<32x1024xf32>
    %get3A_518 = arith.constant 2 : index
    %get3A_519 = arith.constant 0 : index
    %get3A_520 = arith.constant 0 : index
    %get3A_521 = vector.load %arg1[%get3A_518, %get3A_519, %get3A_520] : memref<81x32x1024xf32, #tpu.memory_space<vmem>>, vector<1x32x1024xf32>
    %get3A_522 = vector.shape_cast %get3A_521 : vector<1x32x1024xf32> to vector<32x1024xf32>
    %sub3A_523 = arith.subf %get3A_522, %max3A_489 : vector<32x1024xf32>
    %exp3A_524 = math.exp %sub3A_523 : vector<32x1024xf32>
    %add3A_525 = arith.addf %add3A_510, %exp3A_524 : vector<32x1024xf32>
    %eq3A_526 = arith.constant 2 : i32
    %eq3A_527 = vector.broadcast %eq3A_526 : i32 to vector<32x1024xi32>
    %eq3A_528 = arith.cmpi eq, %get3A_1, %eq3A_527 : vector<32x1024xi32>
    %jit3A_529 = arith.constant 0.000000e+00 : f32
    %broadcast_in_dim3A_530 = vector.broadcast %jit3A_529 : f32 to vector<32x1024xf32>
    %select_n3A_531 = arith.select %eq3A_528, %get3A_522, %broadcast_in_dim3A_530 : vector<32x1024xi1>, vector<32x1024xf32>
    %add3A_532 = arith.addf %add3A_517, %select_n3A_531 : vector<32x1024xf32>
    %get3A_533 = arith.constant 3 : index
    %get3A_534 = arith.constant 0 : index
    %get3A_535 = arith.constant 0 : index
    %get3A_536 = vector.load %arg1[%get3A_533, %get3A_534, %get3A_535] : memref<81x32x1024xf32, #tpu.memory_space<vmem>>, vector<1x32x1024xf32>
    %get3A_537 = vector.shape_cast %get3A_536 : vector<1x32x1024xf32> to vector<32x1024xf32>
    %sub3A_538 = arith.subf %get3A_537, %max3A_489 : vector<32x1024xf32>
    %exp3A_539 = math.exp %sub3A_538 : vector<32x1024xf32>
    %add3A_540 = arith.addf %add3A_525, %exp3A_539 : vector<32x1024xf32>
    %eq3A_541 = arith.constant 3 : i32
    %eq3A_542 = vector.broadcast %eq3A_541 : i32 to vector<32x1024xi32>
    %eq3A_543 = arith.cmpi eq, %get3A_1, %eq3A_542 : vector<32x1024xi32>
    %jit3A_544 = arith.constant 0.000000e+00 : f32
    %broadcast_in_dim3A_545 = vector.broadcast %jit3A_544 : f32 to vector<32x1024xf32>
    %select_n3A_546 = arith.select %eq3A_543, %get3A_537, %broadcast_in_dim3A_545 : vector<32x1024xi1>, vector<32x1024xf32>
    %add3A_547 = arith.addf %add3A_532, %select_n3A_546 : vector<32x1024xf32>
    %get3A_548 = arith.constant 4 : index
    %get3A_549 = arith.constant 0 : index
    %get3A_550 = arith.constant 0 : index
    %get3A_551 = vector.load %arg1[%get3A_548, %get3A_549, %get3A_550] : memref<81x32x1024xf32, #tpu.memory_space<vmem>>, vector<1x32x1024xf32>
    %get3A_552 = vector.shape_cast %get3A_551 : vector<1x32x1024xf32> to vector<32x1024xf32>
    %sub3A_553 = arith.subf %get3A_552, %max3A_489 : vector<32x1024xf32>
    %exp3A_554 = math.exp %sub3A_553 : vector<32x1024xf32>
    %add3A_555 = arith.addf %add3A_540, %exp3A_554 : vector<32x1024xf32>
    %eq3A_556 = arith.constant 4 : i32
    %eq3A_557 = vector.broadcast %eq3A_556 : i32 to vector<32x1024xi32>
    %eq3A_558 = arith.cmpi eq, %get3A_1, %eq3A_557 : vector<32x1024xi32>
    %jit3A_559 = arith.constant 0.000000e+00 : f32
    %broadcast_in_dim3A_560 = vector.broadcast %jit3A_559 : f32 to vector<32x1024xf32>
    %select_n3A_561 = arith.select %eq3A_558, %get3A_552, %broadcast_in_dim3A_560 : vector<32x1024xi1>, vector<32x1024xf32>
    %add3A_562 = arith.addf %add3A_547, %select_n3A_561 : vector<32x1024xf32>
    %get3A_563 = arith.constant 5 : index
    %get3A_564 = arith.constant 0 : index
    %get3A_565 = arith.constant 0 : index
    %get3A_566 = vector.load %arg1[%get3A_563, %get3A_564, %get3A_565] : memref<81x32x1024xf32, #tpu.memory_space<vmem>>, vector<1x32x1024xf32>
    %get3A_567 = vector.shape_cast %get3A_566 : vector<1x32x1024xf32> to vector<32x1024xf32>
    %sub3A_568 = arith.subf %get3A_567, %max3A_489 : vector<32x1024xf32>
    %exp3A_569 = math.exp %sub3A_568 : vector<32x1024xf32>
    %add3A_570 = arith.addf %add3A_555, %exp3A_569 : vector<32x1024xf32>
    %eq3A_571 = arith.constant 5 : i32
    %eq3A_572 = vector.broadcast %eq3A_571 : i32 to vector<32x1024xi32>
    %eq3A_573 = arith.cmpi eq, %get3A_1, %eq3A_572 : vector<32x1024xi32>
    %jit3A_574 = arith.constant 0.000000e+00 : f32
    %broadcast_in_dim3A_575 = vector.broadcast %jit3A_574 : f32 to vector<32x1024xf32>
    %select_n3A_576 = arith.select %eq3A_573, %get3A_567, %broadcast_in_dim3A_575 : vector<32x1024xi1>, vector<32x1024xf32>
    %add3A_577 = arith.addf %add3A_562, %select_n3A_576 : vector<32x1024xf32>
    %get3A_578 = arith.constant 6 : index
    %get3A_579 = arith.constant 0 : index
    %get3A_580 = arith.constant 0 : index
    %get3A_581 = vector.load %arg1[%get3A_578, %get3A_579, %get3A_580] : memref<81x32x1024xf32, #tpu.memory_space<vmem>>, vector<1x32x1024xf32>
    %get3A_582 = vector.shape_cast %get3A_581 : vector<1x32x1024xf32> to vector<32x1024xf32>
    %sub3A_583 = arith.subf %get3A_582, %max3A_489 : vector<32x1024xf32>
    %exp3A_584 = math.exp %sub3A_583 : vector<32x1024xf32>
    %add3A_585 = arith.addf %add3A_570, %exp3A_584 : vector<32x1024xf32>
    %eq3A_586 = arith.constant 6 : i32
    %eq3A_587 = vector.broadcast %eq3A_586 : i32 to vector<32x1024xi32>
    %eq3A_588 = arith.cmpi eq, %get3A_1, %eq3A_587 : vector<32x1024xi32>
    %jit3A_589 = arith.constant 0.000000e+00 : f32
    %broadcast_in_dim3A_590 = vector.broadcast %jit3A_589 : f32 to vector<32x1024xf32>
    %select_n3A_591 = arith.select %eq3A_588, %get3A_582, %broadcast_in_dim3A_590 : vector<32x1024xi1>, vector<32x1024xf32>
    %add3A_592 = arith.addf %add3A_577, %select_n3A_591 : vector<32x1024xf32>
    %get3A_593 = arith.constant 7 : index
    %get3A_594 = arith.constant 0 : index
    %get3A_595 = arith.constant 0 : index
    %get3A_596 = vector.load %arg1[%get3A_593, %get3A_594, %get3A_595] : memref<81x32x1024xf32, #tpu.memory_space<vmem>>, vector<1x32x1024xf32>
    %get3A_597 = vector.shape_cast %get3A_596 : vector<1x32x1024xf32> to vector<32x1024xf32>
    %sub3A_598 = arith.subf %get3A_597, %max3A_489 : vector<32x1024xf32>
    %exp3A_599 = math.exp %sub3A_598 : vector<32x1024xf32>
    %add3A_600 = arith.addf %add3A_585, %exp3A_599 : vector<32x1024xf32>
    %eq3A_601 = arith.constant 7 : i32
    %eq3A_602 = vector.broadcast %eq3A_601 : i32 to vector<32x1024xi32>
    %eq3A_603 = arith.cmpi eq, %get3A_1, %eq3A_602 : vector<32x1024xi32>
    %jit3A_604 = arith.constant 0.000000e+00 : f32
    %broadcast_in_dim3A_605 = vector.broadcast %jit3A_604 : f32 to vector<32x1024xf32>
    %select_n3A_606 = arith.select %eq3A_603, %get3A_597, %broadcast_in_dim3A_605 : vector<32x1024xi1>, vector<32x1024xf32>
    %add3A_607 = arith.addf %add3A_592, %select_n3A_606 : vector<32x1024xf32>
    %get3A_608 = arith.constant 8 : index
    %get3A_609 = arith.constant 0 : index
    %get3A_610 = arith.constant 0 : index
    %get3A_611 = vector.load %arg1[%get3A_608, %get3A_609, %get3A_610] : memref<81x32x1024xf32, #tpu.memory_space<vmem>>, vector<1x32x1024xf32>
    %get3A_612 = vector.shape_cast %get3A_611 : vector<1x32x1024xf32> to vector<32x1024xf32>
    %sub3A_613 = arith.subf %get3A_612, %max3A_489 : vector<32x1024xf32>
    %exp3A_614 = math.exp %sub3A_613 : vector<32x1024xf32>
    %add3A_615 = arith.addf %add3A_600, %exp3A_614 : vector<32x1024xf32>
    %eq3A_616 = arith.constant 8 : i32
    %eq3A_617 = vector.broadcast %eq3A_616 : i32 to vector<32x1024xi32>
    %eq3A_618 = arith.cmpi eq, %get3A_1, %eq3A_617 : vector<32x1024xi32>
    %jit3A_619 = arith.constant 0.000000e+00 : f32
    %broadcast_in_dim3A_620 = vector.broadcast %jit3A_619 : f32 to vector<32x1024xf32>
    %select_n3A_621 = arith.select %eq3A_618, %get3A_612, %broadcast_in_dim3A_620 : vector<32x1024xi1>, vector<32x1024xf32>
    %add3A_622 = arith.addf %add3A_607, %select_n3A_621 : vector<32x1024xf32>
    %get3A_623 = arith.constant 9 : index
    %get3A_624 = arith.constant 0 : index
    %get3A_625 = arith.constant 0 : index
    %get3A_626 = vector.load %arg1[%get3A_623, %get3A_624, %get3A_625] : memref<81x32x1024xf32, #tpu.memory_space<vmem>>, vector<1x32x1024xf32>
    %get3A_627 = vector.shape_cast %get3A_626 : vector<1x32x1024xf32> to vector<32x1024xf32>
    %sub3A_628 = arith.subf %get3A_627, %max3A_489 : vector<32x1024xf32>
    %exp3A_629 = math.exp %sub3A_628 : vector<32x1024xf32>
    %add3A_630 = arith.addf %add3A_615, %exp3A_629 : vector<32x1024xf32>
    %eq3A_631 = arith.constant 9 : i32
    %eq3A_632 = vector.broadcast %eq3A_631 : i32 to vector<32x1024xi32>
    %eq3A_633 = arith.cmpi eq, %get3A_1, %eq3A_632 : vector<32x1024xi32>
    %jit3A_634 = arith.constant 0.000000e+00 : f32
    %broadcast_in_dim3A_635 = vector.broadcast %jit3A_634 : f32 to vector<32x1024xf32>
    %select_n3A_636 = arith.select %eq3A_633, %get3A_627, %broadcast_in_dim3A_635 : vector<32x1024xi1>, vector<32x1024xf32>
    %add3A_637 = arith.addf %add3A_622, %select_n3A_636 : vector<32x1024xf32>
    %get3A_638 = arith.constant 10 : index
    %get3A_639 = arith.constant 0 : index
    %get3A_640 = arith.constant 0 : index
    %get3A_641 = vector.load %arg1[%get3A_638, %get3A_639, %get3A_640] : memref<81x32x1024xf32, #tpu.memory_space<vmem>>, vector<1x32x1024xf32>
    %get3A_642 = vector.shape_cast %get3A_641 : vector<1x32x1024xf32> to vector<32x1024xf32>
    %sub3A_643 = arith.subf %get3A_642, %max3A_489 : vector<32x1024xf32>
    %exp3A_644 = math.exp %sub3A_643 : vector<32x1024xf32>
    %add3A_645 = arith.addf %add3A_630, %exp3A_644 : vector<32x1024xf32>
    %eq3A_646 = arith.constant 10 : i32
    %eq3A_647 = vector.broadcast %eq3A_646 : i32 to vector<32x1024xi32>
    %eq3A_648 = arith.cmpi eq, %get3A_1, %eq3A_647 : vector<32x1024xi32>
    %jit3A_649 = arith.constant 0.000000e+00 : f32
    %broadcast_in_dim3A_650 = vector.broadcast %jit3A_649 : f32 to vector<32x1024xf32>
    %select_n3A_651 = arith.select %eq3A_648, %get3A_642, %broadcast_in_dim3A_650 : vector<32x1024xi1>, vector<32x1024xf32>
    %add3A_652 = arith.addf %add3A_637, %select_n3A_651 : vector<32x1024xf32>
    %get3A_653 = arith.constant 11 : index
    %get3A_654 = arith.constant 0 : index
    %get3A_655 = arith.constant 0 : index
    %get3A_656 = vector.load %arg1[%get3A_653, %get3A_654, %get3A_655] : memref<81x32x1024xf32, #tpu.memory_space<vmem>>, vector<1x32x1024xf32>
    %get3A_657 = vector.shape_cast %get3A_656 : vector<1x32x1024xf32> to vector<32x1024xf32>
    %sub3A_658 = arith.subf %get3A_657, %max3A_489 : vector<32x1024xf32>
    %exp3A_659 = math.exp %sub3A_658 : vector<32x1024xf32>
    %add3A_660 = arith.addf %add3A_645, %exp3A_659 : vector<32x1024xf32>
    %eq3A_661 = arith.constant 11 : i32
    %eq3A_662 = vector.broadcast %eq3A_661 : i32 to vector<32x1024xi32>
    %eq3A_663 = arith.cmpi eq, %get3A_1, %eq3A_662 : vector<32x1024xi32>
    %jit3A_664 = arith.constant 0.000000e+00 : f32
    %broadcast_in_dim3A_665 = vector.broadcast %jit3A_664 : f32 to vector<32x1024xf32>
    %select_n3A_666 = arith.select %eq3A_663, %get3A_657, %broadcast_in_dim3A_665 : vector<32x1024xi1>, vector<32x1024xf32>
    %add3A_667 = arith.addf %add3A_652, %select_n3A_666 : vector<32x1024xf32>
    %get3A_668 = arith.constant 12 : index
    %get3A_669 = arith.constant 0 : index
    %get3A_670 = arith.constant 0 : index
    %get3A_671 = vector.load %arg1[%get3A_668, %get3A_669, %get3A_670] : memref<81x32x1024xf32, #tpu.memory_space<vmem>>, vector<1x32x1024xf32>
    %get3A_672 = vector.shape_cast %get3A_671 : vector<1x32x1024xf32> to vector<32x1024xf32>
    %sub3A_673 = arith.subf %get3A_672, %max3A_489 : vector<32x1024xf32>
    %exp3A_674 = math.exp %sub3A_673 : vector<32x1024xf32>
    %add3A_675 = arith.addf %add3A_660, %exp3A_674 : vector<32x1024xf32>
    %eq3A_676 = arith.constant 12 : i32
    %eq3A_677 = vector.broadcast %eq3A_676 : i32 to vector<32x1024xi32>
    %eq3A_678 = arith.cmpi eq, %get3A_1, %eq3A_677 : vector<32x1024xi32>
    %jit3A_679 = arith.constant 0.000000e+00 : f32
    %broadcast_in_dim3A_680 = vector.broadcast %jit3A_679 : f32 to vector<32x1024xf32>
    %select_n3A_681 = arith.select %eq3A_678, %get3A_672, %broadcast_in_dim3A_680 : vector<32x1024xi1>, vector<32x1024xf32>
    %add3A_682 = arith.addf %add3A_667, %select_n3A_681 : vector<32x1024xf32>
    %get3A_683 = arith.constant 13 : index
    %get3A_684 = arith.constant 0 : index
    %get3A_685 = arith.constant 0 : index
    %get3A_686 = vector.load %arg1[%get3A_683, %get3A_684, %get3A_685] : memref<81x32x1024xf32, #tpu.memory_space<vmem>>, vector<1x32x1024xf32>
    %get3A_687 = vector.shape_cast %get3A_686 : vector<1x32x1024xf32> to vector<32x1024xf32>
    %sub3A_688 = arith.subf %get3A_687, %max3A_489 : vector<32x1024xf32>
    %exp3A_689 = math.exp %sub3A_688 : vector<32x1024xf32>
    %add3A_690 = arith.addf %add3A_675, %exp3A_689 : vector<32x1024xf32>
    %eq3A_691 = arith.constant 13 : i32
    %eq3A_692 = vector.broadcast %eq3A_691 : i32 to vector<32x1024xi32>
    %eq3A_693 = arith.cmpi eq, %get3A_1, %eq3A_692 : vector<32x1024xi32>
    %jit3A_694 = arith.constant 0.000000e+00 : f32
    %broadcast_in_dim3A_695 = vector.broadcast %jit3A_694 : f32 to vector<32x1024xf32>
    %select_n3A_696 = arith.select %eq3A_693, %get3A_687, %broadcast_in_dim3A_695 : vector<32x1024xi1>, vector<32x1024xf32>
    %add3A_697 = arith.addf %add3A_682, %select_n3A_696 : vector<32x1024xf32>
    %get3A_698 = arith.constant 14 : index
    %get3A_699 = arith.constant 0 : index
    %get3A_700 = arith.constant 0 : index
    %get3A_701 = vector.load %arg1[%get3A_698, %get3A_699, %get3A_700] : memref<81x32x1024xf32, #tpu.memory_space<vmem>>, vector<1x32x1024xf32>
    %get3A_702 = vector.shape_cast %get3A_701 : vector<1x32x1024xf32> to vector<32x1024xf32>
    %sub3A_703 = arith.subf %get3A_702, %max3A_489 : vector<32x1024xf32>
    %exp3A_704 = math.exp %sub3A_703 : vector<32x1024xf32>
    %add3A_705 = arith.addf %add3A_690, %exp3A_704 : vector<32x1024xf32>
    %eq3A_706 = arith.constant 14 : i32
    %eq3A_707 = vector.broadcast %eq3A_706 : i32 to vector<32x1024xi32>
    %eq3A_708 = arith.cmpi eq, %get3A_1, %eq3A_707 : vector<32x1024xi32>
    %jit3A_709 = arith.constant 0.000000e+00 : f32
    %broadcast_in_dim3A_710 = vector.broadcast %jit3A_709 : f32 to vector<32x1024xf32>
    %select_n3A_711 = arith.select %eq3A_708, %get3A_702, %broadcast_in_dim3A_710 : vector<32x1024xi1>, vector<32x1024xf32>
    %add3A_712 = arith.addf %add3A_697, %select_n3A_711 : vector<32x1024xf32>
    %get3A_713 = arith.constant 15 : index
    %get3A_714 = arith.constant 0 : index
    %get3A_715 = arith.constant 0 : index
    %get3A_716 = vector.load %arg1[%get3A_713, %get3A_714, %get3A_715] : memref<81x32x1024xf32, #tpu.memory_space<vmem>>, vector<1x32x1024xf32>
    %get3A_717 = vector.shape_cast %get3A_716 : vector<1x32x1024xf32> to vector<32x1024xf32>
    %sub3A_718 = arith.subf %get3A_717, %max3A_489 : vector<32x1024xf32>
    %exp3A_719 = math.exp %sub3A_718 : vector<32x1024xf32>
    %add3A_720 = arith.addf %add3A_705, %exp3A_719 : vector<32x1024xf32>
    %eq3A_721 = arith.constant 15 : i32
    %eq3A_722 = vector.broadcast %eq3A_721 : i32 to vector<32x1024xi32>
    %eq3A_723 = arith.cmpi eq, %get3A_1, %eq3A_722 : vector<32x1024xi32>
    %jit3A_724 = arith.constant 0.000000e+00 : f32
    %broadcast_in_dim3A_725 = vector.broadcast %jit3A_724 : f32 to vector<32x1024xf32>
    %select_n3A_726 = arith.select %eq3A_723, %get3A_717, %broadcast_in_dim3A_725 : vector<32x1024xi1>, vector<32x1024xf32>
    %add3A_727 = arith.addf %add3A_712, %select_n3A_726 : vector<32x1024xf32>
    %get3A_728 = arith.constant 16 : index
    %get3A_729 = arith.constant 0 : index
    %get3A_730 = arith.constant 0 : index
    %get3A_731 = vector.load %arg1[%get3A_728, %get3A_729, %get3A_730] : memref<81x32x1024xf32, #tpu.memory_space<vmem>>, vector<1x32x1024xf32>
    %get3A_732 = vector.shape_cast %get3A_731 : vector<1x32x1024xf32> to vector<32x1024xf32>
    %sub3A_733 = arith.subf %get3A_732, %max3A_489 : vector<32x1024xf32>
    %exp3A_734 = math.exp %sub3A_733 : vector<32x1024xf32>
    %add3A_735 = arith.addf %add3A_720, %exp3A_734 : vector<32x1024xf32>
    %eq3A_736 = arith.constant 16 : i32
    %eq3A_737 = vector.broadcast %eq3A_736 : i32 to vector<32x1024xi32>
    %eq3A_738 = arith.cmpi eq, %get3A_1, %eq3A_737 : vector<32x1024xi32>
    %jit3A_739 = arith.constant 0.000000e+00 : f32
    %broadcast_in_dim3A_740 = vector.broadcast %jit3A_739 : f32 to vector<32x1024xf32>
    %select_n3A_741 = arith.select %eq3A_738, %get3A_732, %broadcast_in_dim3A_740 : vector<32x1024xi1>, vector<32x1024xf32>
    %add3A_742 = arith.addf %add3A_727, %select_n3A_741 : vector<32x1024xf32>
    %get3A_743 = arith.constant 17 : index
    %get3A_744 = arith.constant 0 : index
    %get3A_745 = arith.constant 0 : index
    %get3A_746 = vector.load %arg1[%get3A_743, %get3A_744, %get3A_745] : memref<81x32x1024xf32, #tpu.memory_space<vmem>>, vector<1x32x1024xf32>
    %get3A_747 = vector.shape_cast %get3A_746 : vector<1x32x1024xf32> to vector<32x1024xf32>
    %sub3A_748 = arith.subf %get3A_747, %max3A_489 : vector<32x1024xf32>
    %exp3A_749 = math.exp %sub3A_748 : vector<32x1024xf32>
    %add3A_750 = arith.addf %add3A_735, %exp3A_749 : vector<32x1024xf32>
    %eq3A_751 = arith.constant 17 : i32
    %eq3A_752 = vector.broadcast %eq3A_751 : i32 to vector<32x1024xi32>
    %eq3A_753 = arith.cmpi eq, %get3A_1, %eq3A_752 : vector<32x1024xi32>
    %jit3A_754 = arith.constant 0.000000e+00 : f32
    %broadcast_in_dim3A_755 = vector.broadcast %jit3A_754 : f32 to vector<32x1024xf32>
    %select_n3A_756 = arith.select %eq3A_753, %get3A_747, %broadcast_in_dim3A_755 : vector<32x1024xi1>, vector<32x1024xf32>
    %add3A_757 = arith.addf %add3A_742, %select_n3A_756 : vector<32x1024xf32>
    %get3A_758 = arith.constant 18 : index
    %get3A_759 = arith.constant 0 : index
    %get3A_760 = arith.constant 0 : index
    %get3A_761 = vector.load %arg1[%get3A_758, %get3A_759, %get3A_760] : memref<81x32x1024xf32, #tpu.memory_space<vmem>>, vector<1x32x1024xf32>
    %get3A_762 = vector.shape_cast %get3A_761 : vector<1x32x1024xf32> to vector<32x1024xf32>
    %sub3A_763 = arith.subf %get3A_762, %max3A_489 : vector<32x1024xf32>
    %exp3A_764 = math.exp %sub3A_763 : vector<32x1024xf32>
    %add3A_765 = arith.addf %add3A_750, %exp3A_764 : vector<32x1024xf32>
    %eq3A_766 = arith.constant 18 : i32
    %eq3A_767 = vector.broadcast %eq3A_766 : i32 to vector<32x1024xi32>
    %eq3A_768 = arith.cmpi eq, %get3A_1, %eq3A_767 : vector<32x1024xi32>
    %jit3A_769 = arith.constant 0.000000e+00 : f32
    %broadcast_in_dim3A_770 = vector.broadcast %jit3A_769 : f32 to vector<32x1024xf32>
    %select_n3A_771 = arith.select %eq3A_768, %get3A_762, %broadcast_in_dim3A_770 : vector<32x1024xi1>, vector<32x1024xf32>
    %add3A_772 = arith.addf %add3A_757, %select_n3A_771 : vector<32x1024xf32>
    %get3A_773 = arith.constant 19 : index
    %get3A_774 = arith.constant 0 : index
    %get3A_775 = arith.constant 0 : index
    %get3A_776 = vector.load %arg1[%get3A_773, %get3A_774, %get3A_775] : memref<81x32x1024xf32, #tpu.memory_space<vmem>>, vector<1x32x1024xf32>
    %get3A_777 = vector.shape_cast %get3A_776 : vector<1x32x1024xf32> to vector<32x1024xf32>
    %sub3A_778 = arith.subf %get3A_777, %max3A_489 : vector<32x1024xf32>
    %exp3A_779 = math.exp %sub3A_778 : vector<32x1024xf32>
    %add3A_780 = arith.addf %add3A_765, %exp3A_779 : vector<32x1024xf32>
    %eq3A_781 = arith.constant 19 : i32
    %eq3A_782 = vector.broadcast %eq3A_781 : i32 to vector<32x1024xi32>
    %eq3A_783 = arith.cmpi eq, %get3A_1, %eq3A_782 : vector<32x1024xi32>
    %jit3A_784 = arith.constant 0.000000e+00 : f32
    %broadcast_in_dim3A_785 = vector.broadcast %jit3A_784 : f32 to vector<32x1024xf32>
    %select_n3A_786 = arith.select %eq3A_783, %get3A_777, %broadcast_in_dim3A_785 : vector<32x1024xi1>, vector<32x1024xf32>
    %add3A_787 = arith.addf %add3A_772, %select_n3A_786 : vector<32x1024xf32>
    %get3A_788 = arith.constant 20 : index
    %get3A_789 = arith.constant 0 : index
    %get3A_790 = arith.constant 0 : index
    %get3A_791 = vector.load %arg1[%get3A_788, %get3A_789, %get3A_790] : memref<81x32x1024xf32, #tpu.memory_space<vmem>>, vector<1x32x1024xf32>
    %get3A_792 = vector.shape_cast %get3A_791 : vector<1x32x1024xf32> to vector<32x1024xf32>
    %sub3A_793 = arith.subf %get3A_792, %max3A_489 : vector<32x1024xf32>
    %exp3A_794 = math.exp %sub3A_793 : vector<32x1024xf32>
    %add3A_795 = arith.addf %add3A_780, %exp3A_794 : vector<32x1024xf32>
    %eq3A_796 = arith.constant 20 : i32
    %eq3A_797 = vector.broadcast %eq3A_796 : i32 to vector<32x1024xi32>
    %eq3A_798 = arith.cmpi eq, %get3A_1, %eq3A_797 : vector<32x1024xi32>
    %jit3A_799 = arith.constant 0.000000e+00 : f32
    %broadcast_in_dim3A_800 = vector.broadcast %jit3A_799 : f32 to vector<32x1024xf32>
    %select_n3A_801 = arith.select %eq3A_798, %get3A_792, %broadcast_in_dim3A_800 : vector<32x1024xi1>, vector<32x1024xf32>
    %add3A_802 = arith.addf %add3A_787, %select_n3A_801 : vector<32x1024xf32>
    %get3A_803 = arith.constant 21 : index
    %get3A_804 = arith.constant 0 : index
    %get3A_805 = arith.constant 0 : index
    %get3A_806 = vector.load %arg1[%get3A_803, %get3A_804, %get3A_805] : memref<81x32x1024xf32, #tpu.memory_space<vmem>>, vector<1x32x1024xf32>
    %get3A_807 = vector.shape_cast %get3A_806 : vector<1x32x1024xf32> to vector<32x1024xf32>
    %sub3A_808 = arith.subf %get3A_807, %max3A_489 : vector<32x1024xf32>
    %exp3A_809 = math.exp %sub3A_808 : vector<32x1024xf32>
    %add3A_810 = arith.addf %add3A_795, %exp3A_809 : vector<32x1024xf32>
    %eq3A_811 = arith.constant 21 : i32
    %eq3A_812 = vector.broadcast %eq3A_811 : i32 to vector<32x1024xi32>
    %eq3A_813 = arith.cmpi eq, %get3A_1, %eq3A_812 : vector<32x1024xi32>
    %jit3A_814 = arith.constant 0.000000e+00 : f32
    %broadcast_in_dim3A_815 = vector.broadcast %jit3A_814 : f32 to vector<32x1024xf32>
    %select_n3A_816 = arith.select %eq3A_813, %get3A_807, %broadcast_in_dim3A_815 : vector<32x1024xi1>, vector<32x1024xf32>
    %add3A_817 = arith.addf %add3A_802, %select_n3A_816 : vector<32x1024xf32>
    %get3A_818 = arith.constant 22 : index
    %get3A_819 = arith.constant 0 : index
    %get3A_820 = arith.constant 0 : index
    %get3A_821 = vector.load %arg1[%get3A_818, %get3A_819, %get3A_820] : memref<81x32x1024xf32, #tpu.memory_space<vmem>>, vector<1x32x1024xf32>
    %get3A_822 = vector.shape_cast %get3A_821 : vector<1x32x1024xf32> to vector<32x1024xf32>
    %sub3A_823 = arith.subf %get3A_822, %max3A_489 : vector<32x1024xf32>
    %exp3A_824 = math.exp %sub3A_823 : vector<32x1024xf32>
    %add3A_825 = arith.addf %add3A_810, %exp3A_824 : vector<32x1024xf32>
    %eq3A_826 = arith.constant 22 : i32
    %eq3A_827 = vector.broadcast %eq3A_826 : i32 to vector<32x1024xi32>
    %eq3A_828 = arith.cmpi eq, %get3A_1, %eq3A_827 : vector<32x1024xi32>
    %jit3A_829 = arith.constant 0.000000e+00 : f32
    %broadcast_in_dim3A_830 = vector.broadcast %jit3A_829 : f32 to vector<32x1024xf32>
    %select_n3A_831 = arith.select %eq3A_828, %get3A_822, %broadcast_in_dim3A_830 : vector<32x1024xi1>, vector<32x1024xf32>
    %add3A_832 = arith.addf %add3A_817, %select_n3A_831 : vector<32x1024xf32>
    %get3A_833 = arith.constant 23 : index
    %get3A_834 = arith.constant 0 : index
    %get3A_835 = arith.constant 0 : index
    %get3A_836 = vector.load %arg1[%get3A_833, %get3A_834, %get3A_835] : memref<81x32x1024xf32, #tpu.memory_space<vmem>>, vector<1x32x1024xf32>
    %get3A_837 = vector.shape_cast %get3A_836 : vector<1x32x1024xf32> to vector<32x1024xf32>
    %sub3A_838 = arith.subf %get3A_837, %max3A_489 : vector<32x1024xf32>
    %exp3A_839 = math.exp %sub3A_838 : vector<32x1024xf32>
    %add3A_840 = arith.addf %add3A_825, %exp3A_839 : vector<32x1024xf32>
    %eq3A_841 = arith.constant 23 : i32
    %eq3A_842 = vector.broadcast %eq3A_841 : i32 to vector<32x1024xi32>
    %eq3A_843 = arith.cmpi eq, %get3A_1, %eq3A_842 : vector<32x1024xi32>
    %jit3A_844 = arith.constant 0.000000e+00 : f32
    %broadcast_in_dim3A_845 = vector.broadcast %jit3A_844 : f32 to vector<32x1024xf32>
    %select_n3A_846 = arith.select %eq3A_843, %get3A_837, %broadcast_in_dim3A_845 : vector<32x1024xi1>, vector<32x1024xf32>
    %add3A_847 = arith.addf %add3A_832, %select_n3A_846 : vector<32x1024xf32>
    %get3A_848 = arith.constant 24 : index
    %get3A_849 = arith.constant 0 : index
    %get3A_850 = arith.constant 0 : index
    %get3A_851 = vector.load %arg1[%get3A_848, %get3A_849, %get3A_850] : memref<81x32x1024xf32, #tpu.memory_space<vmem>>, vector<1x32x1024xf32>
    %get3A_852 = vector.shape_cast %get3A_851 : vector<1x32x1024xf32> to vector<32x1024xf32>
    %sub3A_853 = arith.subf %get3A_852, %max3A_489 : vector<32x1024xf32>
    %exp3A_854 = math.exp %sub3A_853 : vector<32x1024xf32>
    %add3A_855 = arith.addf %add3A_840, %exp3A_854 : vector<32x1024xf32>
    %eq3A_856 = arith.constant 24 : i32
    %eq3A_857 = vector.broadcast %eq3A_856 : i32 to vector<32x1024xi32>
    %eq3A_858 = arith.cmpi eq, %get3A_1, %eq3A_857 : vector<32x1024xi32>
    %jit3A_859 = arith.constant 0.000000e+00 : f32
    %broadcast_in_dim3A_860 = vector.broadcast %jit3A_859 : f32 to vector<32x1024xf32>
    %select_n3A_861 = arith.select %eq3A_858, %get3A_852, %broadcast_in_dim3A_860 : vector<32x1024xi1>, vector<32x1024xf32>
    %add3A_862 = arith.addf %add3A_847, %select_n3A_861 : vector<32x1024xf32>
    %get3A_863 = arith.constant 25 : index
    %get3A_864 = arith.constant 0 : index
    %get3A_865 = arith.constant 0 : index
    %get3A_866 = vector.load %arg1[%get3A_863, %get3A_864, %get3A_865] : memref<81x32x1024xf32, #tpu.memory_space<vmem>>, vector<1x32x1024xf32>
    %get3A_867 = vector.shape_cast %get3A_866 : vector<1x32x1024xf32> to vector<32x1024xf32>
    %sub3A_868 = arith.subf %get3A_867, %max3A_489 : vector<32x1024xf32>
    %exp3A_869 = math.exp %sub3A_868 : vector<32x1024xf32>
    %add3A_870 = arith.addf %add3A_855, %exp3A_869 : vector<32x1024xf32>
    %eq3A_871 = arith.constant 25 : i32
    %eq3A_872 = vector.broadcast %eq3A_871 : i32 to vector<32x1024xi32>
    %eq3A_873 = arith.cmpi eq, %get3A_1, %eq3A_872 : vector<32x1024xi32>
    %jit3A_874 = arith.constant 0.000000e+00 : f32
    %broadcast_in_dim3A_875 = vector.broadcast %jit3A_874 : f32 to vector<32x1024xf32>
    %select_n3A_876 = arith.select %eq3A_873, %get3A_867, %broadcast_in_dim3A_875 : vector<32x1024xi1>, vector<32x1024xf32>
    %add3A_877 = arith.addf %add3A_862, %select_n3A_876 : vector<32x1024xf32>
    %get3A_878 = arith.constant 26 : index
    %get3A_879 = arith.constant 0 : index
    %get3A_880 = arith.constant 0 : index
    %get3A_881 = vector.load %arg1[%get3A_878, %get3A_879, %get3A_880] : memref<81x32x1024xf32, #tpu.memory_space<vmem>>, vector<1x32x1024xf32>
    %get3A_882 = vector.shape_cast %get3A_881 : vector<1x32x1024xf32> to vector<32x1024xf32>
    %sub3A_883 = arith.subf %get3A_882, %max3A_489 : vector<32x1024xf32>
    %exp3A_884 = math.exp %sub3A_883 : vector<32x1024xf32>
    %add3A_885 = arith.addf %add3A_870, %exp3A_884 : vector<32x1024xf32>
    %eq3A_886 = arith.constant 26 : i32
    %eq3A_887 = vector.broadcast %eq3A_886 : i32 to vector<32x1024xi32>
    %eq3A_888 = arith.cmpi eq, %get3A_1, %eq3A_887 : vector<32x1024xi32>
    %jit3A_889 = arith.constant 0.000000e+00 : f32
    %broadcast_in_dim3A_890 = vector.broadcast %jit3A_889 : f32 to vector<32x1024xf32>
    %select_n3A_891 = arith.select %eq3A_888, %get3A_882, %broadcast_in_dim3A_890 : vector<32x1024xi1>, vector<32x1024xf32>
    %add3A_892 = arith.addf %add3A_877, %select_n3A_891 : vector<32x1024xf32>
    %get3A_893 = arith.constant 27 : index
    %get3A_894 = arith.constant 0 : index
    %get3A_895 = arith.constant 0 : index
    %get3A_896 = vector.load %arg1[%get3A_893, %get3A_894, %get3A_895] : memref<81x32x1024xf32, #tpu.memory_space<vmem>>, vector<1x32x1024xf32>
    %get3A_897 = vector.shape_cast %get3A_896 : vector<1x32x1024xf32> to vector<32x1024xf32>
    %sub3A_898 = arith.subf %get3A_897, %max3A_489 : vector<32x1024xf32>
    %exp3A_899 = math.exp %sub3A_898 : vector<32x1024xf32>
    %add3A_900 = arith.addf %add3A_885, %exp3A_899 : vector<32x1024xf32>
    %eq3A_901 = arith.constant 27 : i32
    %eq3A_902 = vector.broadcast %eq3A_901 : i32 to vector<32x1024xi32>
    %eq3A_903 = arith.cmpi eq, %get3A_1, %eq3A_902 : vector<32x1024xi32>
    %jit3A_904 = arith.constant 0.000000e+00 : f32
    %broadcast_in_dim3A_905 = vector.broadcast %jit3A_904 : f32 to vector<32x1024xf32>
    %select_n3A_906 = arith.select %eq3A_903, %get3A_897, %broadcast_in_dim3A_905 : vector<32x1024xi1>, vector<32x1024xf32>
    %add3A_907 = arith.addf %add3A_892, %select_n3A_906 : vector<32x1024xf32>
    %get3A_908 = arith.constant 28 : index
    %get3A_909 = arith.constant 0 : index
    %get3A_910 = arith.constant 0 : index
    %get3A_911 = vector.load %arg1[%get3A_908, %get3A_909, %get3A_910] : memref<81x32x1024xf32, #tpu.memory_space<vmem>>, vector<1x32x1024xf32>
    %get3A_912 = vector.shape_cast %get3A_911 : vector<1x32x1024xf32> to vector<32x1024xf32>
    %sub3A_913 = arith.subf %get3A_912, %max3A_489 : vector<32x1024xf32>
    %exp3A_914 = math.exp %sub3A_913 : vector<32x1024xf32>
    %add3A_915 = arith.addf %add3A_900, %exp3A_914 : vector<32x1024xf32>
    %eq3A_916 = arith.constant 28 : i32
    %eq3A_917 = vector.broadcast %eq3A_916 : i32 to vector<32x1024xi32>
    %eq3A_918 = arith.cmpi eq, %get3A_1, %eq3A_917 : vector<32x1024xi32>
    %jit3A_919 = arith.constant 0.000000e+00 : f32
    %broadcast_in_dim3A_920 = vector.broadcast %jit3A_919 : f32 to vector<32x1024xf32>
    %select_n3A_921 = arith.select %eq3A_918, %get3A_912, %broadcast_in_dim3A_920 : vector<32x1024xi1>, vector<32x1024xf32>
    %add3A_922 = arith.addf %add3A_907, %select_n3A_921 : vector<32x1024xf32>
    %get3A_923 = arith.constant 29 : index
    %get3A_924 = arith.constant 0 : index
    %get3A_925 = arith.constant 0 : index
    %get3A_926 = vector.load %arg1[%get3A_923, %get3A_924, %get3A_925] : memref<81x32x1024xf32, #tpu.memory_space<vmem>>, vector<1x32x1024xf32>
    %get3A_927 = vector.shape_cast %get3A_926 : vector<1x32x1024xf32> to vector<32x1024xf32>
    %sub3A_928 = arith.subf %get3A_927, %max3A_489 : vector<32x1024xf32>
    %exp3A_929 = math.exp %sub3A_928 : vector<32x1024xf32>
    %add3A_930 = arith.addf %add3A_915, %exp3A_929 : vector<32x1024xf32>
    %eq3A_931 = arith.constant 29 : i32
    %eq3A_932 = vector.broadcast %eq3A_931 : i32 to vector<32x1024xi32>
    %eq3A_933 = arith.cmpi eq, %get3A_1, %eq3A_932 : vector<32x1024xi32>
    %jit3A_934 = arith.constant 0.000000e+00 : f32
    %broadcast_in_dim3A_935 = vector.broadcast %jit3A_934 : f32 to vector<32x1024xf32>
    %select_n3A_936 = arith.select %eq3A_933, %get3A_927, %broadcast_in_dim3A_935 : vector<32x1024xi1>, vector<32x1024xf32>
    %add3A_937 = arith.addf %add3A_922, %select_n3A_936 : vector<32x1024xf32>
    %get3A_938 = arith.constant 30 : index
    %get3A_939 = arith.constant 0 : index
    %get3A_940 = arith.constant 0 : index
    %get3A_941 = vector.load %arg1[%get3A_938, %get3A_939, %get3A_940] : memref<81x32x1024xf32, #tpu.memory_space<vmem>>, vector<1x32x1024xf32>
    %get3A_942 = vector.shape_cast %get3A_941 : vector<1x32x1024xf32> to vector<32x1024xf32>
    %sub3A_943 = arith.subf %get3A_942, %max3A_489 : vector<32x1024xf32>
    %exp3A_944 = math.exp %sub3A_943 : vector<32x1024xf32>
    %add3A_945 = arith.addf %add3A_930, %exp3A_944 : vector<32x1024xf32>
    %eq3A_946 = arith.constant 30 : i32
    %eq3A_947 = vector.broadcast %eq3A_946 : i32 to vector<32x1024xi32>
    %eq3A_948 = arith.cmpi eq, %get3A_1, %eq3A_947 : vector<32x1024xi32>
    %jit3A_949 = arith.constant 0.000000e+00 : f32
    %broadcast_in_dim3A_950 = vector.broadcast %jit3A_949 : f32 to vector<32x1024xf32>
    %select_n3A_951 = arith.select %eq3A_948, %get3A_942, %broadcast_in_dim3A_950 : vector<32x1024xi1>, vector<32x1024xf32>
    %add3A_952 = arith.addf %add3A_937, %select_n3A_951 : vector<32x1024xf32>
    %get3A_953 = arith.constant 31 : index
    %get3A_954 = arith.constant 0 : index
    %get3A_955 = arith.constant 0 : index
    %get3A_956 = vector.load %arg1[%get3A_953, %get3A_954, %get3A_955] : memref<81x32x1024xf32, #tpu.memory_space<vmem>>, vector<1x32x1024xf32>
    %get3A_957 = vector.shape_cast %get3A_956 : vector<1x32x1024xf32> to vector<32x1024xf32>
    %sub3A_958 = arith.subf %get3A_957, %max3A_489 : vector<32x1024xf32>
    %exp3A_959 = math.exp %sub3A_958 : vector<32x1024xf32>
    %add3A_960 = arith.addf %add3A_945, %exp3A_959 : vector<32x1024xf32>
    %eq3A_961 = arith.constant 31 : i32
    %eq3A_962 = vector.broadcast %eq3A_961 : i32 to vector<32x1024xi32>
    %eq3A_963 = arith.cmpi eq, %get3A_1, %eq3A_962 : vector<32x1024xi32>
    %jit3A_964 = arith.constant 0.000000e+00 : f32
    %broadcast_in_dim3A_965 = vector.broadcast %jit3A_964 : f32 to vector<32x1024xf32>
    %select_n3A_966 = arith.select %eq3A_963, %get3A_957, %broadcast_in_dim3A_965 : vector<32x1024xi1>, vector<32x1024xf32>
    %add3A_967 = arith.addf %add3A_952, %select_n3A_966 : vector<32x1024xf32>
    %get3A_968 = arith.constant 32 : index
    %get3A_969 = arith.constant 0 : index
    %get3A_970 = arith.constant 0 : index
    %get3A_971 = vector.load %arg1[%get3A_968, %get3A_969, %get3A_970] : memref<81x32x1024xf32, #tpu.memory_space<vmem>>, vector<1x32x1024xf32>
    %get3A_972 = vector.shape_cast %get3A_971 : vector<1x32x1024xf32> to vector<32x1024xf32>
    %sub3A_973 = arith.subf %get3A_972, %max3A_489 : vector<32x1024xf32>
    %exp3A_974 = math.exp %sub3A_973 : vector<32x1024xf32>
    %add3A_975 = arith.addf %add3A_960, %exp3A_974 : vector<32x1024xf32>
    %eq3A_976 = arith.constant 32 : i32
    %eq3A_977 = vector.broadcast %eq3A_976 : i32 to vector<32x1024xi32>
    %eq3A_978 = arith.cmpi eq, %get3A_1, %eq3A_977 : vector<32x1024xi32>
    %jit3A_979 = arith.constant 0.000000e+00 : f32
    %broadcast_in_dim3A_980 = vector.broadcast %jit3A_979 : f32 to vector<32x1024xf32>
    %select_n3A_981 = arith.select %eq3A_978, %get3A_972, %broadcast_in_dim3A_980 : vector<32x1024xi1>, vector<32x1024xf32>
    %add3A_982 = arith.addf %add3A_967, %select_n3A_981 : vector<32x1024xf32>
    %get3A_983 = arith.constant 33 : index
    %get3A_984 = arith.constant 0 : index
    %get3A_985 = arith.constant 0 : index
    %get3A_986 = vector.load %arg1[%get3A_983, %get3A_984, %get3A_985] : memref<81x32x1024xf32, #tpu.memory_space<vmem>>, vector<1x32x1024xf32>
    %get3A_987 = vector.shape_cast %get3A_986 : vector<1x32x1024xf32> to vector<32x1024xf32>
    %sub3A_988 = arith.subf %get3A_987, %max3A_489 : vector<32x1024xf32>
    %exp3A_989 = math.exp %sub3A_988 : vector<32x1024xf32>
    %add3A_990 = arith.addf %add3A_975, %exp3A_989 : vector<32x1024xf32>
    %eq3A_991 = arith.constant 33 : i32
    %eq3A_992 = vector.broadcast %eq3A_991 : i32 to vector<32x1024xi32>
    %eq3A_993 = arith.cmpi eq, %get3A_1, %eq3A_992 : vector<32x1024xi32>
    %jit3A_994 = arith.constant 0.000000e+00 : f32
    %broadcast_in_dim3A_995 = vector.broadcast %jit3A_994 : f32 to vector<32x1024xf32>
    %select_n3A_996 = arith.select %eq3A_993, %get3A_987, %broadcast_in_dim3A_995 : vector<32x1024xi1>, vector<32x1024xf32>
    %add3A_997 = arith.addf %add3A_982, %select_n3A_996 : vector<32x1024xf32>
    %get3A_998 = arith.constant 34 : index
    %get3A_999 = arith.constant 0 : index
    %get3A_1000 = arith.constant 0 : index
    %get3A_1001 = vector.load %arg1[%get3A_998, %get3A_999, %get3A_1000] : memref<81x32x1024xf32, #tpu.memory_space<vmem>>, vector<1x32x1024xf32>
    %get3A_1002 = vector.shape_cast %get3A_1001 : vector<1x32x1024xf32> to vector<32x1024xf32>
    %sub3A_1003 = arith.subf %get3A_1002, %max3A_489 : vector<32x1024xf32>
    %exp3A_1004 = math.exp %sub3A_1003 : vector<32x1024xf32>
    %add3A_1005 = arith.addf %add3A_990, %exp3A_1004 : vector<32x1024xf32>
    %eq3A_1006 = arith.constant 34 : i32
    %eq3A_1007 = vector.broadcast %eq3A_1006 : i32 to vector<32x1024xi32>
    %eq3A_1008 = arith.cmpi eq, %get3A_1, %eq3A_1007 : vector<32x1024xi32>
    %jit3A_1009 = arith.constant 0.000000e+00 : f32
    %broadcast_in_dim3A_1010 = vector.broadcast %jit3A_1009 : f32 to vector<32x1024xf32>
    %select_n3A_1011 = arith.select %eq3A_1008, %get3A_1002, %broadcast_in_dim3A_1010 : vector<32x1024xi1>, vector<32x1024xf32>
    %add3A_1012 = arith.addf %add3A_997, %select_n3A_1011 : vector<32x1024xf32>
    %get3A_1013 = arith.constant 35 : index
    %get3A_1014 = arith.constant 0 : index
    %get3A_1015 = arith.constant 0 : index
    %get3A_1016 = vector.load %arg1[%get3A_1013, %get3A_1014, %get3A_1015] : memref<81x32x1024xf32, #tpu.memory_space<vmem>>, vector<1x32x1024xf32>
    %get3A_1017 = vector.shape_cast %get3A_1016 : vector<1x32x1024xf32> to vector<32x1024xf32>
    %sub3A_1018 = arith.subf %get3A_1017, %max3A_489 : vector<32x1024xf32>
    %exp3A_1019 = math.exp %sub3A_1018 : vector<32x1024xf32>
    %add3A_1020 = arith.addf %add3A_1005, %exp3A_1019 : vector<32x1024xf32>
    %eq3A_1021 = arith.constant 35 : i32
    %eq3A_1022 = vector.broadcast %eq3A_1021 : i32 to vector<32x1024xi32>
    %eq3A_1023 = arith.cmpi eq, %get3A_1, %eq3A_1022 : vector<32x1024xi32>
    %jit3A_1024 = arith.constant 0.000000e+00 : f32
    %broadcast_in_dim3A_1025 = vector.broadcast %jit3A_1024 : f32 to vector<32x1024xf32>
    %select_n3A_1026 = arith.select %eq3A_1023, %get3A_1017, %broadcast_in_dim3A_1025 : vector<32x1024xi1>, vector<32x1024xf32>
    %add3A_1027 = arith.addf %add3A_1012, %select_n3A_1026 : vector<32x1024xf32>
    %get3A_1028 = arith.constant 36 : index
    %get3A_1029 = arith.constant 0 : index
    %get3A_1030 = arith.constant 0 : index
    %get3A_1031 = vector.load %arg1[%get3A_1028, %get3A_1029, %get3A_1030] : memref<81x32x1024xf32, #tpu.memory_space<vmem>>, vector<1x32x1024xf32>
    %get3A_1032 = vector.shape_cast %get3A_1031 : vector<1x32x1024xf32> to vector<32x1024xf32>
    %sub3A_1033 = arith.subf %get3A_1032, %max3A_489 : vector<32x1024xf32>
    %exp3A_1034 = math.exp %sub3A_1033 : vector<32x1024xf32>
    %add3A_1035 = arith.addf %add3A_1020, %exp3A_1034 : vector<32x1024xf32>
    %eq3A_1036 = arith.constant 36 : i32
    %eq3A_1037 = vector.broadcast %eq3A_1036 : i32 to vector<32x1024xi32>
    %eq3A_1038 = arith.cmpi eq, %get3A_1, %eq3A_1037 : vector<32x1024xi32>
    %jit3A_1039 = arith.constant 0.000000e+00 : f32
    %broadcast_in_dim3A_1040 = vector.broadcast %jit3A_1039 : f32 to vector<32x1024xf32>
    %select_n3A_1041 = arith.select %eq3A_1038, %get3A_1032, %broadcast_in_dim3A_1040 : vector<32x1024xi1>, vector<32x1024xf32>
    %add3A_1042 = arith.addf %add3A_1027, %select_n3A_1041 : vector<32x1024xf32>
    %get3A_1043 = arith.constant 37 : index
    %get3A_1044 = arith.constant 0 : index
    %get3A_1045 = arith.constant 0 : index
    %get3A_1046 = vector.load %arg1[%get3A_1043, %get3A_1044, %get3A_1045] : memref<81x32x1024xf32, #tpu.memory_space<vmem>>, vector<1x32x1024xf32>
    %get3A_1047 = vector.shape_cast %get3A_1046 : vector<1x32x1024xf32> to vector<32x1024xf32>
    %sub3A_1048 = arith.subf %get3A_1047, %max3A_489 : vector<32x1024xf32>
    %exp3A_1049 = math.exp %sub3A_1048 : vector<32x1024xf32>
    %add3A_1050 = arith.addf %add3A_1035, %exp3A_1049 : vector<32x1024xf32>
    %eq3A_1051 = arith.constant 37 : i32
    %eq3A_1052 = vector.broadcast %eq3A_1051 : i32 to vector<32x1024xi32>
    %eq3A_1053 = arith.cmpi eq, %get3A_1, %eq3A_1052 : vector<32x1024xi32>
    %jit3A_1054 = arith.constant 0.000000e+00 : f32
    %broadcast_in_dim3A_1055 = vector.broadcast %jit3A_1054 : f32 to vector<32x1024xf32>
    %select_n3A_1056 = arith.select %eq3A_1053, %get3A_1047, %broadcast_in_dim3A_1055 : vector<32x1024xi1>, vector<32x1024xf32>
    %add3A_1057 = arith.addf %add3A_1042, %select_n3A_1056 : vector<32x1024xf32>
    %get3A_1058 = arith.constant 38 : index
    %get3A_1059 = arith.constant 0 : index
    %get3A_1060 = arith.constant 0 : index
    %get3A_1061 = vector.load %arg1[%get3A_1058, %get3A_1059, %get3A_1060] : memref<81x32x1024xf32, #tpu.memory_space<vmem>>, vector<1x32x1024xf32>
    %get3A_1062 = vector.shape_cast %get3A_1061 : vector<1x32x1024xf32> to vector<32x1024xf32>
    %sub3A_1063 = arith.subf %get3A_1062, %max3A_489 : vector<32x1024xf32>
    %exp3A_1064 = math.exp %sub3A_1063 : vector<32x1024xf32>
    %add3A_1065 = arith.addf %add3A_1050, %exp3A_1064 : vector<32x1024xf32>
    %eq3A_1066 = arith.constant 38 : i32
    %eq3A_1067 = vector.broadcast %eq3A_1066 : i32 to vector<32x1024xi32>
    %eq3A_1068 = arith.cmpi eq, %get3A_1, %eq3A_1067 : vector<32x1024xi32>
    %jit3A_1069 = arith.constant 0.000000e+00 : f32
    %broadcast_in_dim3A_1070 = vector.broadcast %jit3A_1069 : f32 to vector<32x1024xf32>
    %select_n3A_1071 = arith.select %eq3A_1068, %get3A_1062, %broadcast_in_dim3A_1070 : vector<32x1024xi1>, vector<32x1024xf32>
    %add3A_1072 = arith.addf %add3A_1057, %select_n3A_1071 : vector<32x1024xf32>
    %get3A_1073 = arith.constant 39 : index
    %get3A_1074 = arith.constant 0 : index
    %get3A_1075 = arith.constant 0 : index
    %get3A_1076 = vector.load %arg1[%get3A_1073, %get3A_1074, %get3A_1075] : memref<81x32x1024xf32, #tpu.memory_space<vmem>>, vector<1x32x1024xf32>
    %get3A_1077 = vector.shape_cast %get3A_1076 : vector<1x32x1024xf32> to vector<32x1024xf32>
    %sub3A_1078 = arith.subf %get3A_1077, %max3A_489 : vector<32x1024xf32>
    %exp3A_1079 = math.exp %sub3A_1078 : vector<32x1024xf32>
    %add3A_1080 = arith.addf %add3A_1065, %exp3A_1079 : vector<32x1024xf32>
    %eq3A_1081 = arith.constant 39 : i32
    %eq3A_1082 = vector.broadcast %eq3A_1081 : i32 to vector<32x1024xi32>
    %eq3A_1083 = arith.cmpi eq, %get3A_1, %eq3A_1082 : vector<32x1024xi32>
    %jit3A_1084 = arith.constant 0.000000e+00 : f32
    %broadcast_in_dim3A_1085 = vector.broadcast %jit3A_1084 : f32 to vector<32x1024xf32>
    %select_n3A_1086 = arith.select %eq3A_1083, %get3A_1077, %broadcast_in_dim3A_1085 : vector<32x1024xi1>, vector<32x1024xf32>
    %add3A_1087 = arith.addf %add3A_1072, %select_n3A_1086 : vector<32x1024xf32>
    %get3A_1088 = arith.constant 40 : index
    %get3A_1089 = arith.constant 0 : index
    %get3A_1090 = arith.constant 0 : index
    %get3A_1091 = vector.load %arg1[%get3A_1088, %get3A_1089, %get3A_1090] : memref<81x32x1024xf32, #tpu.memory_space<vmem>>, vector<1x32x1024xf32>
    %get3A_1092 = vector.shape_cast %get3A_1091 : vector<1x32x1024xf32> to vector<32x1024xf32>
    %sub3A_1093 = arith.subf %get3A_1092, %max3A_489 : vector<32x1024xf32>
    %exp3A_1094 = math.exp %sub3A_1093 : vector<32x1024xf32>
    %add3A_1095 = arith.addf %add3A_1080, %exp3A_1094 : vector<32x1024xf32>
    %eq3A_1096 = arith.constant 40 : i32
    %eq3A_1097 = vector.broadcast %eq3A_1096 : i32 to vector<32x1024xi32>
    %eq3A_1098 = arith.cmpi eq, %get3A_1, %eq3A_1097 : vector<32x1024xi32>
    %jit3A_1099 = arith.constant 0.000000e+00 : f32
    %broadcast_in_dim3A_1100 = vector.broadcast %jit3A_1099 : f32 to vector<32x1024xf32>
    %select_n3A_1101 = arith.select %eq3A_1098, %get3A_1092, %broadcast_in_dim3A_1100 : vector<32x1024xi1>, vector<32x1024xf32>
    %add3A_1102 = arith.addf %add3A_1087, %select_n3A_1101 : vector<32x1024xf32>
    %get3A_1103 = arith.constant 41 : index
    %get3A_1104 = arith.constant 0 : index
    %get3A_1105 = arith.constant 0 : index
    %get3A_1106 = vector.load %arg1[%get3A_1103, %get3A_1104, %get3A_1105] : memref<81x32x1024xf32, #tpu.memory_space<vmem>>, vector<1x32x1024xf32>
    %get3A_1107 = vector.shape_cast %get3A_1106 : vector<1x32x1024xf32> to vector<32x1024xf32>
    %sub3A_1108 = arith.subf %get3A_1107, %max3A_489 : vector<32x1024xf32>
    %exp3A_1109 = math.exp %sub3A_1108 : vector<32x1024xf32>
    %add3A_1110 = arith.addf %add3A_1095, %exp3A_1109 : vector<32x1024xf32>
    %eq3A_1111 = arith.constant 41 : i32
    %eq3A_1112 = vector.broadcast %eq3A_1111 : i32 to vector<32x1024xi32>
    %eq3A_1113 = arith.cmpi eq, %get3A_1, %eq3A_1112 : vector<32x1024xi32>
    %jit3A_1114 = arith.constant 0.000000e+00 : f32
    %broadcast_in_dim3A_1115 = vector.broadcast %jit3A_1114 : f32 to vector<32x1024xf32>
    %select_n3A_1116 = arith.select %eq3A_1113, %get3A_1107, %broadcast_in_dim3A_1115 : vector<32x1024xi1>, vector<32x1024xf32>
    %add3A_1117 = arith.addf %add3A_1102, %select_n3A_1116 : vector<32x1024xf32>
    %get3A_1118 = arith.constant 42 : index
    %get3A_1119 = arith.constant 0 : index
    %get3A_1120 = arith.constant 0 : index
    %get3A_1121 = vector.load %arg1[%get3A_1118, %get3A_1119, %get3A_1120] : memref<81x32x1024xf32, #tpu.memory_space<vmem>>, vector<1x32x1024xf32>
    %get3A_1122 = vector.shape_cast %get3A_1121 : vector<1x32x1024xf32> to vector<32x1024xf32>
    %sub3A_1123 = arith.subf %get3A_1122, %max3A_489 : vector<32x1024xf32>
    %exp3A_1124 = math.exp %sub3A_1123 : vector<32x1024xf32>
    %add3A_1125 = arith.addf %add3A_1110, %exp3A_1124 : vector<32x1024xf32>
    %eq3A_1126 = arith.constant 42 : i32
    %eq3A_1127 = vector.broadcast %eq3A_1126 : i32 to vector<32x1024xi32>
    %eq3A_1128 = arith.cmpi eq, %get3A_1, %eq3A_1127 : vector<32x1024xi32>
    %jit3A_1129 = arith.constant 0.000000e+00 : f32
    %broadcast_in_dim3A_1130 = vector.broadcast %jit3A_1129 : f32 to vector<32x1024xf32>
    %select_n3A_1131 = arith.select %eq3A_1128, %get3A_1122, %broadcast_in_dim3A_1130 : vector<32x1024xi1>, vector<32x1024xf32>
    %add3A_1132 = arith.addf %add3A_1117, %select_n3A_1131 : vector<32x1024xf32>
    %get3A_1133 = arith.constant 43 : index
    %get3A_1134 = arith.constant 0 : index
    %get3A_1135 = arith.constant 0 : index
    %get3A_1136 = vector.load %arg1[%get3A_1133, %get3A_1134, %get3A_1135] : memref<81x32x1024xf32, #tpu.memory_space<vmem>>, vector<1x32x1024xf32>
    %get3A_1137 = vector.shape_cast %get3A_1136 : vector<1x32x1024xf32> to vector<32x1024xf32>
    %sub3A_1138 = arith.subf %get3A_1137, %max3A_489 : vector<32x1024xf32>
    %exp3A_1139 = math.exp %sub3A_1138 : vector<32x1024xf32>
    %add3A_1140 = arith.addf %add3A_1125, %exp3A_1139 : vector<32x1024xf32>
    %eq3A_1141 = arith.constant 43 : i32
    %eq3A_1142 = vector.broadcast %eq3A_1141 : i32 to vector<32x1024xi32>
    %eq3A_1143 = arith.cmpi eq, %get3A_1, %eq3A_1142 : vector<32x1024xi32>
    %jit3A_1144 = arith.constant 0.000000e+00 : f32
    %broadcast_in_dim3A_1145 = vector.broadcast %jit3A_1144 : f32 to vector<32x1024xf32>
    %select_n3A_1146 = arith.select %eq3A_1143, %get3A_1137, %broadcast_in_dim3A_1145 : vector<32x1024xi1>, vector<32x1024xf32>
    %add3A_1147 = arith.addf %add3A_1132, %select_n3A_1146 : vector<32x1024xf32>
    %get3A_1148 = arith.constant 44 : index
    %get3A_1149 = arith.constant 0 : index
    %get3A_1150 = arith.constant 0 : index
    %get3A_1151 = vector.load %arg1[%get3A_1148, %get3A_1149, %get3A_1150] : memref<81x32x1024xf32, #tpu.memory_space<vmem>>, vector<1x32x1024xf32>
    %get3A_1152 = vector.shape_cast %get3A_1151 : vector<1x32x1024xf32> to vector<32x1024xf32>
    %sub3A_1153 = arith.subf %get3A_1152, %max3A_489 : vector<32x1024xf32>
    %exp3A_1154 = math.exp %sub3A_1153 : vector<32x1024xf32>
    %add3A_1155 = arith.addf %add3A_1140, %exp3A_1154 : vector<32x1024xf32>
    %eq3A_1156 = arith.constant 44 : i32
    %eq3A_1157 = vector.broadcast %eq3A_1156 : i32 to vector<32x1024xi32>
    %eq3A_1158 = arith.cmpi eq, %get3A_1, %eq3A_1157 : vector<32x1024xi32>
    %jit3A_1159 = arith.constant 0.000000e+00 : f32
    %broadcast_in_dim3A_1160 = vector.broadcast %jit3A_1159 : f32 to vector<32x1024xf32>
    %select_n3A_1161 = arith.select %eq3A_1158, %get3A_1152, %broadcast_in_dim3A_1160 : vector<32x1024xi1>, vector<32x1024xf32>
    %add3A_1162 = arith.addf %add3A_1147, %select_n3A_1161 : vector<32x1024xf32>
    %get3A_1163 = arith.constant 45 : index
    %get3A_1164 = arith.constant 0 : index
    %get3A_1165 = arith.constant 0 : index
    %get3A_1166 = vector.load %arg1[%get3A_1163, %get3A_1164, %get3A_1165] : memref<81x32x1024xf32, #tpu.memory_space<vmem>>, vector<1x32x1024xf32>
    %get3A_1167 = vector.shape_cast %get3A_1166 : vector<1x32x1024xf32> to vector<32x1024xf32>
    %sub3A_1168 = arith.subf %get3A_1167, %max3A_489 : vector<32x1024xf32>
    %exp3A_1169 = math.exp %sub3A_1168 : vector<32x1024xf32>
    %add3A_1170 = arith.addf %add3A_1155, %exp3A_1169 : vector<32x1024xf32>
    %eq3A_1171 = arith.constant 45 : i32
    %eq3A_1172 = vector.broadcast %eq3A_1171 : i32 to vector<32x1024xi32>
    %eq3A_1173 = arith.cmpi eq, %get3A_1, %eq3A_1172 : vector<32x1024xi32>
    %jit3A_1174 = arith.constant 0.000000e+00 : f32
    %broadcast_in_dim3A_1175 = vector.broadcast %jit3A_1174 : f32 to vector<32x1024xf32>
    %select_n3A_1176 = arith.select %eq3A_1173, %get3A_1167, %broadcast_in_dim3A_1175 : vector<32x1024xi1>, vector<32x1024xf32>
    %add3A_1177 = arith.addf %add3A_1162, %select_n3A_1176 : vector<32x1024xf32>
    %get3A_1178 = arith.constant 46 : index
    %get3A_1179 = arith.constant 0 : index
    %get3A_1180 = arith.constant 0 : index
    %get3A_1181 = vector.load %arg1[%get3A_1178, %get3A_1179, %get3A_1180] : memref<81x32x1024xf32, #tpu.memory_space<vmem>>, vector<1x32x1024xf32>
    %get3A_1182 = vector.shape_cast %get3A_1181 : vector<1x32x1024xf32> to vector<32x1024xf32>
    %sub3A_1183 = arith.subf %get3A_1182, %max3A_489 : vector<32x1024xf32>
    %exp3A_1184 = math.exp %sub3A_1183 : vector<32x1024xf32>
    %add3A_1185 = arith.addf %add3A_1170, %exp3A_1184 : vector<32x1024xf32>
    %eq3A_1186 = arith.constant 46 : i32
    %eq3A_1187 = vector.broadcast %eq3A_1186 : i32 to vector<32x1024xi32>
    %eq3A_1188 = arith.cmpi eq, %get3A_1, %eq3A_1187 : vector<32x1024xi32>
    %jit3A_1189 = arith.constant 0.000000e+00 : f32
    %broadcast_in_dim3A_1190 = vector.broadcast %jit3A_1189 : f32 to vector<32x1024xf32>
    %select_n3A_1191 = arith.select %eq3A_1188, %get3A_1182, %broadcast_in_dim3A_1190 : vector<32x1024xi1>, vector<32x1024xf32>
    %add3A_1192 = arith.addf %add3A_1177, %select_n3A_1191 : vector<32x1024xf32>
    %get3A_1193 = arith.constant 47 : index
    %get3A_1194 = arith.constant 0 : index
    %get3A_1195 = arith.constant 0 : index
    %get3A_1196 = vector.load %arg1[%get3A_1193, %get3A_1194, %get3A_1195] : memref<81x32x1024xf32, #tpu.memory_space<vmem>>, vector<1x32x1024xf32>
    %get3A_1197 = vector.shape_cast %get3A_1196 : vector<1x32x1024xf32> to vector<32x1024xf32>
    %sub3A_1198 = arith.subf %get3A_1197, %max3A_489 : vector<32x1024xf32>
    %exp3A_1199 = math.exp %sub3A_1198 : vector<32x1024xf32>
    %add3A_1200 = arith.addf %add3A_1185, %exp3A_1199 : vector<32x1024xf32>
    %eq3A_1201 = arith.constant 47 : i32
    %eq3A_1202 = vector.broadcast %eq3A_1201 : i32 to vector<32x1024xi32>
    %eq3A_1203 = arith.cmpi eq, %get3A_1, %eq3A_1202 : vector<32x1024xi32>
    %jit3A_1204 = arith.constant 0.000000e+00 : f32
    %broadcast_in_dim3A_1205 = vector.broadcast %jit3A_1204 : f32 to vector<32x1024xf32>
    %select_n3A_1206 = arith.select %eq3A_1203, %get3A_1197, %broadcast_in_dim3A_1205 : vector<32x1024xi1>, vector<32x1024xf32>
    %add3A_1207 = arith.addf %add3A_1192, %select_n3A_1206 : vector<32x1024xf32>
    %get3A_1208 = arith.constant 48 : index
    %get3A_1209 = arith.constant 0 : index
    %get3A_1210 = arith.constant 0 : index
    %get3A_1211 = vector.load %arg1[%get3A_1208, %get3A_1209, %get3A_1210] : memref<81x32x1024xf32, #tpu.memory_space<vmem>>, vector<1x32x1024xf32>
    %get3A_1212 = vector.shape_cast %get3A_1211 : vector<1x32x1024xf32> to vector<32x1024xf32>
    %sub3A_1213 = arith.subf %get3A_1212, %max3A_489 : vector<32x1024xf32>
    %exp3A_1214 = math.exp %sub3A_1213 : vector<32x1024xf32>
    %add3A_1215 = arith.addf %add3A_1200, %exp3A_1214 : vector<32x1024xf32>
    %eq3A_1216 = arith.constant 48 : i32
    %eq3A_1217 = vector.broadcast %eq3A_1216 : i32 to vector<32x1024xi32>
    %eq3A_1218 = arith.cmpi eq, %get3A_1, %eq3A_1217 : vector<32x1024xi32>
    %jit3A_1219 = arith.constant 0.000000e+00 : f32
    %broadcast_in_dim3A_1220 = vector.broadcast %jit3A_1219 : f32 to vector<32x1024xf32>
    %select_n3A_1221 = arith.select %eq3A_1218, %get3A_1212, %broadcast_in_dim3A_1220 : vector<32x1024xi1>, vector<32x1024xf32>
    %add3A_1222 = arith.addf %add3A_1207, %select_n3A_1221 : vector<32x1024xf32>
    %get3A_1223 = arith.constant 49 : index
    %get3A_1224 = arith.constant 0 : index
    %get3A_1225 = arith.constant 0 : index
    %get3A_1226 = vector.load %arg1[%get3A_1223, %get3A_1224, %get3A_1225] : memref<81x32x1024xf32, #tpu.memory_space<vmem>>, vector<1x32x1024xf32>
    %get3A_1227 = vector.shape_cast %get3A_1226 : vector<1x32x1024xf32> to vector<32x1024xf32>
    %sub3A_1228 = arith.subf %get3A_1227, %max3A_489 : vector<32x1024xf32>
    %exp3A_1229 = math.exp %sub3A_1228 : vector<32x1024xf32>
    %add3A_1230 = arith.addf %add3A_1215, %exp3A_1229 : vector<32x1024xf32>
    %eq3A_1231 = arith.constant 49 : i32
    %eq3A_1232 = vector.broadcast %eq3A_1231 : i32 to vector<32x1024xi32>
    %eq3A_1233 = arith.cmpi eq, %get3A_1, %eq3A_1232 : vector<32x1024xi32>
    %jit3A_1234 = arith.constant 0.000000e+00 : f32
    %broadcast_in_dim3A_1235 = vector.broadcast %jit3A_1234 : f32 to vector<32x1024xf32>
    %select_n3A_1236 = arith.select %eq3A_1233, %get3A_1227, %broadcast_in_dim3A_1235 : vector<32x1024xi1>, vector<32x1024xf32>
    %add3A_1237 = arith.addf %add3A_1222, %select_n3A_1236 : vector<32x1024xf32>
    %get3A_1238 = arith.constant 50 : index
    %get3A_1239 = arith.constant 0 : index
    %get3A_1240 = arith.constant 0 : index
    %get3A_1241 = vector.load %arg1[%get3A_1238, %get3A_1239, %get3A_1240] : memref<81x32x1024xf32, #tpu.memory_space<vmem>>, vector<1x32x1024xf32>
    %get3A_1242 = vector.shape_cast %get3A_1241 : vector<1x32x1024xf32> to vector<32x1024xf32>
    %sub3A_1243 = arith.subf %get3A_1242, %max3A_489 : vector<32x1024xf32>
    %exp3A_1244 = math.exp %sub3A_1243 : vector<32x1024xf32>
    %add3A_1245 = arith.addf %add3A_1230, %exp3A_1244 : vector<32x1024xf32>
    %eq3A_1246 = arith.constant 50 : i32
    %eq3A_1247 = vector.broadcast %eq3A_1246 : i32 to vector<32x1024xi32>
    %eq3A_1248 = arith.cmpi eq, %get3A_1, %eq3A_1247 : vector<32x1024xi32>
    %jit3A_1249 = arith.constant 0.000000e+00 : f32
    %broadcast_in_dim3A_1250 = vector.broadcast %jit3A_1249 : f32 to vector<32x1024xf32>
    %select_n3A_1251 = arith.select %eq3A_1248, %get3A_1242, %broadcast_in_dim3A_1250 : vector<32x1024xi1>, vector<32x1024xf32>
    %add3A_1252 = arith.addf %add3A_1237, %select_n3A_1251 : vector<32x1024xf32>
    %get3A_1253 = arith.constant 51 : index
    %get3A_1254 = arith.constant 0 : index
    %get3A_1255 = arith.constant 0 : index
    %get3A_1256 = vector.load %arg1[%get3A_1253, %get3A_1254, %get3A_1255] : memref<81x32x1024xf32, #tpu.memory_space<vmem>>, vector<1x32x1024xf32>
    %get3A_1257 = vector.shape_cast %get3A_1256 : vector<1x32x1024xf32> to vector<32x1024xf32>
    %sub3A_1258 = arith.subf %get3A_1257, %max3A_489 : vector<32x1024xf32>
    %exp3A_1259 = math.exp %sub3A_1258 : vector<32x1024xf32>
    %add3A_1260 = arith.addf %add3A_1245, %exp3A_1259 : vector<32x1024xf32>
    %eq3A_1261 = arith.constant 51 : i32
    %eq3A_1262 = vector.broadcast %eq3A_1261 : i32 to vector<32x1024xi32>
    %eq3A_1263 = arith.cmpi eq, %get3A_1, %eq3A_1262 : vector<32x1024xi32>
    %jit3A_1264 = arith.constant 0.000000e+00 : f32
    %broadcast_in_dim3A_1265 = vector.broadcast %jit3A_1264 : f32 to vector<32x1024xf32>
    %select_n3A_1266 = arith.select %eq3A_1263, %get3A_1257, %broadcast_in_dim3A_1265 : vector<32x1024xi1>, vector<32x1024xf32>
    %add3A_1267 = arith.addf %add3A_1252, %select_n3A_1266 : vector<32x1024xf32>
    %get3A_1268 = arith.constant 52 : index
    %get3A_1269 = arith.constant 0 : index
    %get3A_1270 = arith.constant 0 : index
    %get3A_1271 = vector.load %arg1[%get3A_1268, %get3A_1269, %get3A_1270] : memref<81x32x1024xf32, #tpu.memory_space<vmem>>, vector<1x32x1024xf32>
    %get3A_1272 = vector.shape_cast %get3A_1271 : vector<1x32x1024xf32> to vector<32x1024xf32>
    %sub3A_1273 = arith.subf %get3A_1272, %max3A_489 : vector<32x1024xf32>
    %exp3A_1274 = math.exp %sub3A_1273 : vector<32x1024xf32>
    %add3A_1275 = arith.addf %add3A_1260, %exp3A_1274 : vector<32x1024xf32>
    %eq3A_1276 = arith.constant 52 : i32
    %eq3A_1277 = vector.broadcast %eq3A_1276 : i32 to vector<32x1024xi32>
    %eq3A_1278 = arith.cmpi eq, %get3A_1, %eq3A_1277 : vector<32x1024xi32>
    %jit3A_1279 = arith.constant 0.000000e+00 : f32
    %broadcast_in_dim3A_1280 = vector.broadcast %jit3A_1279 : f32 to vector<32x1024xf32>
    %select_n3A_1281 = arith.select %eq3A_1278, %get3A_1272, %broadcast_in_dim3A_1280 : vector<32x1024xi1>, vector<32x1024xf32>
    %add3A_1282 = arith.addf %add3A_1267, %select_n3A_1281 : vector<32x1024xf32>
    %get3A_1283 = arith.constant 53 : index
    %get3A_1284 = arith.constant 0 : index
    %get3A_1285 = arith.constant 0 : index
    %get3A_1286 = vector.load %arg1[%get3A_1283, %get3A_1284, %get3A_1285] : memref<81x32x1024xf32, #tpu.memory_space<vmem>>, vector<1x32x1024xf32>
    %get3A_1287 = vector.shape_cast %get3A_1286 : vector<1x32x1024xf32> to vector<32x1024xf32>
    %sub3A_1288 = arith.subf %get3A_1287, %max3A_489 : vector<32x1024xf32>
    %exp3A_1289 = math.exp %sub3A_1288 : vector<32x1024xf32>
    %add3A_1290 = arith.addf %add3A_1275, %exp3A_1289 : vector<32x1024xf32>
    %eq3A_1291 = arith.constant 53 : i32
    %eq3A_1292 = vector.broadcast %eq3A_1291 : i32 to vector<32x1024xi32>
    %eq3A_1293 = arith.cmpi eq, %get3A_1, %eq3A_1292 : vector<32x1024xi32>
    %jit3A_1294 = arith.constant 0.000000e+00 : f32
    %broadcast_in_dim3A_1295 = vector.broadcast %jit3A_1294 : f32 to vector<32x1024xf32>
    %select_n3A_1296 = arith.select %eq3A_1293, %get3A_1287, %broadcast_in_dim3A_1295 : vector<32x1024xi1>, vector<32x1024xf32>
    %add3A_1297 = arith.addf %add3A_1282, %select_n3A_1296 : vector<32x1024xf32>
    %get3A_1298 = arith.constant 54 : index
    %get3A_1299 = arith.constant 0 : index
    %get3A_1300 = arith.constant 0 : index
    %get3A_1301 = vector.load %arg1[%get3A_1298, %get3A_1299, %get3A_1300] : memref<81x32x1024xf32, #tpu.memory_space<vmem>>, vector<1x32x1024xf32>
    %get3A_1302 = vector.shape_cast %get3A_1301 : vector<1x32x1024xf32> to vector<32x1024xf32>
    %sub3A_1303 = arith.subf %get3A_1302, %max3A_489 : vector<32x1024xf32>
    %exp3A_1304 = math.exp %sub3A_1303 : vector<32x1024xf32>
    %add3A_1305 = arith.addf %add3A_1290, %exp3A_1304 : vector<32x1024xf32>
    %eq3A_1306 = arith.constant 54 : i32
    %eq3A_1307 = vector.broadcast %eq3A_1306 : i32 to vector<32x1024xi32>
    %eq3A_1308 = arith.cmpi eq, %get3A_1, %eq3A_1307 : vector<32x1024xi32>
    %jit3A_1309 = arith.constant 0.000000e+00 : f32
    %broadcast_in_dim3A_1310 = vector.broadcast %jit3A_1309 : f32 to vector<32x1024xf32>
    %select_n3A_1311 = arith.select %eq3A_1308, %get3A_1302, %broadcast_in_dim3A_1310 : vector<32x1024xi1>, vector<32x1024xf32>
    %add3A_1312 = arith.addf %add3A_1297, %select_n3A_1311 : vector<32x1024xf32>
    %get3A_1313 = arith.constant 55 : index
    %get3A_1314 = arith.constant 0 : index
    %get3A_1315 = arith.constant 0 : index
    %get3A_1316 = vector.load %arg1[%get3A_1313, %get3A_1314, %get3A_1315] : memref<81x32x1024xf32, #tpu.memory_space<vmem>>, vector<1x32x1024xf32>
    %get3A_1317 = vector.shape_cast %get3A_1316 : vector<1x32x1024xf32> to vector<32x1024xf32>
    %sub3A_1318 = arith.subf %get3A_1317, %max3A_489 : vector<32x1024xf32>
    %exp3A_1319 = math.exp %sub3A_1318 : vector<32x1024xf32>
    %add3A_1320 = arith.addf %add3A_1305, %exp3A_1319 : vector<32x1024xf32>
    %eq3A_1321 = arith.constant 55 : i32
    %eq3A_1322 = vector.broadcast %eq3A_1321 : i32 to vector<32x1024xi32>
    %eq3A_1323 = arith.cmpi eq, %get3A_1, %eq3A_1322 : vector<32x1024xi32>
    %jit3A_1324 = arith.constant 0.000000e+00 : f32
    %broadcast_in_dim3A_1325 = vector.broadcast %jit3A_1324 : f32 to vector<32x1024xf32>
    %select_n3A_1326 = arith.select %eq3A_1323, %get3A_1317, %broadcast_in_dim3A_1325 : vector<32x1024xi1>, vector<32x1024xf32>
    %add3A_1327 = arith.addf %add3A_1312, %select_n3A_1326 : vector<32x1024xf32>
    %get3A_1328 = arith.constant 56 : index
    %get3A_1329 = arith.constant 0 : index
    %get3A_1330 = arith.constant 0 : index
    %get3A_1331 = vector.load %arg1[%get3A_1328, %get3A_1329, %get3A_1330] : memref<81x32x1024xf32, #tpu.memory_space<vmem>>, vector<1x32x1024xf32>
    %get3A_1332 = vector.shape_cast %get3A_1331 : vector<1x32x1024xf32> to vector<32x1024xf32>
    %sub3A_1333 = arith.subf %get3A_1332, %max3A_489 : vector<32x1024xf32>
    %exp3A_1334 = math.exp %sub3A_1333 : vector<32x1024xf32>
    %add3A_1335 = arith.addf %add3A_1320, %exp3A_1334 : vector<32x1024xf32>
    %eq3A_1336 = arith.constant 56 : i32
    %eq3A_1337 = vector.broadcast %eq3A_1336 : i32 to vector<32x1024xi32>
    %eq3A_1338 = arith.cmpi eq, %get3A_1, %eq3A_1337 : vector<32x1024xi32>
    %jit3A_1339 = arith.constant 0.000000e+00 : f32
    %broadcast_in_dim3A_1340 = vector.broadcast %jit3A_1339 : f32 to vector<32x1024xf32>
    %select_n3A_1341 = arith.select %eq3A_1338, %get3A_1332, %broadcast_in_dim3A_1340 : vector<32x1024xi1>, vector<32x1024xf32>
    %add3A_1342 = arith.addf %add3A_1327, %select_n3A_1341 : vector<32x1024xf32>
    %get3A_1343 = arith.constant 57 : index
    %get3A_1344 = arith.constant 0 : index
    %get3A_1345 = arith.constant 0 : index
    %get3A_1346 = vector.load %arg1[%get3A_1343, %get3A_1344, %get3A_1345] : memref<81x32x1024xf32, #tpu.memory_space<vmem>>, vector<1x32x1024xf32>
    %get3A_1347 = vector.shape_cast %get3A_1346 : vector<1x32x1024xf32> to vector<32x1024xf32>
    %sub3A_1348 = arith.subf %get3A_1347, %max3A_489 : vector<32x1024xf32>
    %exp3A_1349 = math.exp %sub3A_1348 : vector<32x1024xf32>
    %add3A_1350 = arith.addf %add3A_1335, %exp3A_1349 : vector<32x1024xf32>
    %eq3A_1351 = arith.constant 57 : i32
    %eq3A_1352 = vector.broadcast %eq3A_1351 : i32 to vector<32x1024xi32>
    %eq3A_1353 = arith.cmpi eq, %get3A_1, %eq3A_1352 : vector<32x1024xi32>
    %jit3A_1354 = arith.constant 0.000000e+00 : f32
    %broadcast_in_dim3A_1355 = vector.broadcast %jit3A_1354 : f32 to vector<32x1024xf32>
    %select_n3A_1356 = arith.select %eq3A_1353, %get3A_1347, %broadcast_in_dim3A_1355 : vector<32x1024xi1>, vector<32x1024xf32>
    %add3A_1357 = arith.addf %add3A_1342, %select_n3A_1356 : vector<32x1024xf32>
    %get3A_1358 = arith.constant 58 : index
    %get3A_1359 = arith.constant 0 : index
    %get3A_1360 = arith.constant 0 : index
    %get3A_1361 = vector.load %arg1[%get3A_1358, %get3A_1359, %get3A_1360] : memref<81x32x1024xf32, #tpu.memory_space<vmem>>, vector<1x32x1024xf32>
    %get3A_1362 = vector.shape_cast %get3A_1361 : vector<1x32x1024xf32> to vector<32x1024xf32>
    %sub3A_1363 = arith.subf %get3A_1362, %max3A_489 : vector<32x1024xf32>
    %exp3A_1364 = math.exp %sub3A_1363 : vector<32x1024xf32>
    %add3A_1365 = arith.addf %add3A_1350, %exp3A_1364 : vector<32x1024xf32>
    %eq3A_1366 = arith.constant 58 : i32
    %eq3A_1367 = vector.broadcast %eq3A_1366 : i32 to vector<32x1024xi32>
    %eq3A_1368 = arith.cmpi eq, %get3A_1, %eq3A_1367 : vector<32x1024xi32>
    %jit3A_1369 = arith.constant 0.000000e+00 : f32
    %broadcast_in_dim3A_1370 = vector.broadcast %jit3A_1369 : f32 to vector<32x1024xf32>
    %select_n3A_1371 = arith.select %eq3A_1368, %get3A_1362, %broadcast_in_dim3A_1370 : vector<32x1024xi1>, vector<32x1024xf32>
    %add3A_1372 = arith.addf %add3A_1357, %select_n3A_1371 : vector<32x1024xf32>
    %get3A_1373 = arith.constant 59 : index
    %get3A_1374 = arith.constant 0 : index
    %get3A_1375 = arith.constant 0 : index
    %get3A_1376 = vector.load %arg1[%get3A_1373, %get3A_1374, %get3A_1375] : memref<81x32x1024xf32, #tpu.memory_space<vmem>>, vector<1x32x1024xf32>
    %get3A_1377 = vector.shape_cast %get3A_1376 : vector<1x32x1024xf32> to vector<32x1024xf32>
    %sub3A_1378 = arith.subf %get3A_1377, %max3A_489 : vector<32x1024xf32>
    %exp3A_1379 = math.exp %sub3A_1378 : vector<32x1024xf32>
    %add3A_1380 = arith.addf %add3A_1365, %exp3A_1379 : vector<32x1024xf32>
    %eq3A_1381 = arith.constant 59 : i32
    %eq3A_1382 = vector.broadcast %eq3A_1381 : i32 to vector<32x1024xi32>
    %eq3A_1383 = arith.cmpi eq, %get3A_1, %eq3A_1382 : vector<32x1024xi32>
    %jit3A_1384 = arith.constant 0.000000e+00 : f32
    %broadcast_in_dim3A_1385 = vector.broadcast %jit3A_1384 : f32 to vector<32x1024xf32>
    %select_n3A_1386 = arith.select %eq3A_1383, %get3A_1377, %broadcast_in_dim3A_1385 : vector<32x1024xi1>, vector<32x1024xf32>
    %add3A_1387 = arith.addf %add3A_1372, %select_n3A_1386 : vector<32x1024xf32>
    %get3A_1388 = arith.constant 60 : index
    %get3A_1389 = arith.constant 0 : index
    %get3A_1390 = arith.constant 0 : index
    %get3A_1391 = vector.load %arg1[%get3A_1388, %get3A_1389, %get3A_1390] : memref<81x32x1024xf32, #tpu.memory_space<vmem>>, vector<1x32x1024xf32>
    %get3A_1392 = vector.shape_cast %get3A_1391 : vector<1x32x1024xf32> to vector<32x1024xf32>
    %sub3A_1393 = arith.subf %get3A_1392, %max3A_489 : vector<32x1024xf32>
    %exp3A_1394 = math.exp %sub3A_1393 : vector<32x1024xf32>
    %add3A_1395 = arith.addf %add3A_1380, %exp3A_1394 : vector<32x1024xf32>
    %eq3A_1396 = arith.constant 60 : i32
    %eq3A_1397 = vector.broadcast %eq3A_1396 : i32 to vector<32x1024xi32>
    %eq3A_1398 = arith.cmpi eq, %get3A_1, %eq3A_1397 : vector<32x1024xi32>
    %jit3A_1399 = arith.constant 0.000000e+00 : f32
    %broadcast_in_dim3A_1400 = vector.broadcast %jit3A_1399 : f32 to vector<32x1024xf32>
    %select_n3A_1401 = arith.select %eq3A_1398, %get3A_1392, %broadcast_in_dim3A_1400 : vector<32x1024xi1>, vector<32x1024xf32>
    %add3A_1402 = arith.addf %add3A_1387, %select_n3A_1401 : vector<32x1024xf32>
    %get3A_1403 = arith.constant 61 : index
    %get3A_1404 = arith.constant 0 : index
    %get3A_1405 = arith.constant 0 : index
    %get3A_1406 = vector.load %arg1[%get3A_1403, %get3A_1404, %get3A_1405] : memref<81x32x1024xf32, #tpu.memory_space<vmem>>, vector<1x32x1024xf32>
    %get3A_1407 = vector.shape_cast %get3A_1406 : vector<1x32x1024xf32> to vector<32x1024xf32>
    %sub3A_1408 = arith.subf %get3A_1407, %max3A_489 : vector<32x1024xf32>
    %exp3A_1409 = math.exp %sub3A_1408 : vector<32x1024xf32>
    %add3A_1410 = arith.addf %add3A_1395, %exp3A_1409 : vector<32x1024xf32>
    %eq3A_1411 = arith.constant 61 : i32
    %eq3A_1412 = vector.broadcast %eq3A_1411 : i32 to vector<32x1024xi32>
    %eq3A_1413 = arith.cmpi eq, %get3A_1, %eq3A_1412 : vector<32x1024xi32>
    %jit3A_1414 = arith.constant 0.000000e+00 : f32
    %broadcast_in_dim3A_1415 = vector.broadcast %jit3A_1414 : f32 to vector<32x1024xf32>
    %select_n3A_1416 = arith.select %eq3A_1413, %get3A_1407, %broadcast_in_dim3A_1415 : vector<32x1024xi1>, vector<32x1024xf32>
    %add3A_1417 = arith.addf %add3A_1402, %select_n3A_1416 : vector<32x1024xf32>
    %get3A_1418 = arith.constant 62 : index
    %get3A_1419 = arith.constant 0 : index
    %get3A_1420 = arith.constant 0 : index
    %get3A_1421 = vector.load %arg1[%get3A_1418, %get3A_1419, %get3A_1420] : memref<81x32x1024xf32, #tpu.memory_space<vmem>>, vector<1x32x1024xf32>
    %get3A_1422 = vector.shape_cast %get3A_1421 : vector<1x32x1024xf32> to vector<32x1024xf32>
    %sub3A_1423 = arith.subf %get3A_1422, %max3A_489 : vector<32x1024xf32>
    %exp3A_1424 = math.exp %sub3A_1423 : vector<32x1024xf32>
    %add3A_1425 = arith.addf %add3A_1410, %exp3A_1424 : vector<32x1024xf32>
    %eq3A_1426 = arith.constant 62 : i32
    %eq3A_1427 = vector.broadcast %eq3A_1426 : i32 to vector<32x1024xi32>
    %eq3A_1428 = arith.cmpi eq, %get3A_1, %eq3A_1427 : vector<32x1024xi32>
    %jit3A_1429 = arith.constant 0.000000e+00 : f32
    %broadcast_in_dim3A_1430 = vector.broadcast %jit3A_1429 : f32 to vector<32x1024xf32>
    %select_n3A_1431 = arith.select %eq3A_1428, %get3A_1422, %broadcast_in_dim3A_1430 : vector<32x1024xi1>, vector<32x1024xf32>
    %add3A_1432 = arith.addf %add3A_1417, %select_n3A_1431 : vector<32x1024xf32>
    %get3A_1433 = arith.constant 63 : index
    %get3A_1434 = arith.constant 0 : index
    %get3A_1435 = arith.constant 0 : index
    %get3A_1436 = vector.load %arg1[%get3A_1433, %get3A_1434, %get3A_1435] : memref<81x32x1024xf32, #tpu.memory_space<vmem>>, vector<1x32x1024xf32>
    %get3A_1437 = vector.shape_cast %get3A_1436 : vector<1x32x1024xf32> to vector<32x1024xf32>
    %sub3A_1438 = arith.subf %get3A_1437, %max3A_489 : vector<32x1024xf32>
    %exp3A_1439 = math.exp %sub3A_1438 : vector<32x1024xf32>
    %add3A_1440 = arith.addf %add3A_1425, %exp3A_1439 : vector<32x1024xf32>
    %eq3A_1441 = arith.constant 63 : i32
    %eq3A_1442 = vector.broadcast %eq3A_1441 : i32 to vector<32x1024xi32>
    %eq3A_1443 = arith.cmpi eq, %get3A_1, %eq3A_1442 : vector<32x1024xi32>
    %jit3A_1444 = arith.constant 0.000000e+00 : f32
    %broadcast_in_dim3A_1445 = vector.broadcast %jit3A_1444 : f32 to vector<32x1024xf32>
    %select_n3A_1446 = arith.select %eq3A_1443, %get3A_1437, %broadcast_in_dim3A_1445 : vector<32x1024xi1>, vector<32x1024xf32>
    %add3A_1447 = arith.addf %add3A_1432, %select_n3A_1446 : vector<32x1024xf32>
    %get3A_1448 = arith.constant 64 : index
    %get3A_1449 = arith.constant 0 : index
    %get3A_1450 = arith.constant 0 : index
    %get3A_1451 = vector.load %arg1[%get3A_1448, %get3A_1449, %get3A_1450] : memref<81x32x1024xf32, #tpu.memory_space<vmem>>, vector<1x32x1024xf32>
    %get3A_1452 = vector.shape_cast %get3A_1451 : vector<1x32x1024xf32> to vector<32x1024xf32>
    %sub3A_1453 = arith.subf %get3A_1452, %max3A_489 : vector<32x1024xf32>
    %exp3A_1454 = math.exp %sub3A_1453 : vector<32x1024xf32>
    %add3A_1455 = arith.addf %add3A_1440, %exp3A_1454 : vector<32x1024xf32>
    %eq3A_1456 = arith.constant 64 : i32
    %eq3A_1457 = vector.broadcast %eq3A_1456 : i32 to vector<32x1024xi32>
    %eq3A_1458 = arith.cmpi eq, %get3A_1, %eq3A_1457 : vector<32x1024xi32>
    %jit3A_1459 = arith.constant 0.000000e+00 : f32
    %broadcast_in_dim3A_1460 = vector.broadcast %jit3A_1459 : f32 to vector<32x1024xf32>
    %select_n3A_1461 = arith.select %eq3A_1458, %get3A_1452, %broadcast_in_dim3A_1460 : vector<32x1024xi1>, vector<32x1024xf32>
    %add3A_1462 = arith.addf %add3A_1447, %select_n3A_1461 : vector<32x1024xf32>
    %get3A_1463 = arith.constant 65 : index
    %get3A_1464 = arith.constant 0 : index
    %get3A_1465 = arith.constant 0 : index
    %get3A_1466 = vector.load %arg1[%get3A_1463, %get3A_1464, %get3A_1465] : memref<81x32x1024xf32, #tpu.memory_space<vmem>>, vector<1x32x1024xf32>
    %get3A_1467 = vector.shape_cast %get3A_1466 : vector<1x32x1024xf32> to vector<32x1024xf32>
    %sub3A_1468 = arith.subf %get3A_1467, %max3A_489 : vector<32x1024xf32>
    %exp3A_1469 = math.exp %sub3A_1468 : vector<32x1024xf32>
    %add3A_1470 = arith.addf %add3A_1455, %exp3A_1469 : vector<32x1024xf32>
    %eq3A_1471 = arith.constant 65 : i32
    %eq3A_1472 = vector.broadcast %eq3A_1471 : i32 to vector<32x1024xi32>
    %eq3A_1473 = arith.cmpi eq, %get3A_1, %eq3A_1472 : vector<32x1024xi32>
    %jit3A_1474 = arith.constant 0.000000e+00 : f32
    %broadcast_in_dim3A_1475 = vector.broadcast %jit3A_1474 : f32 to vector<32x1024xf32>
    %select_n3A_1476 = arith.select %eq3A_1473, %get3A_1467, %broadcast_in_dim3A_1475 : vector<32x1024xi1>, vector<32x1024xf32>
    %add3A_1477 = arith.addf %add3A_1462, %select_n3A_1476 : vector<32x1024xf32>
    %get3A_1478 = arith.constant 66 : index
    %get3A_1479 = arith.constant 0 : index
    %get3A_1480 = arith.constant 0 : index
    %get3A_1481 = vector.load %arg1[%get3A_1478, %get3A_1479, %get3A_1480] : memref<81x32x1024xf32, #tpu.memory_space<vmem>>, vector<1x32x1024xf32>
    %get3A_1482 = vector.shape_cast %get3A_1481 : vector<1x32x1024xf32> to vector<32x1024xf32>
    %sub3A_1483 = arith.subf %get3A_1482, %max3A_489 : vector<32x1024xf32>
    %exp3A_1484 = math.exp %sub3A_1483 : vector<32x1024xf32>
    %add3A_1485 = arith.addf %add3A_1470, %exp3A_1484 : vector<32x1024xf32>
    %eq3A_1486 = arith.constant 66 : i32
    %eq3A_1487 = vector.broadcast %eq3A_1486 : i32 to vector<32x1024xi32>
    %eq3A_1488 = arith.cmpi eq, %get3A_1, %eq3A_1487 : vector<32x1024xi32>
    %jit3A_1489 = arith.constant 0.000000e+00 : f32
    %broadcast_in_dim3A_1490 = vector.broadcast %jit3A_1489 : f32 to vector<32x1024xf32>
    %select_n3A_1491 = arith.select %eq3A_1488, %get3A_1482, %broadcast_in_dim3A_1490 : vector<32x1024xi1>, vector<32x1024xf32>
    %add3A_1492 = arith.addf %add3A_1477, %select_n3A_1491 : vector<32x1024xf32>
    %get3A_1493 = arith.constant 67 : index
    %get3A_1494 = arith.constant 0 : index
    %get3A_1495 = arith.constant 0 : index
    %get3A_1496 = vector.load %arg1[%get3A_1493, %get3A_1494, %get3A_1495] : memref<81x32x1024xf32, #tpu.memory_space<vmem>>, vector<1x32x1024xf32>
    %get3A_1497 = vector.shape_cast %get3A_1496 : vector<1x32x1024xf32> to vector<32x1024xf32>
    %sub3A_1498 = arith.subf %get3A_1497, %max3A_489 : vector<32x1024xf32>
    %exp3A_1499 = math.exp %sub3A_1498 : vector<32x1024xf32>
    %add3A_1500 = arith.addf %add3A_1485, %exp3A_1499 : vector<32x1024xf32>
    %eq3A_1501 = arith.constant 67 : i32
    %eq3A_1502 = vector.broadcast %eq3A_1501 : i32 to vector<32x1024xi32>
    %eq3A_1503 = arith.cmpi eq, %get3A_1, %eq3A_1502 : vector<32x1024xi32>
    %jit3A_1504 = arith.constant 0.000000e+00 : f32
    %broadcast_in_dim3A_1505 = vector.broadcast %jit3A_1504 : f32 to vector<32x1024xf32>
    %select_n3A_1506 = arith.select %eq3A_1503, %get3A_1497, %broadcast_in_dim3A_1505 : vector<32x1024xi1>, vector<32x1024xf32>
    %add3A_1507 = arith.addf %add3A_1492, %select_n3A_1506 : vector<32x1024xf32>
    %get3A_1508 = arith.constant 68 : index
    %get3A_1509 = arith.constant 0 : index
    %get3A_1510 = arith.constant 0 : index
    %get3A_1511 = vector.load %arg1[%get3A_1508, %get3A_1509, %get3A_1510] : memref<81x32x1024xf32, #tpu.memory_space<vmem>>, vector<1x32x1024xf32>
    %get3A_1512 = vector.shape_cast %get3A_1511 : vector<1x32x1024xf32> to vector<32x1024xf32>
    %sub3A_1513 = arith.subf %get3A_1512, %max3A_489 : vector<32x1024xf32>
    %exp3A_1514 = math.exp %sub3A_1513 : vector<32x1024xf32>
    %add3A_1515 = arith.addf %add3A_1500, %exp3A_1514 : vector<32x1024xf32>
    %eq3A_1516 = arith.constant 68 : i32
    %eq3A_1517 = vector.broadcast %eq3A_1516 : i32 to vector<32x1024xi32>
    %eq3A_1518 = arith.cmpi eq, %get3A_1, %eq3A_1517 : vector<32x1024xi32>
    %jit3A_1519 = arith.constant 0.000000e+00 : f32
    %broadcast_in_dim3A_1520 = vector.broadcast %jit3A_1519 : f32 to vector<32x1024xf32>
    %select_n3A_1521 = arith.select %eq3A_1518, %get3A_1512, %broadcast_in_dim3A_1520 : vector<32x1024xi1>, vector<32x1024xf32>
    %add3A_1522 = arith.addf %add3A_1507, %select_n3A_1521 : vector<32x1024xf32>
    %get3A_1523 = arith.constant 69 : index
    %get3A_1524 = arith.constant 0 : index
    %get3A_1525 = arith.constant 0 : index
    %get3A_1526 = vector.load %arg1[%get3A_1523, %get3A_1524, %get3A_1525] : memref<81x32x1024xf32, #tpu.memory_space<vmem>>, vector<1x32x1024xf32>
    %get3A_1527 = vector.shape_cast %get3A_1526 : vector<1x32x1024xf32> to vector<32x1024xf32>
    %sub3A_1528 = arith.subf %get3A_1527, %max3A_489 : vector<32x1024xf32>
    %exp3A_1529 = math.exp %sub3A_1528 : vector<32x1024xf32>
    %add3A_1530 = arith.addf %add3A_1515, %exp3A_1529 : vector<32x1024xf32>
    %eq3A_1531 = arith.constant 69 : i32
    %eq3A_1532 = vector.broadcast %eq3A_1531 : i32 to vector<32x1024xi32>
    %eq3A_1533 = arith.cmpi eq, %get3A_1, %eq3A_1532 : vector<32x1024xi32>
    %jit3A_1534 = arith.constant 0.000000e+00 : f32
    %broadcast_in_dim3A_1535 = vector.broadcast %jit3A_1534 : f32 to vector<32x1024xf32>
    %select_n3A_1536 = arith.select %eq3A_1533, %get3A_1527, %broadcast_in_dim3A_1535 : vector<32x1024xi1>, vector<32x1024xf32>
    %add3A_1537 = arith.addf %add3A_1522, %select_n3A_1536 : vector<32x1024xf32>
    %get3A_1538 = arith.constant 70 : index
    %get3A_1539 = arith.constant 0 : index
    %get3A_1540 = arith.constant 0 : index
    %get3A_1541 = vector.load %arg1[%get3A_1538, %get3A_1539, %get3A_1540] : memref<81x32x1024xf32, #tpu.memory_space<vmem>>, vector<1x32x1024xf32>
    %get3A_1542 = vector.shape_cast %get3A_1541 : vector<1x32x1024xf32> to vector<32x1024xf32>
    %sub3A_1543 = arith.subf %get3A_1542, %max3A_489 : vector<32x1024xf32>
    %exp3A_1544 = math.exp %sub3A_1543 : vector<32x1024xf32>
    %add3A_1545 = arith.addf %add3A_1530, %exp3A_1544 : vector<32x1024xf32>
    %eq3A_1546 = arith.constant 70 : i32
    %eq3A_1547 = vector.broadcast %eq3A_1546 : i32 to vector<32x1024xi32>
    %eq3A_1548 = arith.cmpi eq, %get3A_1, %eq3A_1547 : vector<32x1024xi32>
    %jit3A_1549 = arith.constant 0.000000e+00 : f32
    %broadcast_in_dim3A_1550 = vector.broadcast %jit3A_1549 : f32 to vector<32x1024xf32>
    %select_n3A_1551 = arith.select %eq3A_1548, %get3A_1542, %broadcast_in_dim3A_1550 : vector<32x1024xi1>, vector<32x1024xf32>
    %add3A_1552 = arith.addf %add3A_1537, %select_n3A_1551 : vector<32x1024xf32>
    %get3A_1553 = arith.constant 71 : index
    %get3A_1554 = arith.constant 0 : index
    %get3A_1555 = arith.constant 0 : index
    %get3A_1556 = vector.load %arg1[%get3A_1553, %get3A_1554, %get3A_1555] : memref<81x32x1024xf32, #tpu.memory_space<vmem>>, vector<1x32x1024xf32>
    %get3A_1557 = vector.shape_cast %get3A_1556 : vector<1x32x1024xf32> to vector<32x1024xf32>
    %sub3A_1558 = arith.subf %get3A_1557, %max3A_489 : vector<32x1024xf32>
    %exp3A_1559 = math.exp %sub3A_1558 : vector<32x1024xf32>
    %add3A_1560 = arith.addf %add3A_1545, %exp3A_1559 : vector<32x1024xf32>
    %eq3A_1561 = arith.constant 71 : i32
    %eq3A_1562 = vector.broadcast %eq3A_1561 : i32 to vector<32x1024xi32>
    %eq3A_1563 = arith.cmpi eq, %get3A_1, %eq3A_1562 : vector<32x1024xi32>
    %jit3A_1564 = arith.constant 0.000000e+00 : f32
    %broadcast_in_dim3A_1565 = vector.broadcast %jit3A_1564 : f32 to vector<32x1024xf32>
    %select_n3A_1566 = arith.select %eq3A_1563, %get3A_1557, %broadcast_in_dim3A_1565 : vector<32x1024xi1>, vector<32x1024xf32>
    %add3A_1567 = arith.addf %add3A_1552, %select_n3A_1566 : vector<32x1024xf32>
    %get3A_1568 = arith.constant 72 : index
    %get3A_1569 = arith.constant 0 : index
    %get3A_1570 = arith.constant 0 : index
    %get3A_1571 = vector.load %arg1[%get3A_1568, %get3A_1569, %get3A_1570] : memref<81x32x1024xf32, #tpu.memory_space<vmem>>, vector<1x32x1024xf32>
    %get3A_1572 = vector.shape_cast %get3A_1571 : vector<1x32x1024xf32> to vector<32x1024xf32>
    %sub3A_1573 = arith.subf %get3A_1572, %max3A_489 : vector<32x1024xf32>
    %exp3A_1574 = math.exp %sub3A_1573 : vector<32x1024xf32>
    %add3A_1575 = arith.addf %add3A_1560, %exp3A_1574 : vector<32x1024xf32>
    %eq3A_1576 = arith.constant 72 : i32
    %eq3A_1577 = vector.broadcast %eq3A_1576 : i32 to vector<32x1024xi32>
    %eq3A_1578 = arith.cmpi eq, %get3A_1, %eq3A_1577 : vector<32x1024xi32>
    %jit3A_1579 = arith.constant 0.000000e+00 : f32
    %broadcast_in_dim3A_1580 = vector.broadcast %jit3A_1579 : f32 to vector<32x1024xf32>
    %select_n3A_1581 = arith.select %eq3A_1578, %get3A_1572, %broadcast_in_dim3A_1580 : vector<32x1024xi1>, vector<32x1024xf32>
    %add3A_1582 = arith.addf %add3A_1567, %select_n3A_1581 : vector<32x1024xf32>
    %get3A_1583 = arith.constant 73 : index
    %get3A_1584 = arith.constant 0 : index
    %get3A_1585 = arith.constant 0 : index
    %get3A_1586 = vector.load %arg1[%get3A_1583, %get3A_1584, %get3A_1585] : memref<81x32x1024xf32, #tpu.memory_space<vmem>>, vector<1x32x1024xf32>
    %get3A_1587 = vector.shape_cast %get3A_1586 : vector<1x32x1024xf32> to vector<32x1024xf32>
    %sub3A_1588 = arith.subf %get3A_1587, %max3A_489 : vector<32x1024xf32>
    %exp3A_1589 = math.exp %sub3A_1588 : vector<32x1024xf32>
    %add3A_1590 = arith.addf %add3A_1575, %exp3A_1589 : vector<32x1024xf32>
    %eq3A_1591 = arith.constant 73 : i32
    %eq3A_1592 = vector.broadcast %eq3A_1591 : i32 to vector<32x1024xi32>
    %eq3A_1593 = arith.cmpi eq, %get3A_1, %eq3A_1592 : vector<32x1024xi32>
    %jit3A_1594 = arith.constant 0.000000e+00 : f32
    %broadcast_in_dim3A_1595 = vector.broadcast %jit3A_1594 : f32 to vector<32x1024xf32>
    %select_n3A_1596 = arith.select %eq3A_1593, %get3A_1587, %broadcast_in_dim3A_1595 : vector<32x1024xi1>, vector<32x1024xf32>
    %add3A_1597 = arith.addf %add3A_1582, %select_n3A_1596 : vector<32x1024xf32>
    %get3A_1598 = arith.constant 74 : index
    %get3A_1599 = arith.constant 0 : index
    %get3A_1600 = arith.constant 0 : index
    %get3A_1601 = vector.load %arg1[%get3A_1598, %get3A_1599, %get3A_1600] : memref<81x32x1024xf32, #tpu.memory_space<vmem>>, vector<1x32x1024xf32>
    %get3A_1602 = vector.shape_cast %get3A_1601 : vector<1x32x1024xf32> to vector<32x1024xf32>
    %sub3A_1603 = arith.subf %get3A_1602, %max3A_489 : vector<32x1024xf32>
    %exp3A_1604 = math.exp %sub3A_1603 : vector<32x1024xf32>
    %add3A_1605 = arith.addf %add3A_1590, %exp3A_1604 : vector<32x1024xf32>
    %eq3A_1606 = arith.constant 74 : i32
    %eq3A_1607 = vector.broadcast %eq3A_1606 : i32 to vector<32x1024xi32>
    %eq3A_1608 = arith.cmpi eq, %get3A_1, %eq3A_1607 : vector<32x1024xi32>
    %jit3A_1609 = arith.constant 0.000000e+00 : f32
    %broadcast_in_dim3A_1610 = vector.broadcast %jit3A_1609 : f32 to vector<32x1024xf32>
    %select_n3A_1611 = arith.select %eq3A_1608, %get3A_1602, %broadcast_in_dim3A_1610 : vector<32x1024xi1>, vector<32x1024xf32>
    %add3A_1612 = arith.addf %add3A_1597, %select_n3A_1611 : vector<32x1024xf32>
    %get3A_1613 = arith.constant 75 : index
    %get3A_1614 = arith.constant 0 : index
    %get3A_1615 = arith.constant 0 : index
    %get3A_1616 = vector.load %arg1[%get3A_1613, %get3A_1614, %get3A_1615] : memref<81x32x1024xf32, #tpu.memory_space<vmem>>, vector<1x32x1024xf32>
    %get3A_1617 = vector.shape_cast %get3A_1616 : vector<1x32x1024xf32> to vector<32x1024xf32>
    %sub3A_1618 = arith.subf %get3A_1617, %max3A_489 : vector<32x1024xf32>
    %exp3A_1619 = math.exp %sub3A_1618 : vector<32x1024xf32>
    %add3A_1620 = arith.addf %add3A_1605, %exp3A_1619 : vector<32x1024xf32>
    %eq3A_1621 = arith.constant 75 : i32
    %eq3A_1622 = vector.broadcast %eq3A_1621 : i32 to vector<32x1024xi32>
    %eq3A_1623 = arith.cmpi eq, %get3A_1, %eq3A_1622 : vector<32x1024xi32>
    %jit3A_1624 = arith.constant 0.000000e+00 : f32
    %broadcast_in_dim3A_1625 = vector.broadcast %jit3A_1624 : f32 to vector<32x1024xf32>
    %select_n3A_1626 = arith.select %eq3A_1623, %get3A_1617, %broadcast_in_dim3A_1625 : vector<32x1024xi1>, vector<32x1024xf32>
    %add3A_1627 = arith.addf %add3A_1612, %select_n3A_1626 : vector<32x1024xf32>
    %get3A_1628 = arith.constant 76 : index
    %get3A_1629 = arith.constant 0 : index
    %get3A_1630 = arith.constant 0 : index
    %get3A_1631 = vector.load %arg1[%get3A_1628, %get3A_1629, %get3A_1630] : memref<81x32x1024xf32, #tpu.memory_space<vmem>>, vector<1x32x1024xf32>
    %get3A_1632 = vector.shape_cast %get3A_1631 : vector<1x32x1024xf32> to vector<32x1024xf32>
    %sub3A_1633 = arith.subf %get3A_1632, %max3A_489 : vector<32x1024xf32>
    %exp3A_1634 = math.exp %sub3A_1633 : vector<32x1024xf32>
    %add3A_1635 = arith.addf %add3A_1620, %exp3A_1634 : vector<32x1024xf32>
    %eq3A_1636 = arith.constant 76 : i32
    %eq3A_1637 = vector.broadcast %eq3A_1636 : i32 to vector<32x1024xi32>
    %eq3A_1638 = arith.cmpi eq, %get3A_1, %eq3A_1637 : vector<32x1024xi32>
    %jit3A_1639 = arith.constant 0.000000e+00 : f32
    %broadcast_in_dim3A_1640 = vector.broadcast %jit3A_1639 : f32 to vector<32x1024xf32>
    %select_n3A_1641 = arith.select %eq3A_1638, %get3A_1632, %broadcast_in_dim3A_1640 : vector<32x1024xi1>, vector<32x1024xf32>
    %add3A_1642 = arith.addf %add3A_1627, %select_n3A_1641 : vector<32x1024xf32>
    %get3A_1643 = arith.constant 77 : index
    %get3A_1644 = arith.constant 0 : index
    %get3A_1645 = arith.constant 0 : index
    %get3A_1646 = vector.load %arg1[%get3A_1643, %get3A_1644, %get3A_1645] : memref<81x32x1024xf32, #tpu.memory_space<vmem>>, vector<1x32x1024xf32>
    %get3A_1647 = vector.shape_cast %get3A_1646 : vector<1x32x1024xf32> to vector<32x1024xf32>
    %sub3A_1648 = arith.subf %get3A_1647, %max3A_489 : vector<32x1024xf32>
    %exp3A_1649 = math.exp %sub3A_1648 : vector<32x1024xf32>
    %add3A_1650 = arith.addf %add3A_1635, %exp3A_1649 : vector<32x1024xf32>
    %eq3A_1651 = arith.constant 77 : i32
    %eq3A_1652 = vector.broadcast %eq3A_1651 : i32 to vector<32x1024xi32>
    %eq3A_1653 = arith.cmpi eq, %get3A_1, %eq3A_1652 : vector<32x1024xi32>
    %jit3A_1654 = arith.constant 0.000000e+00 : f32
    %broadcast_in_dim3A_1655 = vector.broadcast %jit3A_1654 : f32 to vector<32x1024xf32>
    %select_n3A_1656 = arith.select %eq3A_1653, %get3A_1647, %broadcast_in_dim3A_1655 : vector<32x1024xi1>, vector<32x1024xf32>
    %add3A_1657 = arith.addf %add3A_1642, %select_n3A_1656 : vector<32x1024xf32>
    %get3A_1658 = arith.constant 78 : index
    %get3A_1659 = arith.constant 0 : index
    %get3A_1660 = arith.constant 0 : index
    %get3A_1661 = vector.load %arg1[%get3A_1658, %get3A_1659, %get3A_1660] : memref<81x32x1024xf32, #tpu.memory_space<vmem>>, vector<1x32x1024xf32>
    %get3A_1662 = vector.shape_cast %get3A_1661 : vector<1x32x1024xf32> to vector<32x1024xf32>
    %sub3A_1663 = arith.subf %get3A_1662, %max3A_489 : vector<32x1024xf32>
    %exp3A_1664 = math.exp %sub3A_1663 : vector<32x1024xf32>
    %add3A_1665 = arith.addf %add3A_1650, %exp3A_1664 : vector<32x1024xf32>
    %eq3A_1666 = arith.constant 78 : i32
    %eq3A_1667 = vector.broadcast %eq3A_1666 : i32 to vector<32x1024xi32>
    %eq3A_1668 = arith.cmpi eq, %get3A_1, %eq3A_1667 : vector<32x1024xi32>
    %jit3A_1669 = arith.constant 0.000000e+00 : f32
    %broadcast_in_dim3A_1670 = vector.broadcast %jit3A_1669 : f32 to vector<32x1024xf32>
    %select_n3A_1671 = arith.select %eq3A_1668, %get3A_1662, %broadcast_in_dim3A_1670 : vector<32x1024xi1>, vector<32x1024xf32>
    %add3A_1672 = arith.addf %add3A_1657, %select_n3A_1671 : vector<32x1024xf32>
    %get3A_1673 = arith.constant 79 : index
    %get3A_1674 = arith.constant 0 : index
    %get3A_1675 = arith.constant 0 : index
    %get3A_1676 = vector.load %arg1[%get3A_1673, %get3A_1674, %get3A_1675] : memref<81x32x1024xf32, #tpu.memory_space<vmem>>, vector<1x32x1024xf32>
    %get3A_1677 = vector.shape_cast %get3A_1676 : vector<1x32x1024xf32> to vector<32x1024xf32>
    %sub3A_1678 = arith.subf %get3A_1677, %max3A_489 : vector<32x1024xf32>
    %exp3A_1679 = math.exp %sub3A_1678 : vector<32x1024xf32>
    %add3A_1680 = arith.addf %add3A_1665, %exp3A_1679 : vector<32x1024xf32>
    %eq3A_1681 = arith.constant 79 : i32
    %eq3A_1682 = vector.broadcast %eq3A_1681 : i32 to vector<32x1024xi32>
    %eq3A_1683 = arith.cmpi eq, %get3A_1, %eq3A_1682 : vector<32x1024xi32>
    %jit3A_1684 = arith.constant 0.000000e+00 : f32
    %broadcast_in_dim3A_1685 = vector.broadcast %jit3A_1684 : f32 to vector<32x1024xf32>
    %select_n3A_1686 = arith.select %eq3A_1683, %get3A_1677, %broadcast_in_dim3A_1685 : vector<32x1024xi1>, vector<32x1024xf32>
    %add3A_1687 = arith.addf %add3A_1672, %select_n3A_1686 : vector<32x1024xf32>
    %get3A_1688 = arith.constant 80 : index
    %get3A_1689 = arith.constant 0 : index
    %get3A_1690 = arith.constant 0 : index
    %get3A_1691 = vector.load %arg1[%get3A_1688, %get3A_1689, %get3A_1690] : memref<81x32x1024xf32, #tpu.memory_space<vmem>>, vector<1x32x1024xf32>
    %get3A_1692 = vector.shape_cast %get3A_1691 : vector<1x32x1024xf32> to vector<32x1024xf32>
    %sub3A_1693 = arith.subf %get3A_1692, %max3A_489 : vector<32x1024xf32>
    %exp3A_1694 = math.exp %sub3A_1693 : vector<32x1024xf32>
    %add3A_1695 = arith.addf %add3A_1680, %exp3A_1694 : vector<32x1024xf32>
    %eq3A_1696 = arith.constant 80 : i32
    %eq3A_1697 = vector.broadcast %eq3A_1696 : i32 to vector<32x1024xi32>
    %eq3A_1698 = arith.cmpi eq, %get3A_1, %eq3A_1697 : vector<32x1024xi32>
    %jit3A_1699 = arith.constant 0.000000e+00 : f32
    %broadcast_in_dim3A_1700 = vector.broadcast %jit3A_1699 : f32 to vector<32x1024xf32>
    %select_n3A_1701 = arith.select %eq3A_1698, %get3A_1692, %broadcast_in_dim3A_1700 : vector<32x1024xi1>, vector<32x1024xf32>
    %add3A_1702 = arith.addf %add3A_1687, %select_n3A_1701 : vector<32x1024xf32>
    %log3A = math.log %add3A_1695 : vector<32x1024xf32>
    %add3A_1703 = arith.addf %log3A, %max3A_489 : vector<32x1024xf32>
    %sub3A_1704 = arith.subf %add3A_1703, %add3A_1702 : vector<32x1024xf32>
    %gt3A = arith.constant 0 : i32
    %gt3A_1705 = vector.broadcast %gt3A : i32 to vector<32x1024xi32>
    %gt3A_1706 = arith.cmpi sgt, %get3A_1, %gt3A_1705 : vector<32x1024xi32>
    %and3A = arith.andi %gt3A_1706, %lt3A_5 : vector<32x1024xi1>
    %eq3A_1707 = arith.constant 0 : i32
    %eq3A_1708 = vector.broadcast %eq3A_1707 : i32 to vector<32x1024xi32>
    %eq3A_1709 = arith.cmpi eq, %get3A_1, %eq3A_1708 : vector<32x1024xi32>
    %and3A_1710 = arith.andi %eq3A_1709, %lt3A_5 : vector<32x1024xi1>
    %jit3A_1711 = arith.constant 0.000000e+00 : f32
    %broadcast_in_dim3A_1712 = vector.broadcast %jit3A_1711 : f32 to vector<32x1024xf32>
    %select_n3A_1713 = arith.select %and3A_1710, %sub3A_1704, %broadcast_in_dim3A_1712 : vector<32x1024xi1>, vector<32x1024xf32>
    %swap3A = arith.constant 0 : index
    %swap3A_1714 = arith.constant 0 : index
    %swap3A_1715 = vector.load %arg5[%swap3A, %swap3A_1714] : memref<32x1024xf32, #tpu.memory_space<vmem>>, vector<32x1024xf32>
    tpu.vector_store %arg5[%swap3A, %swap3A_1714], %select_n3A_1713 {strides = array<i32>} : memref<32x1024xf32, #tpu.memory_space<vmem>>, vector<32x1024xf32>,
    %get3A_1716 = arith.constant 0 : index
    %get3A_1717 = arith.constant 0 : index
    %get3A_1718 = arith.constant 0 : index
    %get3A_1719 = vector.load %arg3[%get3A_1716, %get3A_1717, %get3A_1718] : memref<32x4x1024xf32, #tpu.memory_space<vmem>>, vector<32x4x1024xf32>
    %get3A_1720 = arith.constant 0 : index
    %get3A_1721 = arith.constant 0 : index
    %get3A_1722 = arith.constant 0 : index
    %get3A_1723 = vector.load %arg4[%get3A_1720, %get3A_1721, %get3A_1722] : memref<32x4x1024xf32, #tpu.memory_space<vmem>>, vector<32x4x1024xf32>
    %sub3A_1724 = arith.subf %get3A_1719, %get3A_1723 : vector<32x4x1024xf32>
    %abs3A = math.absf %sub3A_1724 : vector<32x4x1024xf32>
    %lt3A_1725 = arith.constant 1.000000e+00 : f32
    %lt3A_1726 = vector.broadcast %lt3A_1725 : f32 to vector<32x4x1024xf32>
    %lt3A_1727 = arith.cmpf olt, %abs3A, %lt3A_1726 : vector<32x4x1024xf32>
    %mul3A_1728 = arith.constant 5.000000e-01 : f32
    %mul3A_1729 = vector.broadcast %mul3A_1728 : f32 to vector<32x4x1024xf32>
    %mul3A_1730 = arith.mulf %mul3A_1729, %sub3A_1724 : vector<32x4x1024xf32>
    %mul3A_1731 = arith.mulf %mul3A_1730, %sub3A_1724 : vector<32x4x1024xf32>
    %sub3A_1732 = arith.constant 5.000000e-01 : f32
    %sub3A_1733 = vector.broadcast %sub3A_1732 : f32 to vector<32x4x1024xf32>
    %sub3A_1734 = arith.subf %abs3A, %sub3A_1733 : vector<32x4x1024xf32>
    %select_n3A_1735 = arith.select %lt3A_1727, %mul3A_1731, %sub3A_1734 : vector<32x4x1024xi1>, vector<32x4x1024xf32>
    %reduce_sum3A = arith.constant dense<0.000000e+00> : vector<32x1024xf32>
    %reduce_sum3A_1736 = vector.multi_reduction <add>, %select_n3A_1735, %reduce_sum3A [1] : vector<32x4x1024xf32> to vector<32x1024xf32>
    %convert_element_type3A = arith.extui %and3A : vector<32x1024xi1> to vector<32x1024xi32>
    %convert_element_type3A_1737 = arith.sitofp %convert_element_type3A : vector<32x1024xi32> to vector<32x1024xf32>
    %reduce_sum3A_1738 = arith.constant dense<0.000000e+00> : vector<32xf32>
    %reduce_sum3A_1739 = vector.multi_reduction <add>, %convert_element_type3A_1737, %reduce_sum3A_1738 [1] : vector<32x1024xf32> to vector<32xf32>
    %jit3A_1740 = arith.constant 0.000000e+00 : f32
    %broadcast_in_dim3A_1741 = vector.broadcast %jit3A_1740 : f32 to vector<32x1024xf32>
    %select_n3A_1742 = arith.select %and3A, %sub3A_1704, %broadcast_in_dim3A_1741 : vector<32x1024xi1>, vector<32x1024xf32>
    %reduce_sum3A_1743 = arith.constant dense<0.000000e+00> : vector<32xf32>
    %reduce_sum3A_1744 = vector.multi_reduction <add>, %select_n3A_1742, %reduce_sum3A_1743 [1] : vector<32x1024xf32> to vector<32xf32>
    %jit3A_1745 = arith.constant 0.000000e+00 : f32
    %broadcast_in_dim3A_1746 = vector.broadcast %jit3A_1745 : f32 to vector<32x1024xf32>
    %select_n3A_1747 = arith.select %and3A, %reduce_sum3A_1736, %broadcast_in_dim3A_1746 : vector<32x1024xi1>, vector<32x1024xf32>
    %reduce_sum3A_1748 = arith.constant dense<0.000000e+00> : vector<32xf32>
    %reduce_sum3A_1749 = vector.multi_reduction <add>, %select_n3A_1747, %reduce_sum3A_1748 [1] : vector<32x1024xf32> to vector<32xf32>
    %iota3A_1750 = tpu.iota {dimensions = array<i32: 1>} : vector<32x128xi32>
    %eq3A_1751 = arith.constant 0 : i32
    %eq3A_1752 = vector.broadcast %eq3A_1751 : i32 to vector<32x128xi32>
    %eq3A_1753 = arith.cmpi eq, %iota3A_1750, %eq3A_1752 : vector<32x128xi32>
    %broadcast_in_dim3A_1754 = vector.shape_cast %reduce_sum3A_1739 : vector<32xf32> to vector<32x1xf32>
    %jit3A_1755 = arith.constant 0.000000e+00 : f32
    %broadcast_in_dim3A_1756 = vector.shape_cast %broadcast_in_dim3A_1754 : vector<32x1xf32> to vector<32x1xf32>
    %broadcast_in_dim3A_1757 = vector.broadcast %broadcast_in_dim3A_1756 : vector<32x1xf32> to vector<32x128xf32>
    %broadcast_in_dim3A_1758 = vector.broadcast %jit3A_1755 : f32 to vector<32x128xf32>
    %select_n3A_1759 = arith.select %eq3A_1753, %broadcast_in_dim3A_1757, %broadcast_in_dim3A_1758 : vector<32x128xi1>, vector<32x128xf32>
    %eq3A_1760 = arith.constant 1 : i32
    %eq3A_1761 = vector.broadcast %eq3A_1760 : i32 to vector<32x128xi32>
    %eq3A_1762 = arith.cmpi eq, %iota3A_1750, %eq3A_1761 : vector<32x128xi32>
    %broadcast_in_dim3A_1763 = vector.shape_cast %reduce_sum3A_1744 : vector<32xf32> to vector<32x1xf32>
    %jit3A_1764 = arith.constant 0.000000e+00 : f32
    %broadcast_in_dim3A_1765 = vector.shape_cast %broadcast_in_dim3A_1763 : vector<32x1xf32> to vector<32x1xf32>
    %broadcast_in_dim3A_1766 = vector.broadcast %broadcast_in_dim3A_1765 : vector<32x1xf32> to vector<32x128xf32>
    %broadcast_in_dim3A_1767 = vector.broadcast %jit3A_1764 : f32 to vector<32x128xf32>
    %select_n3A_1768 = arith.select %eq3A_1762, %broadcast_in_dim3A_1766, %broadcast_in_dim3A_1767 : vector<32x128xi1>, vector<32x128xf32>
    %add3A_1769 = arith.addf %select_n3A_1759, %select_n3A_1768 : vector<32x128xf32>
    %eq3A_1770 = arith.constant 2 : i32
    %eq3A_1771 = vector.broadcast %eq3A_1770 : i32 to vector<32x128xi32>
    %eq3A_1772 = arith.cmpi eq, %iota3A_1750, %eq3A_1771 : vector<32x128xi32>
    %broadcast_in_dim3A_1773 = vector.shape_cast %reduce_sum3A_1749 : vector<32xf32> to vector<32x1xf32>
    %jit3A_1774 = arith.constant 0.000000e+00 : f32
    %broadcast_in_dim3A_1775 = vector.shape_cast %broadcast_in_dim3A_1773 : vector<32x1xf32> to vector<32x1xf32>
    %broadcast_in_dim3A_1776 = vector.broadcast %broadcast_in_dim3A_1775 : vector<32x1xf32> to vector<32x128xf32>
    %broadcast_in_dim3A_1777 = vector.broadcast %jit3A_1774 : f32 to vector<32x128xf32>
    %select_n3A_1778 = arith.select %eq3A_1772, %broadcast_in_dim3A_1776, %broadcast_in_dim3A_1777 : vector<32x128xi1>, vector<32x128xf32>
    %add3A_1779 = arith.addf %add3A_1769, %select_n3A_1778 : vector<32x128xf32>
    %eq3A_1780 = arith.constant 0 : i32
    %eq3A_1781 = arith.cmpi eq, %arg0, %eq3A_1780 : i32
    %convert_element_type3A_1782 = arith.extui %eq3A_1781 : i1 to i32
    %cond3A = arith.constant 0 : i32
    %cond3A_1783 = arith.cmpi ne, %convert_element_type3A_1782, %cond3A : i32
    scf.if %cond3A_1783 {
      %swap3A_1789 = arith.constant 0 : index
      %swap3A_1790 = arith.constant 0 : index
      %swap3A_1791 = vector.load %arg6[%swap3A_1789, %swap3A_1790] : memref<32x128xf32, #tpu.memory_space<vmem>>, vector<32x128xf32>
      tpu.vector_store %arg6[%swap3A_1789, %swap3A_1790], %add3A_1779 {strides = array<i32>} : memref<32x128xf32, #tpu.memory_space<vmem>>, vector<32x128xf32>,
    } else {
    }
    %gt3A_1784 = arith.constant 0 : i32
    %gt3A_1785 = arith.cmpi sgt, %arg0, %gt3A_1784 : i32
    %convert_element_type3A_1786 = arith.extui %gt3A_1785 : i1 to i32
    %cond3A_1787 = arith.constant 0 : i32
    %cond3A_1788 = arith.cmpi ne, %convert_element_type3A_1786, %cond3A_1787 : i32
    scf.if %cond3A_1788 {
      %get3A_1789 = arith.constant 0 : index
      %get3A_1790 = arith.constant 0 : index
      %get3A_1791 = vector.load %arg6[%get3A_1789, %get3A_1790] : memref<32x128xf32, #tpu.memory_space<vmem>>, vector<32x128xf32>
      %add3A_1792 = arith.addf %get3A_1791, %add3A_1779 : vector<32x128xf32>
      %swap3A_1793 = arith.constant 0 : index
      %swap3A_1794 = arith.constant 0 : index
      %swap3A_1795 = vector.load %arg6[%swap3A_1793, %swap3A_1794] : memref<32x128xf32, #tpu.memory_space<vmem>>, vector<32x128xf32>
      tpu.vector_store %arg6[%swap3A_1793, %swap3A_1794], %add3A_1792 {strides = array<i32>} : memref<32x128xf32, #tpu.memory_space<vmem>>, vector<32x128xf32>,
    } else {
    }
    return
  }
  func.func @transform_0(%arg0: i32) -> (i32, i32, i32) {
    %c0_i32 = arith.constant 0 : i32
    %c0_i32_0 = arith.constant 0 : i32
    %c0_i32_1 = arith.constant 0 : i32
    return %c0_i32, %c0_i32_0, %arg0 : i32, i32, i32
  }
  func.func @transform_1(%arg0: i32) -> (i32, i32) {
    %c0_i32 = arith.constant 0 : i32
    %c0_i32_0 = arith.constant 0 : i32
    return %c0_i32, %arg0 : i32, i32
  }
  func.func @transform_2(%arg0: i32) -> (i32, i32, i32) {
    %c0_i32 = arith.constant 0 : i32
    %c0_i32_0 = arith.constant 0 : i32
    %c0_i32_1 = arith.constant 0 : i32
    return %c0_i32, %c0_i32_0, %arg0 : i32, i32, i32
  }
  func.func @transform_3(%arg0: i32) -> (i32, i32, i32) {
    %c0_i32 = arith.constant 0 : i32
    %c0_i32_0 = arith.constant 0 : i32
    %c0_i32_1 = arith.constant 0 : i32
    return %c0_i32, %c0_i32_0, %arg0 : i32, i32, i32
  }
  func.func @transform_4(%arg0: i32) -> (i32, i32) {
    %c0_i32 = arith.constant 0 : i32
    %c0_i32_0 = arith.constant 0 : i32
    return %c0_i32, %arg0 : i32, i32
  }
  func.func @transform_5(%arg0: i32) -> (i32, i32) {
    %c0_i32 = arith.constant 0 : i32
    %c0_i32_0 = arith.constant 0 : i32
    %c0_i32_1 = arith.constant 0 : i32
    return %c0_i32, %c0_i32_0 : i32, i32
  }
}

</mosaic_0001>

<sc_bundles>
// kernel: kernel.4.cloned.1.call-start
scs
__scs_entry_jumppad:
0x0: {  	(pc) =	sbr.rel $0x88, $3  }
0x1: {  	(tag) =	ssettag $0x0;
	lr =	simm.s32 $0x1  }
0x2: {  	[smem:$0x3F9D] =	sst lr;
	_ =	strace $0xD0000000  }
0x3: {  	_ = 	snop  }
0x4: {  	_ = 	snop  }
0x5: {  	_ = 	snop  }
0x6: {  	_ = 	snop  }
0x7: {  	_ = 	snop  }
__scs_overlays_trampoline_lowered:
0x8: {  	[smem:$0x3FAC] =	sst s0  }
0x9: {  	[smem:$0x3FAD] =	sst s1  }
0xa: {  	[smem:$0x3FAE] =	sst s2  }
0xb: {  	[smem:$0x3FAF] =	sst s3  }
0xc: {  	[smem:$0x3FB0] =	sst s4  }
0xd: {  	[smem:$0x3FB1] =	sst s5  }
0xe: {  	[smem:$0x3FB2] =	sst s6  }
0xf: {  	[smem:$0x3FB3] =	sst s7  }
0x10: {  	[smem:$0x3FB4] =	sst s8  }
0x11: {  	[smem:$0x3FB5] =	sst s9;
	s0 =	simm.s32 @!p0 $0x0  }
0x12: {  	s1 =	sld [smem:$0x3F9B];
	s0 =	simm.s32 @p0 $0x1  }
0x13: {  	[smem:$0x3FB6] =	sst s0;
	s0 =	simm.s32 @!p1 $0x0  }
0x14: {  	s2 =	sld [smem:$0x3F9A];
	s0 =	simm.s32 @p1 $0x1  }
0x15: {  	[smem:$0x3FB7] =	sst s0;
	s0 =	simm.s32 @!p2 $0x0  }
0x16: {  	s3 =	sld [smem:$0x3FDB];
	s0 =	simm.s32 @p2 $0x1  }
0x17: {  	s4 =	simm.s32 $0x1BF5;
	[smem:$0x3FB9] =	sst s0  }
0x18: {  	s0 =	sld [smem:$0x3F9C];
	_ =	swait.ge [sflag:s4], $0x0  }
0x19: {  	s7 =	sld [smem:$0x3F9D]  }
0x1a: {  	s8 =	sadd.s32 $0xFFFFE003, lr  }
0x1b: {  	s9 =	sadd.s32 $0xFFFFFEF7, lr;
	s5 =	simm.s32 $0xFFFFFFFF;
	p2 =	slt.u32 s8, $0xFFFFF086  }
0x1c: {  	p1 =	slt.u32 s9, $0xF7A;
	s5 =	simm.s32 @!p2 $0x0  }
0x1d: {  	s5 =	simm.s32 @p1 $0x1;
	p0 =	seq.s32 s7, s2  }
0x1e: {  	s7 =	smul.u32 @!p0 $0xF7A, s2;
	p2 =	seq.s32 @!p0 s5, $0x0  }
0x1f: {  	s9 =	smul.u32 $0xF7A, s1;
	s8 =	simm.s32 @!p0 $0x1BF5;
	p2 =	por !p2, p0  }
0x20: {  	[sflag:s8] =	ssyncset.s32 @!p0 $0xFFFFF086;
	s6 =	sadd.s32 @!p0 s3, s7;
	s7 =	simm.s32 @!p0 $0x108  }
0x21: {  	s3 =	sadd.s32 s3, s9;
	s6 =	sadd.s32 @!p0 $0x88, s6;
	s7 =	simm.s32 @p2 $0x1082  }
0x22: {  	[simem:s7], [sflag:s8] =	dma.local @!p0 [hbm:s6], $0xF7A  }
0x23: {  	s9 =	sor.u32 $0xD0000000, s2;
	s6 =	simm.s32 $0x108;
	_ =	swait.ge @!p0 [sflag:s8], $0x0  }
0x24: {  	s3 =	sadd.s32 $0x88, s3;
	s6 =	simm.s32 @!p1 $0x1082;
	[sflag:s4] =	ssyncset.s32 $0xFFFFF086  }
0x25: {  	[simem:s6], [sflag:s4] =	dma.local [hbm:s3], $0xF7A  }
0x26: {  	[smem:$0x3F9D] =	sst s1;
	(tag) =	ssettag s2;
	_ =	strace s9  }
0x27: {  	s1 =	sld [smem:$0x3FAD]  }
0x28: {  	s2 =	sld [smem:$0x3FAE]  }
0x29: {  	s4 =	sld [smem:$0x3FB0]  }
0x2a: {  	p0 =	seq.s32 s5, $0x0;
	s5 =	sld [smem:$0x3FB1]  }
0x2b: {  	s6 =	sld [smem:$0x3FB2]  }
0x2c: {  	s7 =	sld [smem:$0x3FB3]  }
0x2d: {  	s3 =	simm.s32 $0x108;
	s8 =	sld [smem:$0x3FB4]  }
0x2e: {  	s3 =	simm.s32 @!p0 $0x1082;
	s9 =	sld [smem:$0x3FB5]  }
0x2f: {  	lr =	sadd.s32 s0, s3;
	s0 =	sld [smem:$0x3FAC]  }
0x30: {  	s3 =	sld [smem:$0x3FAF]  }
0x31: {  	[smem:$0x3FB8] =	sst s10  }
0x32: {  	s10 =	sld [smem:$0x3FB6];
	_ =	sdelay $0x3  }
0x33: {  	p0 =	seq.s32 s10, $0x1;
	s10 =	sld [smem:$0x3FB8];
	_ =	sdelay $0x3  }
0x34: {  	[smem:$0x3FB8] =	sst s10  }
0x35: {  	s10 =	sld [smem:$0x3FB7];
	_ =	sdelay $0x3  }
0x36: {  	p1 =	seq.s32 s10, $0x1;
	s10 =	sld [smem:$0x3FB8];
	_ =	sdelay $0x3  }
0x37: {  	[smem:$0x3FB8] =	sst s10  }
0x38: {  	s10 =	sld [smem:$0x3FB9]  }
0x39: {  	_ = 	snop;
	(pc) =	sbr.ind lr, $3  }
0x3a: {  	_ = 	snop  }
0x3b: {  	_ = 	snop  }
0x3c: {  	p2 =	seq.s32 s10, $0x1;
	s10 =	sld [smem:$0x3FB8]  }
0x3d: {  	_ =	shalt  }
0x3e: {  	_ =	shalt  }
0x3f: {  	_ =	shalt  }
0x40: {  	_ =	shalt  }
0x41: {  	_ =	shalt  }
0x42: {  	_ =	shalt  }
0x43: {  	_ =	shalt  }
0x44: {  	_ =	shalt  }
0x45: {  	_ =	shalt  }
0x46: {  	_ =	shalt  }
0x47: {  	_ =	shalt  }
0x48: {  	_ =	shalt  }
0x49: {  	_ =	shalt  }
0x4a: {  	_ =	shalt  }
0x4b: {  	_ =	shalt  }
0x4c: {  	_ =	shalt  }
0x4d: {  	_ =	shalt  }
0x4e: {  	_ =	shalt  }
0x4f: {  	_ =	shalt  }
0x50: {  	_ =	shalt  }
0x51: {  	_ =	shalt  }
0x52: {  	_ =	shalt  }
0x53: {  	_ =	shalt  }
0x54: {  	_ =	shalt  }
0x55: {  	_ =	shalt  }
0x56: {  	_ =	shalt  }
0x57: {  	_ =	shalt  }
0x58: {  	_ =	shalt  }
0x59: {  	_ =	shalt  }
0x5a: {  	_ =	shalt  }
0x5b: {  	_ =	shalt  }
0x5c: {  	_ =	shalt  }
0x5d: {  	_ =	shalt  }
0x5e: {  	_ =	shalt  }
0x5f: {  	_ =	shalt  }
0x60: {  	_ =	shalt  }
0x61: {  	_ =	shalt  }
0x62: {  	_ =	shalt  }
0x63: {  	_ =	shalt  }
0x64: {  	_ =	shalt  }
0x65: {  	_ =	shalt  }
0x66: {  	_ =	shalt  }
0x67: {  	_ =	shalt  }
0x68: {  	_ =	shalt  }
0x69: {  	_ =	shalt  }
0x6a: {  	_ =	shalt  }
0x6b: {  	_ =	shalt  }
0x6c: {  	_ =	shalt  }
0x6d: {  	_ =	shalt  }
0x6e: {  	_ =	shalt  }
0x6f: {  	_ =	shalt  }
0x70: {  	_ =	shalt  }
0x71: {  	_ =	shalt  }
0x72: {  	_ =	shalt  }
0x73: {  	_ =	shalt  }
0x74: {  	_ =	shalt  }
0x75: {  	_ =	shalt  }
0x76: {  	_ =	shalt  }
0x77: {  	_ =	shalt  }
0x78: {  	_ =	shalt  }
0x79: {  	_ =	shalt  }
0x7a: {  	_ =	shalt  }
0x7b: {  	_ =	shalt  }
0x7c: {  	_ =	shalt  }
0x7d: {  	_ =	shalt  }
0x7e: {  	_ =	shalt  }
0x7f: {  	_ =	shalt  }
0x80: {  	_ =	shalt  }
0x81: {  	_ =	shalt  }
0x82: {  	_ =	shalt  }
0x83: {  	_ =	shalt  }
0x84: {  	_ =	shalt  }
0x85: {  	_ =	shalt  }
0x86: {  	_ =	shalt  }
0x87: {  	_ =	shalt  }
.Lfunc_end0:
.L_simem_size_0:
called_computation_lowered:
.L_overlay_start_0:
0x88: {  	s2 =	sld [smem:$0x3FD9]  }
0x89: {  	s3 =	sld [smem:$0x3FFE];
	_ =	sdelay $0x1  }
0x8a: {  	s1 =	srdreg.scid  }
0x8b: {  	s0 =	sand.u32 $0x1, s1  }
0x8c: {  	s17 =	sshll.u32 s0, $0xA;
	s2 =	sadd.s32 s3, s2  }
0x8d: {  	s2 =	sadd.s32 s2, s17  }
0x8e: {  	[smem:$0x3FC4] =	sst s2  }
0x8f: {  	_ = 	snop  }
0x90: {  	s2 =	sld [smem:$0x3FD0];
	(tm) =	ssettm $0x1  }
0x91: {  	s18 =	sld [smem:$0x3FFB];
	_ =	sdelay $0x3  }
0x92: {  	_ =	strace s18  }
0x93: {  	s3 =	sld [smem:$0x3FFC];
	_ =	sdelay $0x3  }
0x94: {  	_ =	strace s3  }
0x95: {  	s3 =	sld [smem:$0x3FFD];
	_ =	sdelay $0x3  }
0x96: {  	_ =	strace s3  }
0x97: {  	_ =	strace $0x8FFFFFFF  }
0x98: {  	s19 =	sld [smem:$0x3FDB];
	_ =	sdelay $0x1  }
0x99: {  	s4 =	simm.s32 $_scs_section_size  }
0x9a: {  	s5 =	simm.s32 $_size__tile_overlayer_lowered;
	s6 =	simm.s32 $_tile_overlayer_lowered  }
0x9b: {  	s22 =	simm.s32 $0x1BFF;
	s21 =	sshll.u32 s6, $0x1;
	s3 =	sadd.s32 s4, s19  }
0x9c: {  	s7 =	simm.s32 $0x0;
	s20 =	sshll.u32 s5, $0x1;
	s5 =	sadd.s32 s21, s3  }
0x9d: {  	[timem:s7], [sflag:s22] =	dma.local [hbm:s5], s20  }
0x9e: {  	_ =	swait.ge [sflag:s22], s20  }
0x9f: {  	s4 =	ssub.s32 $0x0, s20;
	[sflag:s22] =	ssyncset.done $0x0  }
0xa0: {  	[sflag:s22] =	ssyncadd.s32 s4;
	_ =	sdelay $0x1  }
0xa1: {  	s23 =	simm.s32 $0x1B8B  }
0xa2: {  	_ =	swait.ge [sflag:s23], $0x1  }
0xa3: {  	[sflag:s23] =	ssyncset.done $0x0  }
0xa4: {  	s25 =	simm.s32 $0x1B8E;
	s24 =	sld [smem:$0x3FFE];
	[sflag:s23] =	ssyncadd.s32 $0xFFFFFFFF  }
0xa5: {  	s26 =	simm.s32 $execute0_lowered;
	[smem:$0x3FD2] =	sst s25  }
0xa6: {  	s5 =	sshll.u32 s26, $0x1;
	_ =	strace $0x80000046;
	[dreg:$0x1] =	wrdreg $0xFFFFFFFF  }
0xa7: {  	s28 =	simm.s32 $_size_execute0_lowered;
	s3 =	sadd.s32 s3, s5;
	[dreg:$0x0] =	wrdreg $0x0  }
0xa8: {  	s5 =	sshll.u32 s28, $0x1;
	[dreg:$0x2] =	wrdreg s3  }
0xa9: {  	[dreg:$0x3] =	wrdreg s5  }
0xaa: {  	[dreg:$0x4] =	wrdreg $0xC0  }
0xab: {  	_ =	task [dreg:s7], $0x5FFFF  }
0xac: {  	[dreg:$0x1] =	wrdreg $0xFFFFFFFF  }
0xad: {  	[dreg:$0x0] =	wrdreg $0x60  }
0xae: {  	[dreg:$0x2] =	wrdreg s24  }
0xaf: {  	[dreg:$0x3] =	wrdreg s2  }
0xb0: {  	[dreg:$0x4] =	wrdreg $0x9  }
0xb1: {  	_ =	task.clear_ibuf [dreg:s7], $0x5FFFF;
	_ =	strace $0x90000046  }
0xb2: {  	s29 =	simm.s32 $0x9;
	_ =	strace $0x80000048  }
0xb3: {  	_ =	swait.ge [sflag:s29], $0x1  }
0xb4: {  	[sflag:s29] =	ssyncadd.s32 $0xFFFFFFFF  }
0xb5: {  	_ =	strace $0x90000048  }
0xb6: {  	_ =	sfence  }
0xb7: {  	s30 =	sld [smem:$0x0];
	_ =	sdelay $0x2  }
0xb8: {  	s31 =	sshll.u32 s1, $0xD;
	s1 =	sshrl.u32 s1, $0x2  }
0xb9: {  	s3 =	sand.u32 $0x4000, s31;
	s1 =	sadd.s32 s1, s30  }
0xba: {  	s0 =	sor.u32 s3, s0;
	s1 =	sshll.u32 s1, $0x11  }
0xbb: {  	s0 =	sor.u32 s1, s0  }
0xbc: {  	s0 =	sadd.s32 $0x8F2B, s0  }
0xbd: {  	[sflag:s0] =	ssyncadd.remote.s32 $0x1  }
0xbe: {  	_ =	sfence.sel $0xFFFF  }
0xbf: {  	[dreg:$0x0] =	wrdreg $0xFFFFFFFF;
	(pc) =	sbr.abs _section_cstart, $3  }
0xc0: {  	[dreg:$0x1] =	wrdreg $0xFFFFFFFF  }
0xc1: {  	_ =	task.clear_ibuf [dreg:s7], $0x2FFFF;
	_ =	strace $0x9FFFFFFF  }
0xc2: {  	(tm) =	ssettm $0x7FFFFFFF  }
0xc3: {  	_ =	shalt  }
tec
execute0_lowered:
.L_overlay_start_1:
0x0: {  	(tag) =	ssettag $0x1  }
0x1: {  	s0 =	srdreg.scid;
	s2 =	stileid.u32  }
0x2: {  	s1 =	rddreg [dreg:$0x0];
	s9 =	simm.s32 $0x1;
	s10 =	simm.s32 $0x4E80  }
0x3: {  	s11 =	simm.s32 $0x4F00;
	s12 =	simm.s32 $0xCF00;
	s13 =	simm.s32 $0x14F00  }
0x4: {  	s14 =	simm.s32 $0x0;
	s0 =	sand.u32 $0x1, s0;
	s3 =	sshll.u32 s2, $0x1  }
0x5: {  	s4 =	sshrl.u32 s2, $0x2;
	p0 =	slt.u32 s2, $0x8;
	s5 =	sor.u32 s0, s3  }
0x6: {  	s3 =	simm.s32 $0x0;
	s7 =	sshll.u32 s4, $0xA;
	s0 =	ssub.s32 $0x2, s0  }
0x7: {  	s4 =	smul.u32 $0x27400, s4;
	s2 =	simm.s32 @!p0 $0x0;
	s6 =	sshll.u32 s5, $0x7  }
0x8: {  	[smem:$0x7FF] =	sst s3;
	s8 =	sshrl.u32 s0, $0x1;
	s6 =	sand.u32 $0x380, s6  }
0x9: {  	s7 =	sor.u32 s7, s6;
	s4 =	sor.u32 s4, s6;
	s6 =	simm.s32 $0x0  }
0xa: {  	s2 =	simm.s32 @p0 $0x1;
	_ =	strace $0x80000047;
	s6 =	simm.s32 @!p0 $0xFFFFFFF0  }
0xb: {  	v0 =	vlaneseq.u32;
	v1 =	vimm.f32 $0.0e+00;
	s0 =	ssub.s32 s0, s8;
	s7 =	sshrl.u32 s7, $0x3;
	s31 =	sadd.s32 s5, s6  }
0xc: {  	v3 =	vimm.f32 $1.000000000e+00;
	v2 =	vmul.u32 $0x800, v0;
	[smem:$0x7FD] =	sst s2;
	s4 =	sshrl.u32 s4, $0x3;
	s7 =	sadd.s32 s7, s1;
	v4 =	vmov s31  }
0xd: {  	v5 =	vmul.u32 $0x400, v0;
	s4 =	sadd.s32 s1, s4;
	s6 =	smax.u32 s0, $0x1;
	s5 =	sadd.s32 $0x13A00, s7;
	vm0 =	veq.s32 v4, v0;
	v4 =	vor.u32 $0x80000000, v0  }
.LBB2_1:
0xe: {  	s0 =	simm.s32 $0x80;
	s1 =	simm.s32 $0x400  }
0xf: {  	[tilespmem:s3], [sflag:$0x1] =	stream.strided.gather [hbm4b:s4+s0], $0x4E80, s1, s0, $0x38;
	[tilespmem:$0x14F80] =	vst v63  }
0x10: {  	_ =	swait.ge [sflag:s9], $0x4E80  }
0x11: {  	[sflag:s9] =	ssyncset.done $0x0  }
0x12: {  	[sflag:s9] =	ssyncadd.s32 $0xFFFFB180  }
0x13: {  	s31 =	rddreg [dreg:$0x1]  }
0x14: {  	[tilespmem:s10], [sflag:$0x1] =	stream.linear.gather [hbm4b:s31+s3], $0x80, $0x38;
	[tilespmem:$0x14F80] =	vst v63  }
0x15: {  	_ =	swait.ge [sflag:s9], $0x80  }
0x16: {  	[sflag:s9] =	ssyncset.done $0x0  }
0x17: {  	[sflag:s9] =	ssyncadd.s32 $0xFFFFFF80  }
0x18: {  	s1 =	simm.s32 $0x4F40;
	v6 =	vld [tilespmem:$0x4E80]  }
0x19: {  	v7 =	vld [tilespmem:$0x4E90];
	[tilespmem:s1+$0xFFFFFFC0] =	vst v1  }
0x1a: {  	[tilespmem:s1+$0x30] =	vst v1  }
0x1b: {  	[tilespmem:s1+$0x20] =	vst v1  }
0x1c: {  	[tilespmem:s1+$0x10] =	vst v1  }
0x1d: {  	[tilespmem:s1+$0x0] =	vst v1  }
0x1e: {  	[tilespmem:s1+$0xFFFFFFF0] =	vst v1  }
0x1f: {  	s15 =	simm.s32 $0x0;
	[tilespmem:s1+$0xFFFFFFE0] =	vst v1  }
.LBB2_2:
0x20: {  	s15 =	sadd.s32 $0x8, s15;
	[tilespmem:s1+$0xFFFFFFD0] =	vst v1;
	s1 =	sadd.s32 $0x80, s1;
	s0 =	simm.s32 $0xCF40  }
0x21: {  	[tilespmem:s1+$0xFFFFFFC0] =	vst v1;
	p1 =	slt.u32 s15, $0x7F8  }
0x22: {  	[tilespmem:s1+$0x30] =	vst v1  }
.Ltmp0:
0x23: {  	[tilespmem:s1+$0x20] =	vst v1;
	(pc) =	sbr.rel @p1 .LBB2_2-.Ltmp0, $4  }
0x24: {  	[tilespmem:s1+$0x10] =	vst v1  }
0x25: {  	[tilespmem:s1+$0x0] =	vst v1  }
0x26: {  	[tilespmem:s1+$0xFFFFFFF0] =	vst v1  }
0x27: {  	[tilespmem:s1+$0xFFFFFFE0] =	vst v1  }
0x28: {  	[tilespmem:s1+$0xFFFFFFD0] =	vst v1  }
0x29: {  	[tilespmem:s0+$0xFFFFFFC0] =	vst v1  }
0x2a: {  	[tilespmem:s0+$0x30] =	vst v1  }
0x2b: {  	[tilespmem:s0+$0x20] =	vst v1  }
0x2c: {  	[tilespmem:s0+$0x10] =	vst v1  }
0x2d: {  	[tilespmem:s0+$0x0] =	vst v1  }
0x2e: {  	[tilespmem:s0+$0xFFFFFFF0] =	vst v1  }
0x2f: {  	s1 =	simm.s32 $0x0;
	s17 =	simm.s32 $0x50;
	[tilespmem:s0+$0xFFFFFFE0] =	vst v1  }
.LBB2_4:
0x30: {  	s1 =	sadd.s32 $0x8, s1;
	[tilespmem:s0+$0xFFFFFFD0] =	vst v1;
	s0 =	sadd.s32 $0x80, s0  }
0x31: {  	[tilespmem:s0+$0xFFFFFFC0] =	vst v1;
	p1 =	slt.u32 s1, $0x7F8  }
0x32: {  	[tilespmem:s0+$0x30] =	vst v1  }
.Ltmp1:
0x33: {  	[tilespmem:s0+$0x20] =	vst v1;
	(pc) =	sbr.rel @p1 .LBB2_4-.Ltmp1, $4  }
0x34: {  	[tilespmem:s0+$0x10] =	vst v1  }
0x35: {  	[tilespmem:s0+$0x0] =	vst v1  }
0x36: {  	[tilespmem:s0+$0xFFFFFFF0] =	vst v1  }
0x37: {  	s16 =	simm.s32 $0x0;
	[tilespmem:s0+$0xFFFFFFE0] =	vst v1  }
0x38: {  	[tilespmem:s0+$0xFFFFFFD0] =	vst v1  }
0x39: {  	v14 =	vld [tilespmem:s17+$0xFFFFFFC0]  }
0x3a: {  	v8 =	vld [tilespmem:s17+$0xFFFFFFB0]  }
0x3b: {  	v10 =	vld [tilespmem:s17+$0xFFFFFFE0]  }
0x3c: {  	s31 =	sand.u32 $0x7FE0, s16;
	v9 =	vld [tilespmem:s17+$0xFFFFFFD0]  }
0x3d: {  	v12 =	vld [tilespmem:s31+$0x80];
	_ =	sdelay $0x2  }
0x3e: {  	v11 =	vld [tilespmem:s17+$0x40];
	v13 =	vshrl.u32 v8, $0x14  }
0x3f: {  	v15 =	vshrl.u32 v9, $0x14;
	v16 =	vshrl.u32 v10, $0x14;
	v17 =	vshrl.u32 v14, $0x14  }
0x40: {  	v21 =	vshrl.u32 v12, $0x14;
	v18 =	vadd.s32 v2, v13;
	v20 =	vadd.s32 v2, v17  }
0x41: {  	v25 =	vand.u32 $0x7F, v13;
	v17 =	vand.u32 $0x7F, v17;
	v13 =	vand.u32 $0xFF80, v20  }
0x42: {  	v19 =	vadd.s32 v2, v15;
	v22 =	vadd.s32 v2, v21;
	v24 =	vor.u32 v17, v13  }
0x43: {  	v15 =	vand.u32 $0x7F, v15;
	v27 =	vand.u32 $0x7F, v21;
	v20 =	vld [tilespmem:s17+$0x10];
	v13 =	vshrl.u32 v11, $0x14  }
0x44: {  	v22 =	vand.u32 $0xFF80, v22;
	v17 =	vand.u32 $0xFF80, v19;
	v19 =	vld [tilespmem:s17+$0x0];
	v23 =	vadd.s32 v2, v13  }
0x45: {  	v21 =	vld [tilespmem:s17+$0x20];
	v22 =	vor.u32 v27, v22;
	v26 =	vand.u32 $0x7F, v13;
	v23 =	vand.u32 $0xFF80, v23  }
0x46: {  	v13 =	vor.u32 v15, v17;
	v17 =	vld [tilespmem:s17+$0xFFFFFFF0];
	v15 =	vor.u32 v26, v23;
	v26 =	vand.u32 $0xFF80, v18  }
0x47: {  	s18 =	simm.s32 $0x0;
	s19 =	simm.s32 $0xA0;
	s15 =	simm.s32 $0xC710;
	v23 =	vadd.s32 v2, v16;
	v18 =	vand.u32 $0x7F, v16;
	v16 =	vor.u32 v25, v26;
	[tilespmem:v24+s11+$0x0] =	vst.idx.add.f32.msk $0xffff, v3  }
.LBB2_6:
0x48: {  	s0 =	sand.u32 $0x7FE0, s19;
	s18 =	sadd.s32 $0xA, s18;
	[tilespmem:v24+s12+$0x0] =	vst.idx.add.f32.msk $0xffff, v14;
	v24 =	vshrl.u32 v20, $0x14;
	s17 =	sadd.s32 $0xA0, s17  }
0x49: {  	v25 =	vld [tilespmem:s17+$0x40];
	p1 =	slt.u32 s18, $0x4D8;
	v26 =	vshrl.u32 v19, $0x14;
	v27 =	vadd.s32 v2, v24  }
0x4a: {  	v24 =	vand.u32 $0x7F, v24;
	v14 =	vld [tilespmem:s17+$0xFFFFFFC0];
	v28 =	vand.u32 $0x7F, v26;
	v27 =	vand.u32 $0xFF80, v27  }
0x4b: {  	v30 =	vshrl.u32 v17, $0x14;
	v29 =	vld [tilespmem:s0+$0x80];
	v24 =	vor.u32 v24, v27;
	v27 =	vshrl.u32 v21, $0x14  }
0x4c: {  	v26 =	vadd.s32 v2, v26;
	v32 =	vadd.s32 v2, v30;
	v31 =	vld [tilespmem:s17+$0xFFFFFFB0];
	v33 =	vadd.s32 v2, v27  }
0x4d: {  	v23 =	vand.u32 $0xFF80, v23;
	v26 =	vand.u32 $0xFF80, v26;
	v34 =	vld [tilespmem:s17+$0xFFFFFFE0];
	v33 =	vand.u32 $0xFF80, v33  }
0x4e: {  	v23 =	vor.u32 v18, v23;
	v18 =	vand.u32 $0xFF80, v32;
	v26 =	vor.u32 v28, v26;
	[tilespmem:v16+s11+$0x0] =	vst.idx.add.f32.msk $0xffff, v3  }
0x4f: {  	v28 =	vand.u32 $0x7F, v30;
	[tilespmem:v22+s11+$0x0] =	vst.idx.add.f32.msk $0xffff, v3  }
0x50: {  	v18 =	vor.u32 v28, v18;
	[tilespmem:v24+s11+$0x0] =	vst.idx.add.f32.msk $0xffff, v3  }
0x51: {  	[tilespmem:v24+s12+$0x0] =	vst.idx.add.f32.msk $0xffff, v20;
	v20 =	vand.u32 $0x7F, v27  }
0x52: {  	v20 =	vor.u32 v20, v33;
	[tilespmem:v22+s12+$0x0] =	vst.idx.add.f32.msk $0xffff, v12;
	v12 =	vmov v29  }
0x53: {  	[tilespmem:v26+s11+$0x0] =	vst.idx.add.f32.msk $0xffff, v3  }
0x54: {  	[tilespmem:v26+s12+$0x0] =	vst.idx.add.f32.msk $0xffff, v19  }
0x55: {  	[tilespmem:v18+s11+$0x0] =	vst.idx.add.f32.msk $0xffff, v3  }
0x56: {  	v19 =	vld [tilespmem:s17+$0xFFFFFFD0]  }
0x57: {  	[tilespmem:v20+s11+$0x0] =	vst.idx.add.f32.msk $0xffff, v3  }
0x58: {  	[tilespmem:v20+s12+$0x0] =	vst.idx.add.f32.msk $0xffff, v21  }
0x59: {  	[tilespmem:v15+s11+$0x0] =	vst.idx.add.f32.msk $0xffff, v3  }
0x5a: {  	[tilespmem:v13+s11+$0x0] =	vst.idx.add.f32.msk $0xffff, v3  }
0x5b: {  	v22 =	vshrl.u32 v34, $0x14;
	v20 =	vshrl.u32 v31, $0x14;
	v21 =	vshrl.u32 v19, $0x14;
	[tilespmem:v18+s12+$0x0] =	vst.idx.add.f32.msk $0xffff, v17  }
0x5c: {  	v26 =	vadd.s32 v2, v20;
	v18 =	vand.u32 $0x7F, v22;
	v17 =	vadd.s32 v2, v21;
	[tilespmem:v23+s11+$0x0] =	vst.idx.add.f32.msk $0xffff, v3  }
0x5d: {  	v27 =	vand.u32 $0x7F, v20;
	v20 =	vshrl.u32 v14, $0x14;
	v17 =	vand.u32 $0xFF80, v17;
	[tilespmem:v15+s12+$0x0] =	vst.idx.add.f32.msk $0xffff, v11;
	v11 =	vmovc v25  }
0x5e: {  	v21 =	vand.u32 $0x7F, v21;
	v15 =	vadd.s32 v2, v20;
	[tilespmem:v23+s12+$0x0] =	vst.idx.add.f32.msk $0xffff, v10;
	v10 =	vmov v34  }
0x5f: {  	v20 =	vand.u32 $0x7F, v20;
	v15 =	vand.u32 $0xFF80, v15;
	[tilespmem:v16+s12+$0x0] =	vst.idx.add.f32.msk $0xffff, v8;
	v8 =	vmov v31  }
0x60: {  	v24 =	vor.u32 v20, v15;
	v15 =	vshrl.u32 v12, $0x14;
	v16 =	vshrl.u32 v11, $0x14;
	[tilespmem:v13+s12+$0x0] =	vst.idx.add.f32.msk $0xffff, v9;
	v9 =	vmovc v19  }
.Ltmp2:
0x61: {  	v13 =	vadd.s32 v2, v15;
	v23 =	vadd.s32 v2, v16;
	v20 =	vld [tilespmem:s17+$0x10];
	(pc) =	sbr.rel @p1 .LBB2_6-.Ltmp2, $4  }
0x62: {  	v16 =	vand.u32 $0x7F, v16;
	v25 =	vand.u32 $0xFF80, v13;
	v23 =	vand.u32 $0xFF80, v23;
	v19 =	vld [tilespmem:s17+$0x0]  }
0x63: {  	v28 =	vand.u32 $0x7F, v15;
	v13 =	vor.u32 v21, v17;
	v15 =	vor.u32 v16, v23;
	v17 =	vld [tilespmem:s17+$0xFFFFFFF0]  }
0x64: {  	v16 =	vand.u32 $0xFF80, v26;
	v23 =	vadd.s32 v2, v22;
	v22 =	vor.u32 v28, v25;
	v21 =	vld [tilespmem:s17+$0x20]  }
0x65: {  	s19 =	sadd.s32 $0xA0, s19;
	v16 =	vor.u32 v27, v16;
	[tilespmem:v24+s11+$0x0] =	vst.idx.add.f32.msk $0xffff, v3  }
0x66: {  	_ =	sdelay $0x3  }
0x67: {  	[tilespmem:v24+s12+$0x0] =	vst.idx.add.f32.msk $0xffff, v14  }
0x68: {  	[tilespmem:v16+s11+$0x0] =	vst.idx.add.f32.msk $0xffff, v3  }
0x69: {  	v25 =	vshrl.u32 v20, $0x14;
	[tilespmem:v22+s11+$0x0] =	vst.idx.add.f32.msk $0xffff, v3  }
0x6a: {  	v26 =	vadd.s32 v2, v25;
	[tilespmem:v22+s12+$0x0] =	vst.idx.add.f32.msk $0xffff, v12;
	v12 =	vand.u32 $0xFF80, v23  }
0x6b: {  	[tilespmem:v15+s11+$0x0] =	vst.idx.add.f32.msk $0xffff, v3;
	v25 =	vand.u32 $0x7F, v25;
	v26 =	vand.u32 $0xFF80, v26;
	v12 =	vor.u32 v18, v12  }
0x6c: {  	[tilespmem:v13+s11+$0x0] =	vst.idx.add.f32.msk $0xffff, v3;
	v27 =	vshrl.u32 v19, $0x14;
	v25 =	vor.u32 v25, v26  }
0x6d: {  	[tilespmem:v15+s12+$0x0] =	vst.idx.add.f32.msk $0xffff, v11;
	v59 =	vadd.s32 v2, v27  }
0x6e: {  	[tilespmem:v16+s12+$0x0] =	vst.idx.add.f32.msk $0xffff, v8;
	v14 =	vand.u32 $0x7F, v27;
	v60 =	vshrl.u32 v17, $0x14;
	v26 =	vand.u32 $0xFF80, v59  }
0x6f: {  	[tilespmem:v13+s12+$0x0] =	vst.idx.add.f32.msk $0xffff, v9;
	v61 =	vshrl.u32 v21, $0x14;
	v28 =	vadd.s32 v2, v60;
	v14 =	vor.u32 v14, v26  }
0x70: {  	v24 =	vand.u32 $0x7F, v60;
	v62 =	vadd.s32 v2, v61;
	v28 =	vand.u32 $0xFF80, v28;
	[tilespmem:v12+s11+$0x0] =	vst.idx.add.f32.msk $0xffff, v3  }
0x71: {  	v27 =	vand.u32 $0x7F, v61;
	v26 =	vand.u32 $0xFF80, v62;
	v24 =	vor.u32 v24, v28;
	[tilespmem:v25+s11+$0x0] =	vst.idx.add.f32.msk $0xffff, v3  }
0x72: {  	v63 =	vor.u32 v27, v26;
	[tilespmem:v12+s12+$0x0] =	vst.idx.add.f32.msk $0xffff, v10  }
0x73: {  	[tilespmem:v25+s12+$0x0] =	vst.idx.add.f32.msk $0xffff, v20  }
0x74: {  	[tilespmem:v14+s11+$0x0] =	vst.idx.add.f32.msk $0xffff, v3  }
0x75: {  	[tilespmem:v14+s12+$0x0] =	vst.idx.add.f32.msk $0xffff, v19  }
0x76: {  	[tilespmem:v24+s11+$0x0] =	vst.idx.add.f32.msk $0xffff, v3  }
0x77: {  	[tilespmem:v63+s11+$0x0] =	vst.idx.add.f32.msk $0xffff, v3  }
0x78: {  	[tilespmem:v24+s12+$0x0] =	vst.idx.add.f32.msk $0xffff, v17  }
0x79: {  	[tilespmem:v63+s12+$0x0] =	vst.idx.add.f32.msk $0xffff, v21  }
0x7a: {  	s0 =	sand.u32 $0x7E0, s16;
	v8 =	vld [tilespmem:s15+$0xFFFF87F0]  }
0x7b: {  	v9 =	vld [tilespmem:s0+$0x5700]  }
0x7c: {  	v10 =	vld [tilespmem:s15+$0xFFFF8800]  }
0x7d: {  	v11 =	vld [tilespmem:s0+$0x5F00]  }
0x7e: {  	v12 =	vld [tilespmem:s15+$0xFFFF9000]  }
0x7f: {  	v13 =	vld [tilespmem:s0+$0x6700]  }
0x80: {  	v14 =	vld [tilespmem:s15+$0xFFFF9800];
	v8 =	vadd.f32 v9, v8  }
0x81: {  	v9 =	vld [tilespmem:s0+$0x6F00]  }
0x82: {  	v15 =	vld [tilespmem:s15+$0xFFFFA000];
	v8 =	vadd.f32 v11, v8  }
0x83: {  	v10 =	vadd.f32 v12, v10;
	v11 =	vld [tilespmem:s0+$0x7700]  }
0x84: {  	v12 =	vld [tilespmem:s15+$0xFFFFA800];
	v8 =	vadd.f32 v13, v8  }
0x85: {  	v10 =	vadd.f32 v14, v10;
	v13 =	vld [tilespmem:s0+$0x7F00]  }
0x86: {  	v14 =	vld [tilespmem:s15+$0xFFFFB000];
	v8 =	vadd.f32 v9, v8  }
0x87: {  	v10 =	vadd.f32 v15, v10;
	v9 =	vld [tilespmem:s0+$0x8700]  }
0x88: {  	v15 =	vld [tilespmem:s15+$0xFFFFB800];
	v8 =	vadd.f32 v11, v8  }
0x89: {  	v10 =	vadd.f32 v12, v10;
	v11 =	vld [tilespmem:s0+$0x8F00]  }
0x8a: {  	v12 =	vld [tilespmem:s15+$0xFFFFC000];
	v8 =	vadd.f32 v13, v8  }
0x8b: {  	v10 =	vadd.f32 v14, v10;
	v13 =	vld [tilespmem:s0+$0x9700]  }
0x8c: {  	v14 =	vld [tilespmem:s15+$0xFFFFC800];
	v8 =	vadd.f32 v9, v8  }
0x8d: {  	v10 =	vadd.f32 v15, v10;
	v9 =	vld [tilespmem:s0+$0x9F00]  }
0x8e: {  	v15 =	vld [tilespmem:s15+$0xFFFFD000];
	v8 =	vadd.f32 v11, v8  }
0x8f: {  	v10 =	vadd.f32 v12, v10;
	v11 =	vld [tilespmem:s0+$0xA700]  }
0x90: {  	v12 =	vld [tilespmem:s15+$0xFFFFD800];
	v8 =	vadd.f32 v13, v8  }
0x91: {  	v10 =	vadd.f32 v14, v10;
	v13 =	vld [tilespmem:s0+$0xAF00]  }
0x92: {  	v14 =	vld [tilespmem:s15+$0xFFFFE000];
	v8 =	vadd.f32 v9, v8  }
0x93: {  	v16 =	vld [tilespmem:s0+$0xB700];
	v9 =	vadd.f32 v15, v10  }
0x94: {  	v15 =	vld [tilespmem:s15+$0xFFFFE800];
	v11 =	vadd.f32 v11, v8  }
0x95: {  	v8 =	vld [tilespmem:s0+$0xBF00];
	v12 =	vadd.f32 v12, v9  }
0x96: {  	v10 =	vld [tilespmem:s15+$0xFFFFF000];
	v11 =	vadd.f32 v13, v11  }
0x97: {  	v9 =	vld [tilespmem:s0+$0xC700];
	v14 =	vadd.f32 v14, v12  }
0x98: {  	v12 =	vld [tilespmem:s15+$0xFFFFF800];
	v13 =	vadd.f32 v16, v11  }
0x99: {  	s17 =	simm.s32 $0x0;
	s18 =	simm.s32 $0x20;
	s19 =	simm.s32 $0xC730;
	v14 =	vadd.f32 v15, v14;
	v11 =	vld [tilespmem:s15+$0x0]  }
.LBB2_8:
0x9a: {  	v15 =	vld [tilespmem:s19+$0xFFFF87F0];
	s1 =	sand.u32 $0x7E0, s18;
	s17 =	sadd.s32 $0x2, s17;
	v8 =	vadd.f32 v8, v13  }
0x9b: {  	v13 =	vld [tilespmem:s1+$0x5700];
	p1 =	slt.u32 s17, $0x7E;
	v10 =	vadd.f32 v10, v14  }
0x9c: {  	v14 =	vld [tilespmem:s19+$0xFFFF8800];
	v8 =	vadd.f32 v9, v8  }
0x9d: {  	v9 =	vld [tilespmem:s1+$0x5F00];
	v10 =	vadd.f32 v12, v10  }
0x9e: {  	s16 =	simm.s32 $0x14710;
	v12 =	vld [tilespmem:s19+$0xFFFF9000];
	[tilespmem:s15+$0xFFFF87F0] =	vst v8  }
0x9f: {  	v8 =	vld [tilespmem:s1+$0x6700];
	v10 =	vadd.f32 v11, v10  }
0xa0: {  	v11 =	vadd.f32 v13, v15;
	v13 =	vld [tilespmem:s19+$0xFFFF9800]  }
0xa1: {  	v15 =	vld [tilespmem:s1+$0x6F00];
	[tilespmem:s15+$0xFFFF8800] =	vst v10;
	s15 =	smov.u32 s19  }
0xa2: {  	v9 =	vadd.f32 v9, v11;
	v10 =	vld [tilespmem:s19+$0xFFFFA000]  }
0xa3: {  	v11 =	vld [tilespmem:s1+$0x7700];
	v12 =	vadd.f32 v12, v14  }
0xa4: {  	v8 =	vadd.f32 v8, v9;
	v9 =	vld [tilespmem:s19+$0xFFFFA800]  }
0xa5: {  	v14 =	vld [tilespmem:s1+$0x7F00];
	v12 =	vadd.f32 v13, v12  }
0xa6: {  	v8 =	vadd.f32 v15, v8;
	v13 =	vld [tilespmem:s19+$0xFFFFB000]  }
0xa7: {  	v15 =	vld [tilespmem:s1+$0x8700];
	v10 =	vadd.f32 v10, v12  }
0xa8: {  	v8 =	vadd.f32 v11, v8;
	v11 =	vld [tilespmem:s19+$0xFFFFB800]  }
0xa9: {  	v12 =	vld [tilespmem:s1+$0x8F00];
	v9 =	vadd.f32 v9, v10  }
0xaa: {  	v8 =	vadd.f32 v14, v8;
	v10 =	vld [tilespmem:s19+$0xFFFFC000]  }
0xab: {  	v14 =	vld [tilespmem:s1+$0x9700];
	v9 =	vadd.f32 v13, v9  }
0xac: {  	v8 =	vadd.f32 v15, v8;
	v13 =	vld [tilespmem:s19+$0xFFFFC800]  }
0xad: {  	v15 =	vld [tilespmem:s1+$0x9F00];
	v9 =	vadd.f32 v11, v9  }
0xae: {  	v8 =	vadd.f32 v12, v8;
	v11 =	vld [tilespmem:s19+$0xFFFFD000]  }
0xaf: {  	v12 =	vld [tilespmem:s1+$0xA700];
	v9 =	vadd.f32 v10, v9  }
0xb0: {  	v8 =	vadd.f32 v14, v8;
	v10 =	vld [tilespmem:s19+$0xFFFFD800]  }
0xb1: {  	v14 =	vld [tilespmem:s1+$0xAF00];
	v9 =	vadd.f32 v13, v9  }
0xb2: {  	v8 =	vadd.f32 v15, v8;
	v13 =	vld [tilespmem:s19+$0xFFFFE000]  }
0xb3: {  	v15 =	vld [tilespmem:s1+$0xB700];
	v9 =	vadd.f32 v11, v9  }
0xb4: {  	v11 =	vadd.f32 v12, v8;
	v16 =	vld [tilespmem:s19+$0xFFFFE800]  }
.Ltmp3:
0xb5: {  	v8 =	vld [tilespmem:s1+$0xBF00];
	v12 =	vadd.f32 v10, v9;
	(pc) =	sbr.rel @p1 .LBB2_8-.Ltmp3, $4  }
0xb6: {  	v11 =	vadd.f32 v14, v11;
	v10 =	vld [tilespmem:s19+$0xFFFFF000]  }
0xb7: {  	v9 =	vld [tilespmem:s1+$0xC700];
	v14 =	vadd.f32 v13, v12  }
0xb8: {  	v13 =	vadd.f32 v15, v11;
	v12 =	vld [tilespmem:s19+$0xFFFFF800]  }
0xb9: {  	s18 =	sadd.s32 $0x20, s18;
	s19 =	sadd.s32 $0x20, s19;
	v14 =	vadd.f32 v16, v14;
	v11 =	vld [tilespmem:s15+$0x0]  }
0xba: {  	_ = 	snop  }
0xbb: {  	v10 =	vadd.f32 v10, v14  }
0xbc: {  	v8 =	vadd.f32 v8, v13  }
0xbd: {  	v10 =	vadd.f32 v12, v10  }
0xbe: {  	v8 =	vadd.f32 v9, v8  }
0xbf: {  	v9 =	vadd.f32 v11, v10  }
0xc0: {  	[tilespmem:s15+$0xFFFF87F0] =	vst v8  }
0xc1: {  	s0 =	simm.s32 $0x0;
	[tilespmem:s15+$0xFFFF8800] =	vst v9  }
0xc2: {  	s0 =	sand.u32 $0x7E0, s0;
	v8 =	vld [tilespmem:s16+$0xFFFF87F0]  }
0xc3: {  	v9 =	vld [tilespmem:s0+$0xD700]  }
0xc4: {  	v10 =	vld [tilespmem:s16+$0xFFFF8800]  }
0xc5: {  	v11 =	vld [tilespmem:s0+$0xDF00]  }
0xc6: {  	v12 =	vld [tilespmem:s16+$0xFFFF9000]  }
0xc7: {  	v13 =	vld [tilespmem:s0+$0xE700]  }
0xc8: {  	v14 =	vld [tilespmem:s16+$0xFFFF9800];
	v8 =	vadd.f32 v9, v8  }
0xc9: {  	v9 =	vld [tilespmem:s0+$0xEF00]  }
0xca: {  	v15 =	vld [tilespmem:s16+$0xFFFFA000];
	v8 =	vadd.f32 v11, v8  }
0xcb: {  	v10 =	vadd.f32 v12, v10;
	v11 =	vld [tilespmem:s0+$0xF700]  }
0xcc: {  	v12 =	vld [tilespmem:s16+$0xFFFFA800];
	v8 =	vadd.f32 v13, v8  }
0xcd: {  	v10 =	vadd.f32 v14, v10;
	v13 =	vld [tilespmem:s0+$0xFF00]  }
0xce: {  	v14 =	vld [tilespmem:s16+$0xFFFFB000];
	v8 =	vadd.f32 v9, v8  }
0xcf: {  	v10 =	vadd.f32 v15, v10;
	v9 =	vld [tilespmem:s0+$0x10700]  }
0xd0: {  	v15 =	vld [tilespmem:s16+$0xFFFFB800];
	v8 =	vadd.f32 v11, v8  }
0xd1: {  	v10 =	vadd.f32 v12, v10;
	v11 =	vld [tilespmem:s0+$0x10F00]  }
0xd2: {  	v12 =	vld [tilespmem:s16+$0xFFFFC000];
	v8 =	vadd.f32 v13, v8  }
0xd3: {  	v10 =	vadd.f32 v14, v10;
	v13 =	vld [tilespmem:s0+$0x11700]  }
0xd4: {  	v14 =	vld [tilespmem:s16+$0xFFFFC800];
	v8 =	vadd.f32 v9, v8  }
0xd5: {  	v10 =	vadd.f32 v15, v10;
	v9 =	vld [tilespmem:s0+$0x11F00]  }
0xd6: {  	v15 =	vld [tilespmem:s16+$0xFFFFD000];
	v8 =	vadd.f32 v11, v8  }
0xd7: {  	v10 =	vadd.f32 v12, v10;
	v11 =	vld [tilespmem:s0+$0x12700]  }
0xd8: {  	v12 =	vld [tilespmem:s16+$0xFFFFD800];
	v8 =	vadd.f32 v13, v8  }
0xd9: {  	v10 =	vadd.f32 v14, v10;
	v13 =	vld [tilespmem:s0+$0x12F00]  }
0xda: {  	v14 =	vld [tilespmem:s16+$0xFFFFE000];
	v8 =	vadd.f32 v9, v8  }
0xdb: {  	v16 =	vld [tilespmem:s0+$0x13700];
	v9 =	vadd.f32 v15, v10  }
0xdc: {  	v15 =	vld [tilespmem:s16+$0xFFFFE800];
	v11 =	vadd.f32 v11, v8  }
0xdd: {  	v8 =	vld [tilespmem:s0+$0x13F00];
	v12 =	vadd.f32 v12, v9  }
0xde: {  	v10 =	vld [tilespmem:s16+$0xFFFFF000];
	v11 =	vadd.f32 v13, v11  }
0xdf: {  	v9 =	vld [tilespmem:s0+$0x14700];
	v14 =	vadd.f32 v14, v12  }
0xe0: {  	v12 =	vld [tilespmem:s16+$0xFFFFF800];
	v13 =	vadd.f32 v16, v11  }
0xe1: {  	s17 =	simm.s32 $0x20;
	s18 =	simm.s32 $0x14730;
	s15 =	simm.s32 $0x0;
	v14 =	vadd.f32 v15, v14;
	v11 =	vld [tilespmem:s16+$0x0]  }
.LBB2_10:
0xe2: {  	v15 =	vld [tilespmem:s18+$0xFFFF87F0];
	s0 =	sand.u32 $0x7E0, s17;
	s15 =	sadd.s32 $0x2, s15;
	v8 =	vadd.f32 v8, v13  }
0xe3: {  	v13 =	vld [tilespmem:s0+$0xD700];
	p1 =	slt.u32 s15, $0x7E;
	v10 =	vadd.f32 v10, v14  }
0xe4: {  	v14 =	vld [tilespmem:s18+$0xFFFF8800];
	v8 =	vadd.f32 v9, v8  }
0xe5: {  	v9 =	vld [tilespmem:s0+$0xDF00];
	v10 =	vadd.f32 v12, v10  }
0xe6: {  	v12 =	vld [tilespmem:s18+$0xFFFF9000];
	[tilespmem:s16+$0xFFFF87F0] =	vst v8  }
0xe7: {  	v8 =	vld [tilespmem:s0+$0xE700];
	v10 =	vadd.f32 v11, v10  }
0xe8: {  	v11 =	vadd.f32 v13, v15;
	v13 =	vld [tilespmem:s18+$0xFFFF9800]  }
0xe9: {  	v15 =	vld [tilespmem:s0+$0xEF00];
	[tilespmem:s16+$0xFFFF8800] =	vst v10;
	s16 =	smov.u32 s18  }
0xea: {  	v9 =	vadd.f32 v9, v11;
	v10 =	vld [tilespmem:s18+$0xFFFFA000]  }
0xeb: {  	v11 =	vld [tilespmem:s0+$0xF700];
	v12 =	vadd.f32 v12, v14  }
0xec: {  	v8 =	vadd.f32 v8, v9;
	v9 =	vld [tilespmem:s18+$0xFFFFA800]  }
0xed: {  	v14 =	vld [tilespmem:s0+$0xFF00];
	v12 =	vadd.f32 v13, v12  }
0xee: {  	v8 =	vadd.f32 v15, v8;
	v13 =	vld [tilespmem:s18+$0xFFFFB000]  }
0xef: {  	v15 =	vld [tilespmem:s0+$0x10700];
	v10 =	vadd.f32 v10, v12  }
0xf0: {  	v8 =	vadd.f32 v11, v8;
	v11 =	vld [tilespmem:s18+$0xFFFFB800]  }
0xf1: {  	v12 =	vld [tilespmem:s0+$0x10F00];
	v9 =	vadd.f32 v9, v10  }
0xf2: {  	v8 =	vadd.f32 v14, v8;
	v10 =	vld [tilespmem:s18+$0xFFFFC000]  }
0xf3: {  	v14 =	vld [tilespmem:s0+$0x11700];
	v9 =	vadd.f32 v13, v9  }
0xf4: {  	v8 =	vadd.f32 v15, v8;
	v13 =	vld [tilespmem:s18+$0xFFFFC800]  }
0xf5: {  	v15 =	vld [tilespmem:s0+$0x11F00];
	v9 =	vadd.f32 v11, v9  }
0xf6: {  	v8 =	vadd.f32 v12, v8;
	v11 =	vld [tilespmem:s18+$0xFFFFD000]  }
0xf7: {  	v12 =	vld [tilespmem:s0+$0x12700];
	v9 =	vadd.f32 v10, v9  }
0xf8: {  	v8 =	vadd.f32 v14, v8;
	v10 =	vld [tilespmem:s18+$0xFFFFD800]  }
0xf9: {  	v14 =	vld [tilespmem:s0+$0x12F00];
	v9 =	vadd.f32 v13, v9  }
0xfa: {  	v8 =	vadd.f32 v15, v8;
	v13 =	vld [tilespmem:s18+$0xFFFFE000]  }
0xfb: {  	v15 =	vld [tilespmem:s0+$0x13700];
	v9 =	vadd.f32 v11, v9  }
0xfc: {  	v11 =	vadd.f32 v12, v8;
	v16 =	vld [tilespmem:s18+$0xFFFFE800]  }
.Ltmp4:
0xfd: {  	v8 =	vld [tilespmem:s0+$0x13F00];
	v12 =	vadd.f32 v10, v9;
	(pc) =	sbr.rel @p1 .LBB2_10-.Ltmp4, $4  }
0xfe: {  	v11 =	vadd.f32 v14, v11;
	v10 =	vld [tilespmem:s18+$0xFFFFF000]  }
0xff: {  	v9 =	vld [tilespmem:s0+$0x14700];
	v14 =	vadd.f32 v13, v12  }
0x100: {  	v13 =	vadd.f32 v15, v11;
	v12 =	vld [tilespmem:s18+$0xFFFFF800]  }
0x101: {  	s17 =	sadd.s32 $0x20, s17;
	s18 =	sadd.s32 $0x20, s18;
	v14 =	vadd.f32 v16, v14;
	v11 =	vld [tilespmem:s16+$0x0]  }
0x102: {  	_ = 	snop  }
0x103: {  	v10 =	vadd.f32 v10, v14  }
0x104: {  	v8 =	vadd.f32 v8, v13  }
0x105: {  	v10 =	vadd.f32 v12, v10  }
0x106: {  	v8 =	vadd.f32 v9, v8  }
0x107: {  	v9 =	vadd.f32 v11, v10  }
0x108: {  	[tilespmem:s16+$0xFFFF87F0] =	vst v8  }
0x109: {  	[tilespmem:s16+$0xFFFF8800] =	vst v9  }
0x10a: {  	s1 =	sld [smem:$0x7FD];
	_ =	sdelay $0x2  }
0x10b: {  	s0 =	simm.s32 $0x56F0;
	p0 =	seq.s32 s1, $0x1  }
0x10c: {  	v6 =	vpsel p0, v6, v7;
	v7 =	vld [tilespmem:s0+$0x0]  }
0x10d: {  	v6 =	vcvt.s32.f32 v6;
	_ =	sdelay $0x1  }
0x10e: {  	v6 =	vnsel vm0, $0x0, v6  }
0x10f: {  	(xrf2) =	vadd.scan.msk.f32 $0xffff, v6  }
0x110: {  	s22 =	simm.s32 $0x56E0;
	(xrf2) =	vadd.scan.msk.f32 $0xffff, v7  }
0x111: {  	v6 =	vld [tilespmem:s22+$0x0];
	_ =	sdelay $0x4  }
0x112: {  	(xrf2) =	vadd.scan.msk.f32 $0xffff, v6;
	_ =	sdelay $0x2  }
0x113: {  	v8, _, _ =	vpop (xrf2)  }
0x114: {  	s23 =	simm.s32 $0xD6F0;
	(v2sf) =	vpush v8, $0xF;
	v6, _, _ =	vpop (xrf2)  }
0x115: {  	(v2sf) =	vpush v6, $0xF;
	v6 =	vld [tilespmem:s23+$0x0];
	_ =	sdelay $0x1  }
0x116: {  	s24 =	simm.s32 $0x56D0  }
0x117: {  	s25 =	simm.s32 $0xD6E0;
	v7 =	vld [tilespmem:s24+$0x0]  }
0x118: {  	s26 =	simm.s32 $0x56C0;
	v9 =	vld [tilespmem:s25+$0x0]  }
0x119: {  	v11 =	vld [tilespmem:s26+$0x0];
	v10, _, _ =	vpop (xrf2);
	(xrf2) =	vadd.scan.msk.f32 $0xffff, v6  }
0x11a: {  	(v2sf) =	vpush v10, $0xF;
	_ =	sdelay $0x1  }
0x11b: {  	(xrf2) =	vadd.scan.msk.f32 $0xffff, v7  }
0x11c: {  	(xrf2) =	vadd.scan.msk.f32 $0xffff, v9  }
0x11d: {  	(xrf2) =	vadd.scan.msk.f32 $0xffff, v11;
	_ =	sdelay $0x4  }
0x11e: {  	s30 =	simm.s32 $0xD6D0;
	v9, _, _ =	vpop (xrf2)  }
0x11f: {  	v6 =	vld [tilespmem:s30+$0x0];
	s15 =	spop (v2sf);
	(v2sf) =	vpush v9, $0xF;
	_ =	sdelay $0x1  }
0x120: {  	v9, _, _ =	vpop (xrf2)  }
0x121: {  	s20 =	simm.f32 $0.0e+00;
	s31 =	simm.s32 $0x56B0;
	s29 =	spop (v2sf);
	(v2sf) =	vpush v9, $0xF;
	v9, _, _ =	vpop (xrf2)  }
0x122: {  	s19 =	simm.s32 $0x0;
	v7 =	vld [tilespmem:s31+$0x0];
	s18 =	sadd.f32 s29, s20;
	(v2sf) =	vpush v9, $0xF;
	v9, _, _ =	vpop (xrf2)  }
0x123: {  	p1 =	por $0x0, $0x0;
	s21 =	simm.s32 $0x7B;
	(xrf2) =	vadd.scan.msk.f32 $0xffff, v6;
	s24 =	spop (v2sf);
	(v2sf) =	vpush v9, $0xF  }
0x124: {  	s17 =	simm.f32 $0.0e+00;
	s28 =	simm.s32 $0x79;
	p2 =	sge.f32 s18, s15  }
0x125: {  	p3 =	por !p1, !p1;
	s16 =	simm.f32 $0.0e+00;
	s0 =	simm.s32 $0xD6C0  }
0x126: {  	s25 =	simm.s32 $0x7E;
	s26 =	simm.s32 $0x7D;
	v6 =	vld [tilespmem:s0+$0x0];
	p3 =	por !p2, !p3  }
0x127: {  	s1 =	simm.s32 $0x7F;
	s22 =	simm.s32 $0x7A;
	(xrf2) =	vadd.scan.msk.f32 $0xffff, v7;
	p3 =	por !p3, !p3  }
0x128: {  	s23 =	simm.s32 $0x7C;
	s19 =	smov.u32 @p3 s1;
	s1 =	simm.s32 $0x56A0  }
0x129: {  	s24 =	sadd.f32 s24, s18;
	s16 =	smov.u32 @p3 s16;
	s17 =	smov.u32 @p3 s17;
	v7 =	vld [tilespmem:s1+$0x0]  }
.LBB2_12:
0x12a: {  	p3 =	sne.s32 s28, $0x0;
	s29 =	smov.u32 s23;
	s23 =	smov.u32 s21  }
0x12b: {  	(xrf2) =	vadd.scan.msk.f32 $0xffff, v6;
	s21 =	smov.u32 s22;
	s22 =	smov.u32 s28;
	s30 =	smov.u32 s18  }
0x12c: {  	p1 =	por p1, p2;
	p2 =	sge.f32 s24, s15;
	s18 =	smov.u32 s24  }
0x12d: {  	s0 =	sadd.s32 $0xFFFFFFF0, s0;
	p4 =	por !p1, !p1;
	v9, _, _ =	vpop (xrf2);
	s31 =	spop (v2sf)  }
.Ltmp5:
0x12e: {  	v6 =	vld [tilespmem:s0+$0x0];
	(v2sf) =	vpush v9, $0xF;
	p4 =	por !p2, !p4;
	s20 =	sadd.f32 s31, s20;
	(pc) =	sbr.rel @p3 .LBB2_12-.Ltmp5, $4  }
0x12f: {  	(xrf2) =	vadd.scan.msk.f32 $0xffff, v7;
	p4 =	por !p4, !p4  }
0x130: {  	s19 =	smov.u32 @p4 s25;
	s16 =	smov.u32 @p4 s20;
	s25 =	smov.u32 s26  }
0x131: {  	s1 =	sadd.s32 $0xFFFFFFF0, s1;
	s17 =	smov.u32 @p4 s30;
	v9, _, _ =	vpop (xrf2);
	s26 =	spop (v2sf)  }
0x132: {  	s28 =	sadd.s32 $0xFFFFFFFF, s28;
	v7 =	vld [tilespmem:s1+$0x0];
	(v2sf) =	vpush v9, $0xF;
	s24 =	sadd.f32 s26, s24;
	s26 =	smov.u32 s29  }
0x133: {  	_ =	sdelay $0x2  }
0x134: {  	(xrf2) =	vadd.scan.msk.f32 $0xffff, v6  }
0x135: {  	(xrf2) =	vadd.scan.msk.f32 $0xffff, v7;
	_ =	sdelay $0x6  }
0x136: {  	v6, _, _ =	vpop (xrf2)  }
0x137: {  	(v2sf) =	vpush v6, $0xF;
	v6, _, _ =	vpop (xrf2)  }
0x138: {  	(v2sf) =	vpush v6, $0xF;
	v6, _, _ =	vpop (xrf2)  }
0x139: {  	(v2sf) =	vpush v6, $0xF;
	v6, _, _ =	vpop (xrf2)  }
0x13a: {  	(v2sf) =	vpush v6, $0xF;
	_ =	sdelay $0x2  }
0x13b: {  	s0 =	sadd.s32 $0xFFFFFFF0, s0  }
0x13c: {  	v7 =	vld [tilespmem:s0+$0x0];
	_ =	sdelay $0x1  }
0x13d: {  	s0 =	sadd.s32 $0xFFFFFFF0, s0  }
0x13e: {  	v6 =	vld [tilespmem:s0+$0x0]  }
0x13f: {  	s0 =	spop (v2sf)  }
0x140: {  	(xrf2) =	vadd.scan.msk.f32 $0xffff, v7;
	s1 =	spop (v2sf)  }
0x141: {  	s28 =	spop (v2sf);
	s1 =	sadd.f32 s1, s24  }
0x142: {  	p4 =	sge.f32 s24, s15;
	s29 =	spop (v2sf)  }
0x143: {  	p2 =	por p1, p2;
	s29 =	sadd.f32 s29, s1;
	s30 =	spop (v2sf);
	(xrf2) =	vadd.scan.msk.f32 $0xffff, v6  }
0x144: {  	p1 =	por !p2, !p2;
	s31 =	spop (v2sf)  }
0x145: {  	p1 =	por !p4, !p1;
	s31 =	sadd.f32 s31, s29;
	s2 =	spop (v2sf)  }
0x146: {  	p6 =	por !p1, !p1;
	s8 =	spop (v2sf)  }
0x147: {  	s19 =	smov.u32 @p6 s25;
	s25 =	sadd.f32 s8, s31;
	_ =	sdelay $0x1  }
0x148: {  	p4 =	por p2, p4;
	p3 =	sge.f32 s1, s15;
	p0 =	sge.f32 s25, s15  }
0x149: {  	p2 =	por !p4, !p4;
	v6, _, _ =	vpop (xrf2)  }
0x14a: {  	(v2sf) =	vpush v6, $0xF;
	p2 =	por !p3, !p2;
	s7 =	simm.s32 @!p0 $0x0  }
0x14b: {  	p5 =	sge.f32 s29, s15;
	p3 =	por p4, p3;
	s7 =	simm.s32 @p0 $0x1  }
0x14c: {  	p1 =	por !p3, !p3;
	v6, _, _ =	vpop (xrf2);
	[smem:$0x7FC] =	sst s7  }
0x14d: {  	p3 =	por p3, p5;
	p4 =	sge.f32 s31, s15;
	(v2sf) =	vpush v6, $0xF;
	s7 =	sld [smem:$0x7FC]  }
0x14e: {  	p2 =	por !p2, !p2;
	p1 =	por !p5, !p1;
	p5 =	por !p3, !p3  }
0x14f: {  	s19 =	smov.u32 @p2 s26;
	p0 =	por p3, p4;
	p4 =	por !p4, !p5  }
0x150: {  	p3 =	por !p1, !p1;
	p0 =	por !p0, !p0;
	p5 =	seq.s32 s7, $0x1  }
0x151: {  	s19 =	smov.u32 @p3 s23;
	p0 =	por !p5, !p0;
	p5 =	por !p4, !p4  }
0x152: {  	s20 =	sadd.f32 s0, s20;
	s19 =	smov.u32 @p5 s21;
	p4 =	por !p0, !p0  }
0x153: {  	s19 =	smov.u32 @p4 s22  }
0x154: {  	s21 =	sadd.f32 s28, s20;
	s19 =	sshll.u32 s19, $0x4  }
0x155: {  	s0 =	simm.s32 $0x4F40;
	v9 =	vld [tilespmem:s19+$0x4F00]  }
0x156: {  	s22 =	sadd.f32 s30, s21;
	v6 =	vld [tilespmem:s19+$0xCF00];
	[tilespmem:s0+$0xFFFFFFC0] =	vst v1  }
0x157: {  	[tilespmem:s0+$0x30] =	vst v1  }
0x158: {  	s17 =	smov.u32 @p6 s18;
	s16 =	smov.u32 @p6 s20;
	[tilespmem:s0+$0x20] =	vst v1;
	s2 =	sadd.f32 s2, s22  }
0x159: {  	s17 =	smov.u32 @p2 s24;
	s16 =	smov.u32 @p2 s21;
	s30 =	spop (v2sf);
	[tilespmem:s0+$0x10] =	vst v1  }
0x15a: {  	s17 =	smov.u32 @p3 s1;
	[tilespmem:s0+$0x0] =	vst v1;
	s16 =	smov.u32 @p3 s22;
	s18 =	sadd.f32 s30, s2  }
0x15b: {  	s1 =	simm.s32 $0x0;
	s17 =	smov.u32 @p5 s29;
	[tilespmem:s0+$0xFFFFFFF0] =	vst v1;
	s16 =	smov.u32 @p5 s2  }
0x15c: {  	s17 =	smov.u32 @p4 s31;
	s31 =	spop (v2sf);
	[tilespmem:s0+$0xFFFFFFE0] =	vst v1;
	s16 =	smov.u32 @p4 s18  }
.LBB2_14:
0x15d: {  	s1 =	sadd.s32 $0x8, s1;
	[tilespmem:s0+$0xFFFFFFD0] =	vst v1;
	s0 =	sadd.s32 $0x80, s0  }
0x15e: {  	[tilespmem:s0+$0xFFFFFFC0] =	vst v1;
	p0 =	slt.u32 s1, $0x3F8  }
0x15f: {  	[tilespmem:s0+$0x30] =	vst v1  }
.Ltmp6:
0x160: {  	[tilespmem:s0+$0x20] =	vst v1;
	(pc) =	sbr.rel @p0 .LBB2_14-.Ltmp6, $4  }
0x161: {  	[tilespmem:s0+$0x10] =	vst v1  }
0x162: {  	[tilespmem:s0+$0x0] =	vst v1  }
0x163: {  	[tilespmem:s0+$0xFFFFFFF0] =	vst v1  }
0x164: {  	[tilespmem:s0+$0xFFFFFFE0] =	vst v1  }
0x165: {  	[tilespmem:s0+$0xFFFFFFD0] =	vst v1;
	s0 =	simm.s32 $0xCF40  }
0x166: {  	[tilespmem:s0+$0xFFFFFFC0] =	vst v1  }
0x167: {  	[tilespmem:s0+$0x30] =	vst v1  }
0x168: {  	[tilespmem:s0+$0x20] =	vst v1  }
0x169: {  	[tilespmem:s0+$0x10] =	vst v1  }
0x16a: {  	[tilespmem:s0+$0x0] =	vst v1  }
0x16b: {  	[tilespmem:s0+$0xFFFFFFF0] =	vst v1  }
0x16c: {  	s1 =	simm.s32 $0x0;
	[tilespmem:s0+$0xFFFFFFE0] =	vst v1  }
.LBB2_16:
0x16d: {  	s1 =	sadd.s32 $0x8, s1;
	[tilespmem:s0+$0xFFFFFFD0] =	vst v1;
	s0 =	sadd.s32 $0x80, s0  }
0x16e: {  	[tilespmem:s0+$0xFFFFFFC0] =	vst v1;
	p0 =	slt.u32 s1, $0x3F8  }
0x16f: {  	[tilespmem:s0+$0x30] =	vst v1  }
.Ltmp7:
0x170: {  	[tilespmem:s0+$0x20] =	vst v1;
	(pc) =	sbr.rel @p0 .LBB2_16-.Ltmp7, $4  }
0x171: {  	[tilespmem:s0+$0x10] =	vst v1  }
0x172: {  	[tilespmem:s0+$0x0] =	vst v1  }
0x173: {  	[tilespmem:s0+$0xFFFFFFF0] =	vst v1  }
0x174: {  	[tilespmem:s0+$0xFFFFFFE0] =	vst v1  }
0x175: {  	(xrf2) =	vadd.scan.msk.f32 $0xffff, v9;
	_ =	sdelay $0x9  }
0x176: {  	v7, _, _ =	vpop (xrf2)  }
0x177: {  	v10 =	vbroadcast v7, $0xF;
	_ =	sdelay $0x1  }
0x178: {  	v10 =	vsub.f32 v10, v7;
	_ =	sdelay $0x1  }
0x179: {  	v10 =	vadd.f32 s17, v10;
	_ =	sdelay $0x1  }
0x17a: {  	v8 =	vbroadcast v8, $0xF;
	v9 =	vadd.f32 v10, v9;
	_ =	sdelay $0x1  }
0x17b: {  	vm1 =	vge.f32 v9, v8  }
0x17c: {  	v8 =	vnsel vm1, $0x7FFFFFFF, v4  }
0x17d: {  	(xrf0) =	vmax.scan.msk.u32 $0xffff, v8;
	_ =	sdelay $0x5  }
0x17e: {  	v8, _, _ =	vpop (xrf0)  }
0x17f: {  	(v2sf) =	vpush v8, $0xF;
	_ =	sdelay $0xd  }
0x180: {  	s20 =	simm.s32 $0x0  }
0x181: {  	[tilespmem:s0+$0xFFFFFFD0] =	vst v1;
	s31 =	sand.u32 $0x7FE0, s20;
	s30 =	spop (v2sf)  }
0x182: {  	v10 =	vld [tilespmem:s31+$0x80];
	s18 =	sxor.u32 $0x80000000, s30  }
0x183: {  	s21 =	simm.s32 $0x50;
	s0 =	sadd.s32 s19, s18  }
0x184: {  	s22 =	simm.s32 $0x0;
	s23 =	simm.s32 $0xF0;
	s24 =	simm.s32 $0x0;
	v9 =	vld [tilespmem:s21+$0xFFFFFFB0];
	v8 =	vmov s0  }
.LBB2_18:
0x185: {  	v11 =	vld [tilespmem:s23+$0xFFFFFFB0]  }
0x186: {  	v12 =	vld [tilespmem:s21+$0xFFFFFFC0]  }
0x187: {  	v13 =	vld [tilespmem:s21+$0xFFFFFFD0];
	v14 =	vshrl.u32 v10, $0x14;
	v15 =	vshrl.u32 v10, $0xA  }
0x188: {  	v16 =	vld [tilespmem:s21+$0xFFFFFFE0];
	vm1 =	veq.s32 v14, v8;
	v14 =	vand.u32 $0x3FF, v15  }
0x189: {  	v17 =	vshrl.u32 v9, $0xA;
	v15 =	vshrl.u32 v9, $0x14;
	v18 =	vld [tilespmem:s21+$0xFFFFFFF0];
	v14 =	vor.u32 v5, v14  }
0x18a: {  	vm3 =	veq.s32 v15, v8;
	v15 =	vand.u32 $0x3FF, v17;
	v17 =	vld [tilespmem:s21+$0x0]  }
0x18b: {  	v15 =	vor.u32 v5, v15;
	v19 =	vshrl.u32 v12, $0x14;
	v20 =	vshrl.u32 v12, $0xA;
	v21 =	vld [tilespmem:s21+$0x10]  }
0x18c: {  	vm2 =	veq.s32 v19, v8;
	v19 =	vand.u32 $0x3FF, v20;
	v20 =	vld [tilespmem:s21+$0x20]  }
0x18d: {  	s19 =	simm.s32 $0x4F00;
	v22 =	vshrl.u32 v13, $0x14;
	v23 =	vshrl.u32 v13, $0xA;
	v19 =	vor.u32 v5, v19;
	v24 =	vld [tilespmem:s21+$0x40];
	s21 =	smov.u32 s23  }
0x18e: {  	vm4 =	veq.s32 v22, v8;
	v22 =	vand.u32 $0x3FF, v23;
	[tilespmem:v14+s19+$0x0] =	vst.idx.add.f32.msk vm1, v3  }
0x18f: {  	v23 =	vshrl.u32 v16, $0x14;
	v25 =	vshrl.u32 v16, $0xA;
	v22 =	vor.u32 v5, v22;
	[tilespmem:v14+s12+$0x0] =	vst.idx.add.f32.msk vm1, v10  }
0x190: {  	vm1 =	veq.s32 v23, v8;
	v10 =	vand.u32 $0x3FF, v25;
	[tilespmem:v15+s19+$0x0] =	vst.idx.add.f32.msk vm3, v3  }
0x191: {  	v14 =	vshrl.u32 v18, $0x14;
	v10 =	vor.u32 v5, v10;
	[tilespmem:v15+s12+$0x0] =	vst.idx.add.f32.msk vm3, v9;
	v15 =	vshrl.u32 v18, $0xA;
	v9 =	vmovc v11  }
0x192: {  	vm3 =	veq.s32 v14, v8;
	[tilespmem:v19+s19+$0x0] =	vst.idx.add.f32.msk vm2, v3;
	v11 =	vand.u32 $0x3FF, v15  }
0x193: {  	v14 =	vshrl.u32 v17, $0xA;
	[tilespmem:v19+s12+$0x0] =	vst.idx.add.f32.msk vm2, v12;
	v11 =	vor.u32 v5, v11;
	v12 =	vshrl.u32 v17, $0x14  }
0x194: {  	[tilespmem:v22+s19+$0x0] =	vst.idx.add.f32.msk vm4, v3;
	vm2 =	veq.s32 v12, v8;
	v12 =	vand.u32 $0x3FF, v14  }
0x195: {  	v14 =	vshrl.u32 v21, $0xA;
	[tilespmem:v22+s12+$0x0] =	vst.idx.add.f32.msk vm4, v13;
	v12 =	vor.u32 v5, v12;
	v13 =	vshrl.u32 v21, $0x14  }
0x196: {  	[tilespmem:v10+s19+$0x0] =	vst.idx.add.f32.msk vm1, v3;
	vm4 =	veq.s32 v13, v8;
	v13 =	vand.u32 $0x3FF, v14  }
0x197: {  	v14 =	vshrl.u32 v20, $0xA;
	[tilespmem:v10+s12+$0x0] =	vst.idx.add.f32.msk vm1, v16;
	v10 =	vor.u32 v5, v13;
	v13 =	vshrl.u32 v20, $0x14  }
0x198: {  	[tilespmem:v11+s19+$0x0] =	vst.idx.add.f32.msk vm3, v3;
	vm1 =	veq.s32 v13, v8;
	v13 =	vand.u32 $0x3FF, v14  }
0x199: {  	[tilespmem:v11+s12+$0x0] =	vst.idx.add.f32.msk vm3, v18;
	v11 =	vor.u32 v5, v13  }
0x19a: {  	v14 =	vshrl.u32 v24, $0xA;
	v13 =	vshrl.u32 v24, $0x14;
	[tilespmem:v12+s19+$0x0] =	vst.idx.add.f32.msk vm2, v3  }
0x19b: {  	[tilespmem:v12+s12+$0x0] =	vst.idx.add.f32.msk vm2, v17;
	vm2 =	veq.s32 v13, v8;
	v12 =	vand.u32 $0x3FF, v14  }
0x19c: {  	s22 =	sadd.s32 $0xA, s22;
	[tilespmem:v10+s19+$0x0] =	vst.idx.add.f32.msk vm4, v3;
	v12 =	vor.u32 v5, v12  }
0x19d: {  	p0 =	slt.u32 s22, $0x4D8;
	[tilespmem:v10+s12+$0x0] =	vst.idx.add.f32.msk vm4, v21  }
.Ltmp8:
0x19e: {  	s24 =	sadd.s32 $0xA0, s24;
	[tilespmem:v11+s19+$0x0] =	vst.idx.add.f32.msk vm1, v3;
	(pc) =	sbr.rel @p0 .LBB2_18-.Ltmp8, $4  }
0x19f: {  	s0 =	sand.u32 $0x7FE0, s24;
	[tilespmem:v11+s12+$0x0] =	vst.idx.add.f32.msk vm1, v20  }
0x1a0: {  	v10 =	vld [tilespmem:s0+$0x80]  }
0x1a1: {  	[tilespmem:v12+s19+$0x0] =	vst.idx.add.f32.msk vm2, v3  }
0x1a2: {  	s23 =	sadd.s32 $0xA0, s23;
	[tilespmem:v12+s12+$0x0] =	vst.idx.add.f32.msk vm2, v24  }
0x1a3: {  	_ = 	snop  }
0x1a4: {  	v11 =	vld [tilespmem:s21+$0xFFFFFFC0]  }
0x1a5: {  	v12 =	vld [tilespmem:s21+$0xFFFFFFD0];
	v13 =	vshrl.u32 v10, $0x14;
	v14 =	vshrl.u32 v10, $0xA  }
0x1a6: {  	v15 =	vld [tilespmem:s21+$0xFFFFFFE0];
	vm1 =	veq.s32 v13, v8;
	v13 =	vand.u32 $0x3FF, v14  }
0x1a7: {  	v16 =	vshrl.u32 v9, $0xA;
	v17 =	vld [tilespmem:s21+$0xFFFFFFF0];
	v14 =	vshrl.u32 v9, $0x14;
	v13 =	vor.u32 v5, v13  }
0x1a8: {  	v59 =	vld [tilespmem:s21+$0x0];
	vm2 =	veq.s32 v14, v8;
	v14 =	vand.u32 $0x3FF, v16  }
0x1a9: {  	v20 =	vld [tilespmem:s21+$0x10];
	v14 =	vor.u32 v5, v14;
	v18 =	vshrl.u32 v11, $0x14;
	v19 =	vshrl.u32 v11, $0xA  }
0x1aa: {  	v61 =	vld [tilespmem:s21+$0x20];
	vm3 =	veq.s32 v18, v8;
	v60 =	vand.u32 $0x3FF, v19  }
0x1ab: {  	v23 =	vld [tilespmem:s21+$0x40];
	v21 =	vshrl.u32 v12, $0x14;
	v22 =	vshrl.u32 v12, $0xA;
	v18 =	vor.u32 v5, v60  }
0x1ac: {  	vm4 =	veq.s32 v21, v8;
	v62 =	vand.u32 $0x3FF, v22;
	[tilespmem:v13+s19+$0x0] =	vst.idx.add.f32.msk vm1, v3  }
0x1ad: {  	v63 =	vshrl.u32 v15, $0x14;
	v24 =	vshrl.u32 v15, $0xA;
	v21 =	vor.u32 v5, v62;
	[tilespmem:v13+s12+$0x0] =	vst.idx.add.f32.msk vm1, v10  }
0x1ae: {  	[tilespmem:v14+s19+$0x0] =	vst.idx.add.f32.msk vm2, v3;
	vm1 =	veq.s32 v63, v8;
	v10 =	vand.u32 $0x3FF, v24  }
0x1af: {  	v13 =	vshrl.u32 v17, $0xA;
	[tilespmem:v14+s12+$0x0] =	vst.idx.add.f32.msk vm2, v9;
	v9 =	vor.u32 v5, v10;
	v10 =	vshrl.u32 v17, $0x14  }
0x1b0: {  	[tilespmem:v18+s19+$0x0] =	vst.idx.add.f32.msk vm3, v3;
	vm2 =	veq.s32 v10, v8;
	v10 =	vand.u32 $0x3FF, v13  }
0x1b1: {  	v13 =	vshrl.u32 v59, $0xA;
	[tilespmem:v18+s12+$0x0] =	vst.idx.add.f32.msk vm3, v11;
	v10 =	vor.u32 v5, v10;
	v11 =	vshrl.u32 v59, $0x14  }
0x1b2: {  	[tilespmem:v21+s19+$0x0] =	vst.idx.add.f32.msk vm4, v3;
	vm3 =	veq.s32 v11, v8;
	v11 =	vand.u32 $0x3FF, v13  }
0x1b3: {  	[tilespmem:v21+s12+$0x0] =	vst.idx.add.f32.msk vm4, v12;
	v12 =	vshrl.u32 v20, $0x14;
	v13 =	vshrl.u32 v20, $0xA;
	v11 =	vor.u32 v5, v11  }
0x1b4: {  	vm15 =	veq.s32 v12, v8;
	v12 =	vand.u32 $0x3FF, v13;
	[tilespmem:v9+s19+$0x0] =	vst.idx.add.f32.msk vm1, v3  }
0x1b5: {  	v13 =	vshrl.u32 v61, $0xA;
	[tilespmem:v9+s12+$0x0] =	vst.idx.add.f32.msk vm1, v15;
	v9 =	vor.u32 v5, v12;
	v12 =	vshrl.u32 v61, $0x14  }
0x1b6: {  	[tilespmem:v10+s19+$0x0] =	vst.idx.add.f32.msk vm2, v3;
	vm1 =	veq.s32 v12, v8;
	v12 =	vand.u32 $0x3FF, v13  }
0x1b7: {  	v13 =	vshrl.u32 v23, $0xA;
	[tilespmem:v10+s12+$0x0] =	vst.idx.add.f32.msk vm2, v17;
	v10 =	vor.u32 v5, v12;
	v12 =	vshrl.u32 v23, $0x14  }
0x1b8: {  	[tilespmem:v11+s19+$0x0] =	vst.idx.add.f32.msk vm3, v3;
	vm2 =	veq.s32 v12, v8;
	v8 =	vand.u32 $0x3FF, v13  }
0x1b9: {  	[tilespmem:v11+s12+$0x0] =	vst.idx.add.f32.msk vm3, v59;
	v8 =	vor.u32 v5, v8  }
0x1ba: {  	[tilespmem:v9+s19+$0x0] =	vst.idx.add.f32.msk vm15, v3  }
0x1bb: {  	[tilespmem:v9+s12+$0x0] =	vst.idx.add.f32.msk vm15, v20  }
0x1bc: {  	[tilespmem:v10+s19+$0x0] =	vst.idx.add.f32.msk vm1, v3  }
0x1bd: {  	[tilespmem:v10+s12+$0x0] =	vst.idx.add.f32.msk vm1, v61  }
0x1be: {  	[tilespmem:v8+s19+$0x0] =	vst.idx.add.f32.msk vm2, v3  }
0x1bf: {  	[tilespmem:v8+s12+$0x0] =	vst.idx.add.f32.msk vm2, v23  }
0x1c0: {  	s0 =	sand.u32 $0x3E0, s20;
	v8 =	vld [tilespmem:s19+$0x0]  }
0x1c1: {  	v9 =	vld [tilespmem:s0+$0x5300]  }
0x1c2: {  	v10 =	vld [tilespmem:s19+$0x10]  }
0x1c3: {  	v11 =	vld [tilespmem:s0+$0x5700]  }
0x1c4: {  	v12 =	vld [tilespmem:s19+$0x410]  }
0x1c5: {  	v13 =	vld [tilespmem:s0+$0x5B00]  }
0x1c6: {  	v14 =	vld [tilespmem:s19+$0x810];
	v8 =	vadd.f32 v9, v8  }
0x1c7: {  	v9 =	vld [tilespmem:s0+$0x5F00]  }
0x1c8: {  	v15 =	vld [tilespmem:s19+$0xC10];
	v8 =	vadd.f32 v11, v8  }
0x1c9: {  	v10 =	vadd.f32 v12, v10;
	v11 =	vld [tilespmem:s0+$0x6300]  }
0x1ca: {  	v12 =	vld [tilespmem:s19+$0x1010];
	v8 =	vadd.f32 v13, v8  }
0x1cb: {  	v10 =	vadd.f32 v14, v10;
	v13 =	vld [tilespmem:s0+$0x6700]  }
0x1cc: {  	v14 =	vld [tilespmem:s19+$0x1410];
	v8 =	vadd.f32 v9, v8  }
0x1cd: {  	v10 =	vadd.f32 v15, v10;
	v9 =	vld [tilespmem:s0+$0x6B00]  }
0x1ce: {  	v15 =	vld [tilespmem:s19+$0x1810];
	v8 =	vadd.f32 v11, v8  }
0x1cf: {  	v10 =	vadd.f32 v12, v10;
	v11 =	vld [tilespmem:s0+$0x6F00]  }
0x1d0: {  	v12 =	vld [tilespmem:s19+$0x1C10];
	v8 =	vadd.f32 v13, v8  }
0x1d1: {  	v10 =	vadd.f32 v14, v10;
	v13 =	vld [tilespmem:s0+$0x7300]  }
0x1d2: {  	v14 =	vld [tilespmem:s19+$0x2010];
	v8 =	vadd.f32 v9, v8  }
0x1d3: {  	v10 =	vadd.f32 v15, v10;
	v9 =	vld [tilespmem:s0+$0x7700]  }
0x1d4: {  	v15 =	vld [tilespmem:s19+$0x2410];
	v8 =	vadd.f32 v11, v8  }
0x1d5: {  	v10 =	vadd.f32 v12, v10;
	v11 =	vld [tilespmem:s0+$0x7B00]  }
0x1d6: {  	v12 =	vld [tilespmem:s19+$0x2810];
	v8 =	vadd.f32 v13, v8  }
0x1d7: {  	v10 =	vadd.f32 v14, v10;
	v13 =	vld [tilespmem:s0+$0x7F00]  }
0x1d8: {  	v14 =	vld [tilespmem:s19+$0x2C10];
	v8 =	vadd.f32 v9, v8  }
0x1d9: {  	v16 =	vld [tilespmem:s0+$0x8300];
	v9 =	vadd.f32 v15, v10  }
0x1da: {  	v15 =	vld [tilespmem:s19+$0x3010];
	v11 =	vadd.f32 v11, v8  }
0x1db: {  	v8 =	vld [tilespmem:s0+$0x8700];
	v12 =	vadd.f32 v12, v9  }
0x1dc: {  	v10 =	vld [tilespmem:s19+$0x3410];
	v11 =	vadd.f32 v13, v11  }
0x1dd: {  	v9 =	vld [tilespmem:s0+$0x8B00];
	v14 =	vadd.f32 v14, v12  }
0x1de: {  	v12 =	vld [tilespmem:s19+$0x3810];
	v13 =	vadd.f32 v16, v11  }
0x1df: {  	s20 =	simm.s32 $0x0;
	s21 =	simm.s32 $0x20;
	s22 =	simm.s32 $0x4F20;
	v14 =	vadd.f32 v15, v14;
	v11 =	vld [tilespmem:s19+$0x3C10]  }
.LBB2_20:
0x1e0: {  	v15 =	vld [tilespmem:s22+$0x0];
	s0 =	sand.u32 $0x3E0, s21;
	s20 =	sadd.s32 $0x2, s20;
	v8 =	vadd.f32 v8, v13  }
0x1e1: {  	v13 =	vld [tilespmem:s0+$0x5300];
	p1 =	slt.u32 s20, $0x3E;
	v10 =	vadd.f32 v10, v14  }
0x1e2: {  	v14 =	vld [tilespmem:s22+$0x10];
	v8 =	vadd.f32 v9, v8  }
0x1e3: {  	v9 =	vld [tilespmem:s0+$0x5700];
	v10 =	vadd.f32 v12, v10  }
0x1e4: {  	v12 =	vld [tilespmem:s22+$0x410];
	[tilespmem:s19+$0x0] =	vst v8  }
0x1e5: {  	v8 =	vld [tilespmem:s0+$0x5B00];
	v10 =	vadd.f32 v11, v10  }
0x1e6: {  	v11 =	vadd.f32 v13, v15;
	v13 =	vld [tilespmem:s22+$0x810]  }
0x1e7: {  	v15 =	vld [tilespmem:s0+$0x5F00];
	[tilespmem:s19+$0x10] =	vst v10;
	s19 =	smov.u32 s22  }
0x1e8: {  	v9 =	vadd.f32 v9, v11;
	v10 =	vld [tilespmem:s22+$0xC10]  }
0x1e9: {  	v11 =	vld [tilespmem:s0+$0x6300];
	v12 =	vadd.f32 v12, v14  }
0x1ea: {  	v8 =	vadd.f32 v8, v9;
	v9 =	vld [tilespmem:s22+$0x1010]  }
0x1eb: {  	v14 =	vld [tilespmem:s0+$0x6700];
	v12 =	vadd.f32 v13, v12  }
0x1ec: {  	v8 =	vadd.f32 v15, v8;
	v13 =	vld [tilespmem:s22+$0x1410]  }
0x1ed: {  	v15 =	vld [tilespmem:s0+$0x6B00];
	v10 =	vadd.f32 v10, v12  }
0x1ee: {  	v8 =	vadd.f32 v11, v8;
	v11 =	vld [tilespmem:s22+$0x1810]  }
0x1ef: {  	v12 =	vld [tilespmem:s0+$0x6F00];
	v9 =	vadd.f32 v9, v10  }
0x1f0: {  	v8 =	vadd.f32 v14, v8;
	v10 =	vld [tilespmem:s22+$0x1C10]  }
0x1f1: {  	v14 =	vld [tilespmem:s0+$0x7300];
	v9 =	vadd.f32 v13, v9  }
0x1f2: {  	v8 =	vadd.f32 v15, v8;
	v13 =	vld [tilespmem:s22+$0x2010]  }
0x1f3: {  	v15 =	vld [tilespmem:s0+$0x7700];
	v9 =	vadd.f32 v11, v9  }
0x1f4: {  	v8 =	vadd.f32 v12, v8;
	v11 =	vld [tilespmem:s22+$0x2410]  }
0x1f5: {  	v12 =	vld [tilespmem:s0+$0x7B00];
	v9 =	vadd.f32 v10, v9  }
0x1f6: {  	v8 =	vadd.f32 v14, v8;
	v10 =	vld [tilespmem:s22+$0x2810]  }
0x1f7: {  	v14 =	vld [tilespmem:s0+$0x7F00];
	v9 =	vadd.f32 v13, v9  }
0x1f8: {  	v8 =	vadd.f32 v15, v8;
	v13 =	vld [tilespmem:s22+$0x2C10]  }
0x1f9: {  	v15 =	vld [tilespmem:s0+$0x8300];
	v9 =	vadd.f32 v11, v9  }
0x1fa: {  	v11 =	vadd.f32 v12, v8;
	v16 =	vld [tilespmem:s22+$0x3010]  }
.Ltmp9:
0x1fb: {  	v8 =	vld [tilespmem:s0+$0x8700];
	v12 =	vadd.f32 v10, v9;
	(pc) =	sbr.rel @p1 .LBB2_20-.Ltmp9, $4  }
0x1fc: {  	v11 =	vadd.f32 v14, v11;
	v10 =	vld [tilespmem:s22+$0x3410]  }
0x1fd: {  	v9 =	vld [tilespmem:s0+$0x8B00];
	v14 =	vadd.f32 v13, v12  }
0x1fe: {  	v13 =	vadd.f32 v15, v11;
	v12 =	vld [tilespmem:s22+$0x3810]  }
0x1ff: {  	s21 =	sadd.s32 $0x20, s21;
	s22 =	sadd.s32 $0x20, s22;
	v14 =	vadd.f32 v16, v14;
	v11 =	vld [tilespmem:s19+$0x3C10]  }
0x200: {  	_ = 	snop  }
0x201: {  	v10 =	vadd.f32 v10, v14  }
0x202: {  	v8 =	vadd.f32 v8, v13  }
0x203: {  	v10 =	vadd.f32 v12, v10  }
0x204: {  	v8 =	vadd.f32 v9, v8  }
0x205: {  	v9 =	vadd.f32 v11, v10  }
0x206: {  	[tilespmem:s19+$0x0] =	vst v8  }
0x207: {  	s0 =	simm.s32 $0x0;
	s20 =	simm.s32 $0xCF00;
	[tilespmem:s19+$0x10] =	vst v9  }
0x208: {  	s0 =	sand.u32 $0x3E0, s0;
	v8 =	vld [tilespmem:s20+$0x0]  }
0x209: {  	v9 =	vld [tilespmem:s0+$0xD300]  }
0x20a: {  	v10 =	vld [tilespmem:s20+$0x10]  }
0x20b: {  	v11 =	vld [tilespmem:s0+$0xD700]  }
0x20c: {  	v12 =	vld [tilespmem:s20+$0x410]  }
0x20d: {  	v13 =	vld [tilespmem:s0+$0xDB00]  }
0x20e: {  	v14 =	vld [tilespmem:s20+$0x810];
	v8 =	vadd.f32 v9, v8  }
0x20f: {  	v9 =	vld [tilespmem:s0+$0xDF00]  }
0x210: {  	v15 =	vld [tilespmem:s20+$0xC10];
	v8 =	vadd.f32 v11, v8  }
0x211: {  	v10 =	vadd.f32 v12, v10;
	v11 =	vld [tilespmem:s0+$0xE300]  }
0x212: {  	v12 =	vld [tilespmem:s20+$0x1010];
	v8 =	vadd.f32 v13, v8  }
0x213: {  	v10 =	vadd.f32 v14, v10;
	v13 =	vld [tilespmem:s0+$0xE700]  }
0x214: {  	v14 =	vld [tilespmem:s20+$0x1410];
	v8 =	vadd.f32 v9, v8  }
0x215: {  	v10 =	vadd.f32 v15, v10;
	v9 =	vld [tilespmem:s0+$0xEB00]  }
0x216: {  	v15 =	vld [tilespmem:s20+$0x1810];
	v8 =	vadd.f32 v11, v8  }
0x217: {  	v10 =	vadd.f32 v12, v10;
	v11 =	vld [tilespmem:s0+$0xEF00]  }
0x218: {  	v12 =	vld [tilespmem:s20+$0x1C10];
	v8 =	vadd.f32 v13, v8  }
0x219: {  	v10 =	vadd.f32 v14, v10;
	v13 =	vld [tilespmem:s0+$0xF300]  }
0x21a: {  	v14 =	vld [tilespmem:s20+$0x2010];
	v8 =	vadd.f32 v9, v8  }
0x21b: {  	v10 =	vadd.f32 v15, v10;
	v9 =	vld [tilespmem:s0+$0xF700]  }
0x21c: {  	v15 =	vld [tilespmem:s20+$0x2410];
	v8 =	vadd.f32 v11, v8  }
0x21d: {  	v10 =	vadd.f32 v12, v10;
	v11 =	vld [tilespmem:s0+$0xFB00]  }
0x21e: {  	v12 =	vld [tilespmem:s20+$0x2810];
	v8 =	vadd.f32 v13, v8  }
0x21f: {  	v10 =	vadd.f32 v14, v10;
	v13 =	vld [tilespmem:s0+$0xFF00]  }
0x220: {  	v14 =	vld [tilespmem:s20+$0x2C10];
	v8 =	vadd.f32 v9, v8  }
0x221: {  	v16 =	vld [tilespmem:s0+$0x10300];
	v9 =	vadd.f32 v15, v10  }
0x222: {  	v15 =	vld [tilespmem:s20+$0x3010];
	v11 =	vadd.f32 v11, v8  }
0x223: {  	v8 =	vld [tilespmem:s0+$0x10700];
	v12 =	vadd.f32 v12, v9  }
0x224: {  	v10 =	vld [tilespmem:s20+$0x3410];
	v11 =	vadd.f32 v13, v11  }
0x225: {  	v9 =	vld [tilespmem:s0+$0x10B00];
	v14 =	vadd.f32 v14, v12  }
0x226: {  	v12 =	vld [tilespmem:s20+$0x3810];
	v13 =	vadd.f32 v16, v11  }
0x227: {  	s21 =	simm.s32 $0x20;
	s22 =	simm.s32 $0xCF20;
	s19 =	simm.s32 $0x0;
	v14 =	vadd.f32 v15, v14;
	v11 =	vld [tilespmem:s20+$0x3C10]  }
.LBB2_22:
0x228: {  	v15 =	vld [tilespmem:s22+$0x0];
	s0 =	sand.u32 $0x3E0, s21;
	s19 =	sadd.s32 $0x2, s19;
	v8 =	vadd.f32 v8, v13  }
0x229: {  	v13 =	vld [tilespmem:s0+$0xD300];
	p1 =	slt.u32 s19, $0x3E;
	v10 =	vadd.f32 v10, v14  }
0x22a: {  	v14 =	vld [tilespmem:s22+$0x10];
	v8 =	vadd.f32 v9, v8  }
0x22b: {  	v9 =	vld [tilespmem:s0+$0xD700];
	v10 =	vadd.f32 v12, v10  }
0x22c: {  	v12 =	vld [tilespmem:s22+$0x410];
	[tilespmem:s20+$0x0] =	vst v8  }
0x22d: {  	v8 =	vld [tilespmem:s0+$0xDB00];
	v10 =	vadd.f32 v11, v10  }
0x22e: {  	v11 =	vadd.f32 v13, v15;
	v13 =	vld [tilespmem:s22+$0x810]  }
0x22f: {  	v15 =	vld [tilespmem:s0+$0xDF00];
	[tilespmem:s20+$0x10] =	vst v10;
	s20 =	smov.u32 s22  }
0x230: {  	v9 =	vadd.f32 v9, v11;
	v10 =	vld [tilespmem:s22+$0xC10]  }
0x231: {  	v11 =	vld [tilespmem:s0+$0xE300];
	v12 =	vadd.f32 v12, v14  }
0x232: {  	v8 =	vadd.f32 v8, v9;
	v9 =	vld [tilespmem:s22+$0x1010]  }
0x233: {  	v14 =	vld [tilespmem:s0+$0xE700];
	v12 =	vadd.f32 v13, v12  }
0x234: {  	v8 =	vadd.f32 v15, v8;
	v13 =	vld [tilespmem:s22+$0x1410]  }
0x235: {  	v15 =	vld [tilespmem:s0+$0xEB00];
	v10 =	vadd.f32 v10, v12  }
0x236: {  	v8 =	vadd.f32 v11, v8;
	v11 =	vld [tilespmem:s22+$0x1810]  }
0x237: {  	v12 =	vld [tilespmem:s0+$0xEF00];
	v9 =	vadd.f32 v9, v10  }
0x238: {  	v8 =	vadd.f32 v14, v8;
	v10 =	vld [tilespmem:s22+$0x1C10]  }
0x239: {  	v14 =	vld [tilespmem:s0+$0xF300];
	v9 =	vadd.f32 v13, v9  }
0x23a: {  	v8 =	vadd.f32 v15, v8;
	v13 =	vld [tilespmem:s22+$0x2010]  }
0x23b: {  	v15 =	vld [tilespmem:s0+$0xF700];
	v9 =	vadd.f32 v11, v9  }
0x23c: {  	v8 =	vadd.f32 v12, v8;
	v11 =	vld [tilespmem:s22+$0x2410]  }
0x23d: {  	v12 =	vld [tilespmem:s0+$0xFB00];
	v9 =	vadd.f32 v10, v9  }
0x23e: {  	v8 =	vadd.f32 v14, v8;
	v10 =	vld [tilespmem:s22+$0x2810]  }
0x23f: {  	v14 =	vld [tilespmem:s0+$0xFF00];
	v9 =	vadd.f32 v13, v9  }
0x240: {  	v8 =	vadd.f32 v15, v8;
	v13 =	vld [tilespmem:s22+$0x2C10]  }
0x241: {  	v15 =	vld [tilespmem:s0+$0x10300];
	v9 =	vadd.f32 v11, v9  }
0x242: {  	v11 =	vadd.f32 v12, v8;
	v16 =	vld [tilespmem:s22+$0x3010]  }
.Ltmp10:
0x243: {  	v8 =	vld [tilespmem:s0+$0x10700];
	v12 =	vadd.f32 v10, v9;
	(pc) =	sbr.rel @p1 .LBB2_22-.Ltmp10, $4  }
0x244: {  	v11 =	vadd.f32 v14, v11;
	v10 =	vld [tilespmem:s22+$0x3410]  }
0x245: {  	v9 =	vld [tilespmem:s0+$0x10B00];
	v14 =	vadd.f32 v13, v12  }
0x246: {  	v13 =	vadd.f32 v15, v11;
	v12 =	vld [tilespmem:s22+$0x3810]  }
0x247: {  	s21 =	sadd.s32 $0x20, s21;
	s22 =	sadd.s32 $0x20, s22;
	v14 =	vadd.f32 v16, v14;
	v11 =	vld [tilespmem:s20+$0x3C10]  }
0x248: {  	_ = 	snop  }
0x249: {  	v10 =	vadd.f32 v10, v14  }
0x24a: {  	v8 =	vadd.f32 v8, v13  }
0x24b: {  	v10 =	vadd.f32 v12, v10  }
0x24c: {  	v8 =	vadd.f32 v9, v8  }
0x24d: {  	v9 =	vadd.f32 v11, v10  }
0x24e: {  	[tilespmem:s20+$0x0] =	vst v8  }
0x24f: {  	s0 =	simm.s32 $0x52F0;
	v8 =	vmov s18;
	[tilespmem:s20+$0x10] =	vst v9  }
0x250: {  	vm1 =	veq.s32 v8, v0;
	v8 =	vld [tilespmem:s0+$0x0];
	_ =	sdelay $0x2  }
0x251: {  	v9 =	vnsel vm1, $0x0, v7  }
0x252: {  	(xrf2) =	vadd.scan.msk.f32 $0xffff, v9  }
0x253: {  	s19 =	simm.s32 $0x52E0;
	(xrf2) =	vadd.scan.msk.f32 $0xffff, v8  }
0x254: {  	v8 =	vld [tilespmem:s19+$0x0];
	_ =	sdelay $0x4  }
0x255: {  	(xrf2) =	vadd.scan.msk.f32 $0xffff, v8;
	_ =	sdelay $0x2  }
0x256: {  	(v2sf) =	vpush v7, $0xF;
	v7, _, _ =	vpop (xrf2)  }
0x257: {  	s20 =	simm.s32 $0xD2F0;
	(v2sf) =	vpush v7, $0xF;
	v7, _, _ =	vpop (xrf2)  }
0x258: {  	(v2sf) =	vpush v7, $0xF;
	v7 =	vld [tilespmem:s20+$0x0];
	_ =	sdelay $0x1  }
0x259: {  	s21 =	simm.s32 $0x52D0  }
0x25a: {  	s22 =	simm.s32 $0xD2E0;
	v8 =	vld [tilespmem:s21+$0x0]  }
0x25b: {  	s23 =	simm.s32 $0x52C0;
	v9 =	vld [tilespmem:s22+$0x0]  }
0x25c: {  	v11 =	vld [tilespmem:s23+$0x0];
	v10, _, _ =	vpop (xrf2);
	(xrf2) =	vadd.scan.msk.f32 $0xffff, v7  }
0x25d: {  	(v2sf) =	vpush v10, $0xF;
	_ =	sdelay $0x1  }
0x25e: {  	(xrf2) =	vadd.scan.msk.f32 $0xffff, v8  }
0x25f: {  	(xrf2) =	vadd.scan.msk.f32 $0xffff, v9  }
0x260: {  	(xrf2) =	vadd.scan.msk.f32 $0xffff, v11;
	_ =	sdelay $0x3  }
0x261: {  	s24 =	spop (v2sf)  }
0x262: {  	s26 =	simm.s32 $0xD2D0;
	s0 =	sadd.f32 s24, s17;
	v9, _, _ =	vpop (xrf2)  }
0x263: {  	v7 =	vld [tilespmem:s26+$0x0];
	s1 =	spop (v2sf);
	(v2sf) =	vpush v9, $0xF  }
0x264: {  	s0 =	ssub.f32 s0, s1  }
0x265: {  	s31 =	simm.s32 $0x52B0;
	v9, _, _ =	vpop (xrf2)  }
0x266: {  	s18 =	simm.f32 $0.0e+00;
	s17 =	ssub.f32 s15, s0;
	s25 =	spop (v2sf);
	(v2sf) =	vpush v9, $0xF;
	v9, _, _ =	vpop (xrf2)  }
0x267: {  	p1 =	por $0x0, $0x0;
	v8 =	vld [tilespmem:s31+$0x0];
	s21 =	sadd.f32 s25, s18;
	(v2sf) =	vpush v9, $0xF;
	v9, _, _ =	vpop (xrf2)  }
0x268: {  	s28 =	simm.s32 $0x3E;
	s29 =	simm.s32 $0x3D;
	(xrf2) =	vadd.scan.msk.f32 $0xffff, v7;
	s2 =	spop (v2sf);
	(v2sf) =	vpush v9, $0xF  }
0x269: {  	s30 =	simm.s32 $0x39;
	p0 =	por !p1, !p1;
	p2 =	sge.f32 s21, s17  }
0x26a: {  	s22 =	simm.s32 $0x0;
	s23 =	simm.s32 $0x3B;
	s0 =	simm.s32 $0xD2C0  }
0x26b: {  	s19 =	simm.f32 $0.0e+00;
	s24 =	simm.s32 $0x3C;
	v7 =	vld [tilespmem:s0+$0x0];
	p0 =	por !p2, !p0  }
0x26c: {  	s20 =	simm.f32 $0.0e+00;
	s1 =	simm.s32 $0x3F;
	(xrf2) =	vadd.scan.msk.f32 $0xffff, v8;
	p3 =	por !p0, !p0  }
0x26d: {  	s25 =	simm.s32 $0x3A;
	s22 =	smov.u32 @p3 s1;
	s1 =	simm.s32 $0x52A0  }
0x26e: {  	s26 =	sadd.f32 s2, s21;
	s19 =	smov.u32 @p3 s19;
	s20 =	smov.u32 @p3 s20;
	v8 =	vld [tilespmem:s1+$0x0]  }
.LBB2_24:
0x26f: {  	p3 =	sne.s32 s30, $0x0;
	s2 =	smov.u32 s24;
	s24 =	smov.u32 s23  }
0x270: {  	(xrf2) =	vadd.scan.msk.f32 $0xffff, v7;
	s23 =	smov.u32 s25;
	s25 =	smov.u32 s30;
	s31 =	smov.u32 s21  }
0x271: {  	p1 =	por p1, p2;
	p2 =	sge.f32 s26, s17;
	s21 =	smov.u32 s26  }
0x272: {  	s0 =	sadd.s32 $0xFFFFFFF0, s0;
	p0 =	por !p1, !p1;
	v9, _, _ =	vpop (xrf2);
	s7 =	spop (v2sf)  }
.Ltmp11:
0x273: {  	v7 =	vld [tilespmem:s0+$0x0];
	(v2sf) =	vpush v9, $0xF;
	p0 =	por !p2, !p0;
	s18 =	sadd.f32 s7, s18;
	(pc) =	sbr.rel @p3 .LBB2_24-.Ltmp11, $4  }
0x274: {  	(xrf2) =	vadd.scan.msk.f32 $0xffff, v8;
	p0 =	por !p0, !p0  }
0x275: {  	s22 =	smov.u32 @p0 s28;
	s19 =	smov.u32 @p0 s18;
	s28 =	smov.u32 s29  }
0x276: {  	s1 =	sadd.s32 $0xFFFFFFF0, s1;
	s20 =	smov.u32 @p0 s31;
	v9, _, _ =	vpop (xrf2);
	s7 =	spop (v2sf)  }
0x277: {  	s30 =	sadd.s32 $0xFFFFFFFF, s30;
	s29 =	smov.u32 s2;
	v8 =	vld [tilespmem:s1+$0x0];
	(v2sf) =	vpush v9, $0xF;
	s26 =	sadd.f32 s7, s26  }
0x278: {  	_ =	sdelay $0x2  }
0x279: {  	(xrf2) =	vadd.scan.msk.f32 $0xffff, v7  }
0x27a: {  	(xrf2) =	vadd.scan.msk.f32 $0xffff, v8;
	_ =	sdelay $0x6  }
0x27b: {  	v7, _, _ =	vpop (xrf2)  }
0x27c: {  	(v2sf) =	vpush v7, $0xF;
	v7, _, _ =	vpop (xrf2)  }
0x27d: {  	(v2sf) =	vpush v7, $0xF;
	v7, _, _ =	vpop (xrf2)  }
0x27e: {  	(v2sf) =	vpush v7, $0xF;
	v7, _, _ =	vpop (xrf2)  }
0x27f: {  	(v2sf) =	vpush v7, $0xF;
	_ =	sdelay $0x6  }
0x280: {  	s30 =	spop (v2sf);
	p2 =	por p1, p2  }
0x281: {  	s0 =	sadd.s32 $0xFFFFFFF0, s0;
	p3 =	sge.f32 s26, s17;
	s1 =	spop (v2sf)  }
0x282: {  	p0 =	por !p2, !p2;
	s2 =	sadd.f32 s1, s26;
	v7 =	vld [tilespmem:s0+$0x0];
	s0 =	sadd.s32 $0xFFFFFFF0, s0  }
0x283: {  	p0 =	por !p3, !p0;
	p5 =	por p2, p3;
	s31 =	spop (v2sf);
	v61 =	vld [tilespmem:s0+$0x0]  }
0x284: {  	p1 =	por !p0, !p0;
	p4 =	sge.f32 s2, s17;
	s7 =	spop (v2sf)  }
0x285: {  	p2 =	por !p5, !p5;
	s7 =	sadd.f32 s7, s2;
	s1 =	spop (v2sf)  }
0x286: {  	s22 =	smov.u32 @p1 s28;
	p2 =	por !p4, !p2;
	s8 =	spop (v2sf)  }
0x287: {  	p0 =	por p5, p4;
	(xrf2) =	vadd.scan.msk.f32 $0xffff, v7;
	s8 =	sadd.f32 s8, s7;
	s0 =	spop (v2sf)  }
0x288: {  	p2 =	por !p2, !p2;
	p3 =	sge.f32 s7, s17;
	(xrf2) =	vadd.scan.msk.f32 $0xffff, v61;
	s28 =	spop (v2sf)  }
0x289: {  	p6 =	por !p0, !p0;
	(xrf2) =	vadd.scan.msk.f32 $0xffff, v6;
	p4 =	sge.f32 s8, s17;
	s28 =	sadd.f32 s28, s8  }
0x28a: {  	s22 =	smov.u32 @p2 s29;
	p0 =	por p0, p3;
	p3 =	por !p3, !p6  }
0x28b: {  	p6 =	por !p0, !p0;
	p0 =	por p0, p4;
	p5 =	sge.f32 s28, s17  }
0x28c: {  	p3 =	por !p3, !p3;
	p4 =	por !p4, !p6;
	p0 =	por !p0, !p0  }
0x28d: {  	s22 =	smov.u32 @p3 s24;
	p0 =	por !p5, !p0;
	p5 =	por !p4, !p4  }
0x28e: {  	s22 =	smov.u32 @p5 s23;
	p4 =	por !p0, !p0  }
0x28f: {  	s22 =	smov.u32 @p4 s25  }
0x290: {  	s22 =	sshll.u32 s22, $0x4  }
0x291: {  	v6, _, _ =	vpop (xrf2);
	v7 =	vld [tilespmem:s22+$0x4F00]  }
0x292: {  	v8, _, _ =	vpop (xrf2)  }
0x293: {  	v9, _, _ =	vpop (xrf2)  }
0x294: {  	v10 =	vnsel vm1, $0x0, v9  }
0x295: {  	(xrf2) =	vadd.scan.msk.f32 $0xffff, v10  }
0x296: {  	(xrf2) =	vadd.scan.msk.f32 $0xffff, v7;
	_ =	sdelay $0x8  }
0x297: {  	v10, _, _ =	vpop (xrf2)  }
0x298: {  	s20 =	smov.u32 @p1 s21;
	v11, _, _ =	vpop (xrf2)  }
0x299: {  	s20 =	smov.u32 @p2 s26;
	v12 =	vld [tilespmem:s22+$0xCF00];
	v13 =	vbroadcast v11, $0xF  }
0x29a: {  	s20 =	smov.u32 @p3 s2  }
0x29b: {  	s20 =	smov.u32 @p5 s7;
	v13 =	vsub.f32 v13, v11  }
0x29c: {  	s20 =	smov.u32 @p4 s8  }
0x29d: {  	v13 =	vadd.f32 s20, v13  }
0x29e: {  	(xrf2) =	vadd.scan.msk.f32 $0xffff, v12  }
0x29f: {  	v13 =	vadd.f32 v13, v7;
	_ =	sdelay $0x1  }
0x2a0: {  	vm1 =	vge.f32 v13, s17  }
0x2a1: {  	v13 =	vnsel vm1, $0x7FFFFFFF, v4  }
0x2a2: {  	(xrf0) =	vmax.scan.msk.u32 $0xffff, v13  }
0x2a3: {  	(v2sf) =	vpush v6, $0xF  }
0x2a4: {  	(v2sf) =	vpush v8, $0xF  }
0x2a5: {  	(v2sf) =	vpush v9, $0xF  }
0x2a6: {  	(v2sf) =	vpush v10, $0xF  }
0x2a7: {  	(v2sf) =	vpush v11, $0xF;
	v6, _, _ =	vpop (xrf2)  }
0x2a8: {  	(v2sf) =	vpush v6, $0xF;
	v62, _, _ =	vpop (xrf0)  }
0x2a9: {  	(v2sf) =	vpush v62, $0xF;
	_ =	sdelay $0x8  }
0x2aa: {  	s22 =	spop (v2sf)  }
0x2ab: {  	s25 =	spop (v2sf)  }
0x2ac: {  	s7 =	spop (v2sf)  }
0x2ad: {  	s26 =	spop (v2sf)  }
0x2ae: {  	s28 =	spop (v2sf)  }
0x2af: {  	s29 =	spop (v2sf)  }
0x2b0: {  	s24 =	spop (v2sf)  }
0x2b1: {  	s23 =	sxor.u32 $0x80000000, s24  }
0x2b2: {  	v63 =	vmov s23  }
0x2b3: {  	vm1 =	veq.s32 v63, v0  }
0x2b4: {  	v8 =	vnsel vm1, $0x0, v11  }
0x2b5: {  	v6 =	vnsel vm1, $0x0, v6;
	(xrf2) =	vadd.scan.msk.f32 $0xffff, v8  }
0x2b6: {  	(xrf2) =	vadd.scan.msk.f32 $0xffff, v6;
	_ =	sdelay $0x1  }
0x2b7: {  	v6 =	vnsel vm1, $0x0, v7  }
0x2b8: {  	(xrf2) =	vadd.scan.msk.f32 $0xffff, v6;
	_ =	sdelay $0x5  }
0x2b9: {  	v6, _, _ =	vpop (xrf2)  }
0x2ba: {  	(v2sf) =	vpush v6, $0xF;
	v6, _, _ =	vpop (xrf2)  }
0x2bb: {  	(v2sf) =	vpush v6, $0xF  }
0x2bc: {  	v6 =	vnsel vm1, $0x0, v12  }
0x2bd: {  	v7, _, _ =	vpop (xrf2);
	(xrf2) =	vadd.scan.msk.f32 $0xffff, v6  }
0x2be: {  	s18 =	sadd.f32 s30, s18;
	v6 =	vadd.f32 $0.0e+00, v7;
	_ =	sdelay $0x1  }
0x2bf: {  	s23 =	sadd.f32 s31, s18;
	v6 =	vbroadcast v6, $0xF;
	_ =	sdelay $0x1  }
0x2c0: {  	s1 =	sadd.f32 s1, s23;
	(erf) = vrcp.f32 v6;
	_ =	sdelay $0x1  }
0x2c1: {  	s19 =	smov.u32 @p1 s18;
	s0 =	sadd.f32 s0, s1  }
0x2c2: {  	s7 =	sadd.f32 s7, s16;
	s19 =	smov.u32 @p2 s23  }
0x2c3: {  	s19 =	smov.u32 @p3 s1;
	s1 =	sadd.f32 s22, s0  }
0x2c4: {  	s25 =	ssub.f32 s7, s26;
	s19 =	smov.u32 @p5 s0;
	v6, _, _ =	vpop (xrf2)  }
0x2c5: {  	s26 =	sadd.f32 s28, s20;
	s19 =	smov.u32 @p4 s1;
	v6 =	vadd.f32 $0.0e+00, v6  }
0x2c6: {  	s29 =	sadd.f32 s29, s19;
	s28 =	spop (v2sf)  }
0x2c7: {  	v6 =	vbroadcast v6, $0xF;
	s30 =	spop (v2sf);
	s1 =	ssub.f32 s26, s28  }
0x2c8: {  	v7 =	vpop (erf);
	s31 =	ssub.f32 s29, s30  }
0x2c9: {  	v6 =	vmul.f32 v7, v6;
	s1 =	ssub.f32 s17, s1;
	_ =	sdelay $0x1  }
0x2ca: {  	s0 =	sadd.f32 s31, s25;
	v6 =	vmul.f32 s1, v6;
	_ =	sdelay $0x1  }
0x2cb: {  	p6 =	sgt.f32 s15, $0.0e+00;
	v6 =	vadd.f32 s0, v6  }
0x2cc: {  	s14 =	sadd.s32 $0x1, s14  }
0x2cd: {  	p0 =	sne.s32 s14, s6;
	v6 =	vpsel !p6, $0x0, v6  }
.Ltmp12:
0x2ce: {  	[tilespmem:$0x14F00] =	vst v6;
	(pc) =	sbr.rel @p0 .LBB2_1-.Ltmp12, $4  }
0x2cf: {  	[hbm4b:s5+s3] =	stream.linear.scatter [tilespmem:s13], [sflag:$0x1], $0x80, $0x38;
	[tilespmem:$0x14F80] =	vst v63  }
0x2d0: {  	_ =	swait.ge [sflag:s9], $0x80  }
0x2d1: {  	[sflag:s9] =	ssyncset.done $0x0  }
0x2d2: {  	[sflag:s9] =	ssyncadd.s32 $0xFFFFFF80  }
0x2d3: {  	_ =	sfence.sel $0x180000  }
0x2d4: {  	[bflag:$0x0] =	sbarrier.arrive $0xFFFF  }
0x2d5: {  	_ =	strace $0x90000047  }
0x2d6: {  	s0 =	stileid.u32;
	[bflag:$0x2] =	sbarrier.arrive $0xFFFF  }
0x2d7: {  	p0 =	sne.s32 s0, $0x0;
	s0 =	rddreg [dreg:$0x2]  }
0x2d8: {  	s0 =	sadd.s32 @!p0 $0x100000, s0  }
0x2d9: {  	[sflag:s0] =	ssyncadd.tile.s32 @!p0 $0x1;
	_ =	shalt  }
.Lfunc_end2:
_tile_overlayer_lowered:
.L_overlay_start_2:
0x2da: {  	(tag) =	ssettag $0x2  }
0x2db: {  	s0 =	rddreg [dreg:$0x0];
	s2 =	stileid.u32  }
0x2dc: {  	s1 =	rddreg [dreg:$0x1];
	p0 =	sne.s32 s2, $0x0  }
0x2dd: {  	s3 =	rddreg [dreg:$0x2];
	[bflag:$0x3] =	sbarrier.arrive $0xFFFF;
	s2 =	simm.s32 @!p0 $0x1C01  }
0x2de: {  	[timem:s3], [sflag:s2] =	dma.local @!p0 [hbm:s0], s1  }
0x2df: {  	s0 =	simm.s32 @!p0 $0x1  }
0x2e0: {  	_ =	swait.ge @!p0 [sflag:s0], s1  }
0x2e1: {  	s1 =	ssub.s32 @!p0 $0x0, s1;
	[sflag:s0] =	ssyncset.done @!p0 $0x0  }
0x2e2: {  	[sflag:s0] =	ssyncadd.s32 @!p0 s1  }
0x2e3: {  	[bflag:$0x3] =	sbarrier.arrive $0xFFFF  }
0x2e4: {  	_ =	shalt  }

</sc_bundles>
